<compile_context>
chip_gen: v7x
topology: tpu7x:2x2x1
jax: 0.10.2.dev20260603
libtpu: 0.0.44.dev20260713+nightly
codegen_flags: <defaults>
</compile_context>

<pallas_src>
import functools

import jax
import jax.numpy as jnp
from jax import lax
from jax.experimental import pallas as pl
from jax.experimental.pallas import tpu as pltpu
from jax.experimental.pallas import tpu_sc as plsc

_NC, _NS = 2, 16
_NW = _NC * _NS


def kernel(x, emb):
    b, s, d = x.shape
    pe = emb[:s]
    rows_w = s // _NW
    ch_rows = 8
    n_ch = rows_w // ch_rows

    mesh = plsc.VectorSubcoreMesh(core_axis_name="c", subcore_axis_name="s")

    scratch = (
        [pltpu.VMEM((ch_rows, d), jnp.float32) for _ in range(2)]
        + [pltpu.VMEM((ch_rows, d), jnp.float32) for _ in range(2 * b)]
        + [pltpu.VMEM((ch_rows, d), jnp.float32) for _ in range(b)]
        + [pltpu.SemaphoreType.DMA for _ in range(2 + 3 * b)]
    )

    @functools.partial(
        pl.kernel,
        out_type=jax.ShapeDtypeStruct((b, s, d), jnp.float32),
        mesh=mesh,
        scratch_types=scratch,
    )
    def sc_add(x_hbm, emb_hbm, out_hbm, *bufs):
        ev = bufs[0:2]
        xv = bufs[2:2 + 2 * b]
        ov = bufs[2 + 2 * b:2 + 3 * b]
        esem = bufs[2 + 3 * b:4 + 3 * b]
        xsem = bufs[4 + 3 * b:4 + 5 * b]
        osem = bufs[4 + 5 * b:4 + 6 * b]

        wid = lax.axis_index("s") * _NC + lax.axis_index("c")
        base = wid * rows_w

        def row(c):
            return base + c * ch_rows

        def load(c, cc, j):
            k = cc * b + j
            pltpu.async_copy(x_hbm.at[j, pl.ds(row(c), ch_rows)], xv[k], xsem[k])

        def load_wait(c, cc, j):
            k = cc * b + j
            pltpu.make_async_copy(
                x_hbm.at[j, pl.ds(row(c), ch_rows)], xv[k], xsem[k]
            ).wait()

        pltpu.async_copy(emb_hbm.at[pl.ds(row(0), ch_rows)], ev[0], esem[0])
        pltpu.async_copy(emb_hbm.at[pl.ds(row(1), ch_rows)], ev[1], esem[1])
        for cc in range(2):
            for j in range(b):
                load(cc, cc, j)

        @pl.loop(0, n_ch, step=2)
        def _chunks(c0):
            for cc in range(2):
                c = c0 + cc
                for j in range(b):
                    k = cc * b + j
                    load_wait(c, cc, j)
                    if j == 0:
                        pltpu.make_async_copy(
                            emb_hbm.at[pl.ds(row(c), ch_rows)], ev[cc], esem[cc]
                        ).wait()
                    @pl.when(c > 0)
                    def _():
                        pltpu.make_async_copy(
                            ov[j], out_hbm.at[j, pl.ds(row(c), ch_rows)], osem[j]
                        ).wait()

                    @plsc.parallel_loop(0, d, step=16)
                    def _vec(o):
                        for r in range(ch_rows):
                            ov[j][r, pl.ds(o, 16)] = (
                                xv[k][r, pl.ds(o, 16)] + ev[cc][r, pl.ds(o, 16)]
                            )

                    @pl.when(c + 2 < n_ch)
                    def _():
                        load(c + 2, cc, j)

                    pltpu.async_copy(
                        ov[j], out_hbm.at[j, pl.ds(row(c), ch_rows)], osem[j]
                    )
                @pl.when(c + 2 < n_ch)
                def _():
                    pltpu.async_copy(
                        emb_hbm.at[pl.ds(row(c + 2), ch_rows)], ev[cc], esem[cc]
                    )

        for j in range(b):
            pltpu.make_async_copy(
                ov[j], out_hbm.at[j, pl.ds(row(n_ch - 1), ch_rows)], osem[j]
            ).wait()

    return sc_add(x, pe)

# --- scband reference (transcript-rebuilt; emitter-appended) ---
"""Pipeline reference for scband-learned-positional-embedding-19842748907521 (READ-ONLY COPY).

The authoritative reference and input builder live on the scoring server;
editing this copy changes nothing except your own understanding.
"""

import jax, jax.numpy as jnp
import numpy as np

D_MODEL = 1024
MAX_LEN = 8192
BATCH = 4
SEQ = 8192


def setup_inputs(seed: int = 0) -> dict:
    key = jax.random.key(seed)
    k1, k2 = jax.random.split(key)
    x = jax.random.normal(k1, (BATCH, SEQ, D_MODEL), dtype=jnp.float32)
    # learned positional embedding table, init like nn.Embedding (normal(0,1))
    emb = jax.random.normal(k2, (MAX_LEN, D_MODEL), dtype=jnp.float32)
    return {"x": x, "emb": emb}


def reference(x, emb):
    seq = x.shape[-2]
    positions = jnp.arange(seq)[None, :]  # [1, S]
    pe = jnp.take(emb, positions, axis=0)  # [1, S, D]
    if x.ndim == 4:
        pe = pe[:, None, :, :]
    return x + pe

if __name__ == "__main__":
    import jax
    _d = setup_inputs()
    print(jax.jit(kernel)(*tuple(_d.values())))

</pallas_src>

<mosaic_0001>
#map = affine_map<(d0, d1) -> (0, 0, 0)>
#map1 = affine_map<(d0, d1) -> (0, 0)>
module attributes {stable_mosaic.version = 14 : i64} {
  func.func @sc_add(%arg0: i32, %arg1: i32, %arg2: memref<4x8192x1024xf32, #tpu.memory_space<hbm>>, %arg3: memref<8192x1024xf32, #tpu.memory_space<hbm>>, %arg4: memref<4x8192x1024xf32, #tpu.memory_space<hbm>>, %arg5: memref<8x1024xf32, #tpu.memory_space<vmem>>, %arg6: memref<8x1024xf32, #tpu.memory_space<vmem>>, %arg7: memref<8x1024xf32, #tpu.memory_space<vmem>>, %arg8: memref<8x1024xf32, #tpu.memory_space<vmem>>, %arg9: memref<8x1024xf32, #tpu.memory_space<vmem>>, %arg10: memref<8x1024xf32, #tpu.memory_space<vmem>>, %arg11: memref<8x1024xf32, #tpu.memory_space<vmem>>, %arg12: memref<8x1024xf32, #tpu.memory_space<vmem>>, %arg13: memref<8x1024xf32, #tpu.memory_space<vmem>>, %arg14: memref<8x1024xf32, #tpu.memory_space<vmem>>, %arg15: memref<8x1024xf32, #tpu.memory_space<vmem>>, %arg16: memref<8x1024xf32, #tpu.memory_space<vmem>>, %arg17: memref<8x1024xf32, #tpu.memory_space<vmem>>, %arg18: memref<8x1024xf32, #tpu.memory_space<vmem>>, %arg19: memref<!tpu.dma_semaphore, #tpu.memory_space<semaphore_mem>>, %arg20: memref<!tpu.dma_semaphore, #tpu.memory_space<semaphore_mem>>, %arg21: memref<!tpu.dma_semaphore, #tpu.memory_space<semaphore_mem>>, %arg22: memref<!tpu.dma_semaphore, #tpu.memory_space<semaphore_mem>>, %arg23: memref<!tpu.dma_semaphore, #tpu.memory_space<semaphore_mem>>, %arg24: memref<!tpu.dma_semaphore, #tpu.memory_space<semaphore_mem>>, %arg25: memref<!tpu.dma_semaphore, #tpu.memory_space<semaphore_mem>>, %arg26: memref<!tpu.dma_semaphore, #tpu.memory_space<semaphore_mem>>, %arg27: memref<!tpu.dma_semaphore, #tpu.memory_space<semaphore_mem>>, %arg28: memref<!tpu.dma_semaphore, #tpu.memory_space<semaphore_mem>>, %arg29: memref<!tpu.dma_semaphore, #tpu.memory_space<semaphore_mem>>, %arg30: memref<!tpu.dma_semaphore, #tpu.memory_space<semaphore_mem>>, %arg31: memref<!tpu.dma_semaphore, #tpu.memory_space<semaphore_mem>>, %arg32: memref<!tpu.dma_semaphore, #tpu.memory_space<semaphore_mem>>) attributes {dimension_semantics = [#tpu.dimension_semantics<core_parallel>, #tpu.dimension_semantics<subcore_parallel>], iteration_bounds = array<i64: 2, 16>, scalar_prefetch = 0 : i64, scratch_operands = 28 : i64, tpu.core_type = #tpu.core_type<sc_vector_subcore>, window_params = [{transform_indices = #map}, {transform_indices = #map1}, {transform_indices = #map}]} {
    %mul3A = arith.constant 2 : i32
    %mul3A_0 = arith.muli %arg1, %mul3A : i32
    %add3A = arith.addi %mul3A_0, %arg0 : i32
    %mul3A_1 = arith.constant 256 : i32
    %mul3A_2 = arith.muli %add3A, %mul3A_1 : i32
    %add3A_3 = arith.constant 0 : i32
    %add3A_4 = arith.addi %mul3A_2, %add3A_3 : i32
    %dma_start3A = arith.constant 0 : i32
    %dma_start3A_5 = tpu.memref_slice %arg3[%add3A_4, %dma_start3A] : memref<8192x1024xf32, #tpu.memory_space<hbm>> -> memref<8x1024xf32, #tpu.memory_space<hbm>>
    %dma_start3A_6 = arith.constant 0 : i32
    %dma_start3A_7 = tpu.memref_slice %arg3[%add3A_4, %dma_start3A_6] : memref<8192x1024xf32, #tpu.memory_space<hbm>> -> memref<8x1024xf32, #tpu.memory_space<hbm>>
    tpu.enqueue_dma source(%dma_start3A_7 : memref<8x1024xf32, #tpu.memory_space<hbm>>) target(%arg5 : memref<8x1024xf32, #tpu.memory_space<vmem>>) target_semaphore(%arg19 : memref<!tpu.dma_semaphore, #tpu.memory_space<semaphore_mem>>)
    %add3A_8 = arith.constant 8 : i32
    %add3A_9 = arith.addi %mul3A_2, %add3A_8 : i32
    %dma_start3A_10 = arith.constant 0 : i32
    %dma_start3A_11 = tpu.memref_slice %arg3[%add3A_9, %dma_start3A_10] : memref<8192x1024xf32, #tpu.memory_space<hbm>> -> memref<8x1024xf32, #tpu.memory_space<hbm>>
    %dma_start3A_12 = arith.constant 0 : i32
    %dma_start3A_13 = tpu.memref_slice %arg3[%add3A_9, %dma_start3A_12] : memref<8192x1024xf32, #tpu.memory_space<hbm>> -> memref<8x1024xf32, #tpu.memory_space<hbm>>
    tpu.enqueue_dma source(%dma_start3A_13 : memref<8x1024xf32, #tpu.memory_space<hbm>>) target(%arg6 : memref<8x1024xf32, #tpu.memory_space<vmem>>) target_semaphore(%arg20 : memref<!tpu.dma_semaphore, #tpu.memory_space<semaphore_mem>>)
    %add3A_14 = arith.constant 0 : i32
    %add3A_15 = arith.addi %mul3A_2, %add3A_14 : i32
    %dma_start3A_16 = arith.constant 0 : i32
    %dma_start3A_17 = arith.constant 0 : i32
    %dma_start3A_18 = tpu.memref_slice %arg2[%dma_start3A_16, %add3A_15, %dma_start3A_17] : memref<4x8192x1024xf32, #tpu.memory_space<hbm>> -> memref<1x8x1024xf32, #tpu.memory_space<hbm>>
    %dma_start3A_19 = tpu.memref_squeeze %dma_start3A_18 : memref<1x8x1024xf32, #tpu.memory_space<hbm>> -> memref<8x1024xf32, #tpu.memory_space<hbm>>
    %dma_start3A_20 = arith.constant 0 : i32
    %dma_start3A_21 = tpu.memref_slice %arg2[%dma_start3A_16, %add3A_15, %dma_start3A_20] : memref<4x8192x1024xf32, #tpu.memory_space<hbm>> -> memref<1x8x1024xf32, #tpu.memory_space<hbm>>
    %dma_start3A_22 = tpu.memref_squeeze %dma_start3A_21 : memref<1x8x1024xf32, #tpu.memory_space<hbm>> -> memref<8x1024xf32, #tpu.memory_space<hbm>>
    tpu.enqueue_dma source(%dma_start3A_22 : memref<8x1024xf32, #tpu.memory_space<hbm>>) target(%arg7 : memref<8x1024xf32, #tpu.memory_space<vmem>>) target_semaphore(%arg21 : memref<!tpu.dma_semaphore, #tpu.memory_space<semaphore_mem>>)
    %add3A_23 = arith.constant 0 : i32
    %add3A_24 = arith.addi %mul3A_2, %add3A_23 : i32
    %dma_start3A_25 = arith.constant 1 : i32
    %dma_start3A_26 = arith.constant 0 : i32
    %dma_start3A_27 = tpu.memref_slice %arg2[%dma_start3A_25, %add3A_24, %dma_start3A_26] : memref<4x8192x1024xf32, #tpu.memory_space<hbm>> -> memref<1x8x1024xf32, #tpu.memory_space<hbm>>
    %dma_start3A_28 = tpu.memref_squeeze %dma_start3A_27 : memref<1x8x1024xf32, #tpu.memory_space<hbm>> -> memref<8x1024xf32, #tpu.memory_space<hbm>>
    %dma_start3A_29 = arith.constant 0 : i32
    %dma_start3A_30 = tpu.memref_slice %arg2[%dma_start3A_25, %add3A_24, %dma_start3A_29] : memref<4x8192x1024xf32, #tpu.memory_space<hbm>> -> memref<1x8x1024xf32, #tpu.memory_space<hbm>>
    %dma_start3A_31 = tpu.memref_squeeze %dma_start3A_30 : memref<1x8x1024xf32, #tpu.memory_space<hbm>> -> memref<8x1024xf32, #tpu.memory_space<hbm>>
    tpu.enqueue_dma source(%dma_start3A_31 : memref<8x1024xf32, #tpu.memory_space<hbm>>) target(%arg8 : memref<8x1024xf32, #tpu.memory_space<vmem>>) target_semaphore(%arg22 : memref<!tpu.dma_semaphore, #tpu.memory_space<semaphore_mem>>)
    %add3A_32 = arith.constant 0 : i32
    %add3A_33 = arith.addi %mul3A_2, %add3A_32 : i32
    %dma_start3A_34 = arith.constant 2 : i32
    %dma_start3A_35 = arith.constant 0 : i32
    %dma_start3A_36 = tpu.memref_slice %arg2[%dma_start3A_34, %add3A_33, %dma_start3A_35] : memref<4x8192x1024xf32, #tpu.memory_space<hbm>> -> memref<1x8x1024xf32, #tpu.memory_space<hbm>>
    %dma_start3A_37 = tpu.memref_squeeze %dma_start3A_36 : memref<1x8x1024xf32, #tpu.memory_space<hbm>> -> memref<8x1024xf32, #tpu.memory_space<hbm>>
    %dma_start3A_38 = arith.constant 0 : i32
    %dma_start3A_39 = tpu.memref_slice %arg2[%dma_start3A_34, %add3A_33, %dma_start3A_38] : memref<4x8192x1024xf32, #tpu.memory_space<hbm>> -> memref<1x8x1024xf32, #tpu.memory_space<hbm>>
    %dma_start3A_40 = tpu.memref_squeeze %dma_start3A_39 : memref<1x8x1024xf32, #tpu.memory_space<hbm>> -> memref<8x1024xf32, #tpu.memory_space<hbm>>
    tpu.enqueue_dma source(%dma_start3A_40 : memref<8x1024xf32, #tpu.memory_space<hbm>>) target(%arg9 : memref<8x1024xf32, #tpu.memory_space<vmem>>) target_semaphore(%arg23 : memref<!tpu.dma_semaphore, #tpu.memory_space<semaphore_mem>>)
    %add3A_41 = arith.constant 0 : i32
    %add3A_42 = arith.addi %mul3A_2, %add3A_41 : i32
    %dma_start3A_43 = arith.constant 3 : i32
    %dma_start3A_44 = arith.constant 0 : i32
    %dma_start3A_45 = tpu.memref_slice %arg2[%dma_start3A_43, %add3A_42, %dma_start3A_44] : memref<4x8192x1024xf32, #tpu.memory_space<hbm>> -> memref<1x8x1024xf32, #tpu.memory_space<hbm>>
    %dma_start3A_46 = tpu.memref_squeeze %dma_start3A_45 : memref<1x8x1024xf32, #tpu.memory_space<hbm>> -> memref<8x1024xf32, #tpu.memory_space<hbm>>
    %dma_start3A_47 = arith.constant 0 : i32
    %dma_start3A_48 = tpu.memref_slice %arg2[%dma_start3A_43, %add3A_42, %dma_start3A_47] : memref<4x8192x1024xf32, #tpu.memory_space<hbm>> -> memref<1x8x1024xf32, #tpu.memory_space<hbm>>
    %dma_start3A_49 = tpu.memref_squeeze %dma_start3A_48 : memref<1x8x1024xf32, #tpu.memory_space<hbm>> -> memref<8x1024xf32, #tpu.memory_space<hbm>>
    tpu.enqueue_dma source(%dma_start3A_49 : memref<8x1024xf32, #tpu.memory_space<hbm>>) target(%arg10 : memref<8x1024xf32, #tpu.memory_space<vmem>>) target_semaphore(%arg24 : memref<!tpu.dma_semaphore, #tpu.memory_space<semaphore_mem>>)
    %add3A_50 = arith.constant 8 : i32
    %add3A_51 = arith.addi %mul3A_2, %add3A_50 : i32
    %dma_start3A_52 = arith.constant 0 : i32
    %dma_start3A_53 = arith.constant 0 : i32
    %dma_start3A_54 = tpu.memref_slice %arg2[%dma_start3A_52, %add3A_51, %dma_start3A_53] : memref<4x8192x1024xf32, #tpu.memory_space<hbm>> -> memref<1x8x1024xf32, #tpu.memory_space<hbm>>
    %dma_start3A_55 = tpu.memref_squeeze %dma_start3A_54 : memref<1x8x1024xf32, #tpu.memory_space<hbm>> -> memref<8x1024xf32, #tpu.memory_space<hbm>>
    %dma_start3A_56 = arith.constant 0 : i32
    %dma_start3A_57 = tpu.memref_slice %arg2[%dma_start3A_52, %add3A_51, %dma_start3A_56] : memref<4x8192x1024xf32, #tpu.memory_space<hbm>> -> memref<1x8x1024xf32, #tpu.memory_space<hbm>>
    %dma_start3A_58 = tpu.memref_squeeze %dma_start3A_57 : memref<1x8x1024xf32, #tpu.memory_space<hbm>> -> memref<8x1024xf32, #tpu.memory_space<hbm>>
    tpu.enqueue_dma source(%dma_start3A_58 : memref<8x1024xf32, #tpu.memory_space<hbm>>) target(%arg11 : memref<8x1024xf32, #tpu.memory_space<vmem>>) target_semaphore(%arg25 : memref<!tpu.dma_semaphore, #tpu.memory_space<semaphore_mem>>)
    %add3A_59 = arith.constant 8 : i32
    %add3A_60 = arith.addi %mul3A_2, %add3A_59 : i32
    %dma_start3A_61 = arith.constant 1 : i32
    %dma_start3A_62 = arith.constant 0 : i32
    %dma_start3A_63 = tpu.memref_slice %arg2[%dma_start3A_61, %add3A_60, %dma_start3A_62] : memref<4x8192x1024xf32, #tpu.memory_space<hbm>> -> memref<1x8x1024xf32, #tpu.memory_space<hbm>>
    %dma_start3A_64 = tpu.memref_squeeze %dma_start3A_63 : memref<1x8x1024xf32, #tpu.memory_space<hbm>> -> memref<8x1024xf32, #tpu.memory_space<hbm>>
    %dma_start3A_65 = arith.constant 0 : i32
    %dma_start3A_66 = tpu.memref_slice %arg2[%dma_start3A_61, %add3A_60, %dma_start3A_65] : memref<4x8192x1024xf32, #tpu.memory_space<hbm>> -> memref<1x8x1024xf32, #tpu.memory_space<hbm>>
    %dma_start3A_67 = tpu.memref_squeeze %dma_start3A_66 : memref<1x8x1024xf32, #tpu.memory_space<hbm>> -> memref<8x1024xf32, #tpu.memory_space<hbm>>
    tpu.enqueue_dma source(%dma_start3A_67 : memref<8x1024xf32, #tpu.memory_space<hbm>>) target(%arg12 : memref<8x1024xf32, #tpu.memory_space<vmem>>) target_semaphore(%arg26 : memref<!tpu.dma_semaphore, #tpu.memory_space<semaphore_mem>>)
    %add3A_68 = arith.constant 8 : i32
    %add3A_69 = arith.addi %mul3A_2, %add3A_68 : i32
    %dma_start3A_70 = arith.constant 2 : i32
    %dma_start3A_71 = arith.constant 0 : i32
    %dma_start3A_72 = tpu.memref_slice %arg2[%dma_start3A_70, %add3A_69, %dma_start3A_71] : memref<4x8192x1024xf32, #tpu.memory_space<hbm>> -> memref<1x8x1024xf32, #tpu.memory_space<hbm>>
    %dma_start3A_73 = tpu.memref_squeeze %dma_start3A_72 : memref<1x8x1024xf32, #tpu.memory_space<hbm>> -> memref<8x1024xf32, #tpu.memory_space<hbm>>
    %dma_start3A_74 = arith.constant 0 : i32
    %dma_start3A_75 = tpu.memref_slice %arg2[%dma_start3A_70, %add3A_69, %dma_start3A_74] : memref<4x8192x1024xf32, #tpu.memory_space<hbm>> -> memref<1x8x1024xf32, #tpu.memory_space<hbm>>
    %dma_start3A_76 = tpu.memref_squeeze %dma_start3A_75 : memref<1x8x1024xf32, #tpu.memory_space<hbm>> -> memref<8x1024xf32, #tpu.memory_space<hbm>>
    tpu.enqueue_dma source(%dma_start3A_76 : memref<8x1024xf32, #tpu.memory_space<hbm>>) target(%arg13 : memref<8x1024xf32, #tpu.memory_space<vmem>>) target_semaphore(%arg27 : memref<!tpu.dma_semaphore, #tpu.memory_space<semaphore_mem>>)
    %add3A_77 = arith.constant 8 : i32
    %add3A_78 = arith.addi %mul3A_2, %add3A_77 : i32
    %dma_start3A_79 = arith.constant 3 : i32
    %dma_start3A_80 = arith.constant 0 : i32
    %dma_start3A_81 = tpu.memref_slice %arg2[%dma_start3A_79, %add3A_78, %dma_start3A_80] : memref<4x8192x1024xf32, #tpu.memory_space<hbm>> -> memref<1x8x1024xf32, #tpu.memory_space<hbm>>
    %dma_start3A_82 = tpu.memref_squeeze %dma_start3A_81 : memref<1x8x1024xf32, #tpu.memory_space<hbm>> -> memref<8x1024xf32, #tpu.memory_space<hbm>>
    %dma_start3A_83 = arith.constant 0 : i32
    %dma_start3A_84 = tpu.memref_slice %arg2[%dma_start3A_79, %add3A_78, %dma_start3A_83] : memref<4x8192x1024xf32, #tpu.memory_space<hbm>> -> memref<1x8x1024xf32, #tpu.memory_space<hbm>>
    %dma_start3A_85 = tpu.memref_squeeze %dma_start3A_84 : memref<1x8x1024xf32, #tpu.memory_space<hbm>> -> memref<8x1024xf32, #tpu.memory_space<hbm>>
    tpu.enqueue_dma source(%dma_start3A_85 : memref<8x1024xf32, #tpu.memory_space<hbm>>) target(%arg14 : memref<8x1024xf32, #tpu.memory_space<vmem>>) target_semaphore(%arg28 : memref<!tpu.dma_semaphore, #tpu.memory_space<semaphore_mem>>)
    %scan3A = arith.constant 0 : i32
    %scan3A_86 = arith.constant 16 : i32
    %scan3A_87 = arith.addi %scan3A, %scan3A_86 : i32
    %scan3A_88 = arith.constant 1 : i32
    scf.for %scan3A_125 = %scan3A to %scan3A_87 step %scan3A_88  : i32 {
      %mul3A_126 = arith.constant 2 : i32
      %mul3A_127 = arith.muli %scan3A_125, %mul3A_126 : i32
      %add3A_128 = arith.constant 0 : i32
      %add3A_129 = arith.addi %add3A_128, %mul3A_127 : i32
      %add3A_130 = arith.constant 0 : i32
      %add3A_131 = arith.addi %add3A_129, %add3A_130 : i32
      %mul3A_132 = arith.constant 8 : i32
      %mul3A_133 = arith.muli %add3A_131, %mul3A_132 : i32
      %add3A_134 = arith.addi %mul3A_2, %mul3A_133 : i32
      %dma_wait3A_135 = arith.constant 0 : i32
      %dma_wait3A_136 = arith.constant 0 : i32
      %dma_wait3A_137 = tpu.memref_slice %arg2[%dma_wait3A_135, %add3A_134, %dma_wait3A_136] : memref<4x8192x1024xf32, #tpu.memory_space<hbm>> -> memref<1x8x1024xf32, #tpu.memory_space<hbm>>
      %dma_wait3A_138 = tpu.memref_squeeze %dma_wait3A_137 : memref<1x8x1024xf32, #tpu.memory_space<hbm>> -> memref<8x1024xf32, #tpu.memory_space<hbm>>
      %dma_wait3A_139 = arith.constant 0 : i32
      %dma_wait3A_140 = tpu.memref_slice %arg2[%dma_wait3A_135, %add3A_134, %dma_wait3A_139] : memref<4x8192x1024xf32, #tpu.memory_space<hbm>> -> memref<1x8x1024xf32, #tpu.memory_space<hbm>>
      %dma_wait3A_141 = tpu.memref_squeeze %dma_wait3A_140 : memref<1x8x1024xf32, #tpu.memory_space<hbm>> -> memref<8x1024xf32, #tpu.memory_space<hbm>>
      tpu.wait_dma2 semaphore(%arg21 : memref<!tpu.dma_semaphore, #tpu.memory_space<semaphore_mem>>) src(%dma_wait3A_141 : memref<8x1024xf32, #tpu.memory_space<hbm>>) dst(%arg7 : memref<8x1024xf32, #tpu.memory_space<vmem>>)
      %mul3A_142 = arith.constant 8 : i32
      %mul3A_143 = arith.muli %add3A_131, %mul3A_142 : i32
      %add3A_144 = arith.addi %mul3A_2, %mul3A_143 : i32
      %dma_wait3A_145 = arith.constant 0 : i32
      %dma_wait3A_146 = tpu.memref_slice %arg3[%add3A_144, %dma_wait3A_145] : memref<8192x1024xf32, #tpu.memory_space<hbm>> -> memref<8x1024xf32, #tpu.memory_space<hbm>>
      %dma_wait3A_147 = arith.constant 0 : i32
      %dma_wait3A_148 = tpu.memref_slice %arg3[%add3A_144, %dma_wait3A_147] : memref<8192x1024xf32, #tpu.memory_space<hbm>> -> memref<8x1024xf32, #tpu.memory_space<hbm>>
      tpu.wait_dma2 semaphore(%arg19 : memref<!tpu.dma_semaphore, #tpu.memory_space<semaphore_mem>>) src(%dma_wait3A_148 : memref<8x1024xf32, #tpu.memory_space<hbm>>) dst(%arg5 : memref<8x1024xf32, #tpu.memory_space<vmem>>)
      %gt3A = arith.constant 0 : i32
      %gt3A_149 = arith.cmpi sgt, %add3A_131, %gt3A : i32
      %convert_element_type3A = arith.extui %gt3A_149 : i1 to i32
      %cond3A = arith.constant 0 : i32
      %cond3A_150 = arith.cmpi ne, %convert_element_type3A, %cond3A : i32
      scf.if %cond3A_150 {
        %mul3A_437 = arith.constant 8 : i32
        %mul3A_438 = arith.muli %add3A_131, %mul3A_437 : i32
        %add3A_439 = arith.addi %mul3A_2, %mul3A_438 : i32
        %dma_wait3A_440 = arith.constant 0 : i32
        %dma_wait3A_441 = arith.constant 0 : i32
        %dma_wait3A_442 = tpu.memref_slice %arg4[%dma_wait3A_440, %add3A_439, %dma_wait3A_441] : memref<4x8192x1024xf32, #tpu.memory_space<hbm>> -> memref<1x8x1024xf32, #tpu.memory_space<hbm>>
        %dma_wait3A_443 = tpu.memref_squeeze %dma_wait3A_442 : memref<1x8x1024xf32, #tpu.memory_space<hbm>> -> memref<8x1024xf32, #tpu.memory_space<hbm>>
        %dma_wait3A_444 = arith.constant 0 : i32
        %dma_wait3A_445 = tpu.memref_slice %arg4[%dma_wait3A_440, %add3A_439, %dma_wait3A_444] : memref<4x8192x1024xf32, #tpu.memory_space<hbm>> -> memref<1x8x1024xf32, #tpu.memory_space<hbm>>
        %dma_wait3A_446 = tpu.memref_squeeze %dma_wait3A_445 : memref<1x8x1024xf32, #tpu.memory_space<hbm>> -> memref<8x1024xf32, #tpu.memory_space<hbm>>
        tpu.wait_dma2 semaphore(%arg29 : memref<!tpu.dma_semaphore, #tpu.memory_space<semaphore_mem>>) src(%arg15 : memref<8x1024xf32, #tpu.memory_space<vmem>>) dst(%dma_wait3A_446 : memref<8x1024xf32, #tpu.memory_space<hbm>>)
      } else {
      }
      %parallel_loop3A = arith.constant 0 : i32
      %parallel_loop3A_151 = arith.constant 1024 : i32
      %parallel_loop3A_152 = arith.constant 16 : i32
      scf.for %parallel_loop3A_437 = %parallel_loop3A to %parallel_loop3A_151 step %parallel_loop3A_152  : i32 {
        %parallel_loop3A_438 = arith.constant 0 : i32
        %parallel_loop3A_439 = arith.index_cast %parallel_loop3A_438 : i32 to index
        %parallel_loop3A_440 = arith.index_cast %parallel_loop3A_437 : i32 to index
        %parallel_loop3A_441 = tpu.vector_load %arg7[%parallel_loop3A_439, %parallel_loop3A_440] {strides = array<i32>} : memref<8x1024xf32, #tpu.memory_space<vmem>>, vector<1x16xf32>,
        %parallel_loop3A_442 = vector.shape_cast %parallel_loop3A_441 : vector<1x16xf32> to vector<16xf32>
        %parallel_loop3A_443 = arith.constant 0 : i32
        %parallel_loop3A_444 = arith.index_cast %parallel_loop3A_443 : i32 to index
        %parallel_loop3A_445 = arith.index_cast %parallel_loop3A_437 : i32 to index
        %parallel_loop3A_446 = tpu.vector_load %arg5[%parallel_loop3A_444, %parallel_loop3A_445] {strides = array<i32>} : memref<8x1024xf32, #tpu.memory_space<vmem>>, vector<1x16xf32>,
        %parallel_loop3A_447 = vector.shape_cast %parallel_loop3A_446 : vector<1x16xf32> to vector<16xf32>
        %parallel_loop3A_448 = arith.addf %parallel_loop3A_442, %parallel_loop3A_447 : vector<16xf32>
        %parallel_loop3A_449 = arith.constant 0 : i32
        %parallel_loop3A_450 = arith.index_cast %parallel_loop3A_449 : i32 to index
        %parallel_loop3A_451 = arith.index_cast %parallel_loop3A_437 : i32 to index
        %parallel_loop3A_452 = tpu.vector_load %arg15[%parallel_loop3A_450, %parallel_loop3A_451] {strides = array<i32>} : memref<8x1024xf32, #tpu.memory_space<vmem>>, vector<1x16xf32>,
        %parallel_loop3A_453 = vector.shape_cast %parallel_loop3A_452 : vector<1x16xf32> to vector<16xf32>
        %parallel_loop3A_454 = vector.shape_cast %parallel_loop3A_448 : vector<16xf32> to vector<1x16xf32>
        tpu.vector_store %arg15[%parallel_loop3A_450, %parallel_loop3A_451], %parallel_loop3A_454 {strides = array<i32>} : memref<8x1024xf32, #tpu.memory_space<vmem>>, vector<1x16xf32>,
        %parallel_loop3A_455 = arith.constant 1 : i32
        %parallel_loop3A_456 = arith.index_cast %parallel_loop3A_455 : i32 to index
        %parallel_loop3A_457 = arith.index_cast %parallel_loop3A_437 : i32 to index
        %parallel_loop3A_458 = tpu.vector_load %arg7[%parallel_loop3A_456, %parallel_loop3A_457] {strides = array<i32>} : memref<8x1024xf32, #tpu.memory_space<vmem>>, vector<1x16xf32>,
        %parallel_loop3A_459 = vector.shape_cast %parallel_loop3A_458 : vector<1x16xf32> to vector<16xf32>
        %parallel_loop3A_460 = arith.constant 1 : i32
        %parallel_loop3A_461 = arith.index_cast %parallel_loop3A_460 : i32 to index
        %parallel_loop3A_462 = arith.index_cast %parallel_loop3A_437 : i32 to index
        %parallel_loop3A_463 = tpu.vector_load %arg5[%parallel_loop3A_461, %parallel_loop3A_462] {strides = array<i32>} : memref<8x1024xf32, #tpu.memory_space<vmem>>, vector<1x16xf32>,
        %parallel_loop3A_464 = vector.shape_cast %parallel_loop3A_463 : vector<1x16xf32> to vector<16xf32>
        %parallel_loop3A_465 = arith.addf %parallel_loop3A_459, %parallel_loop3A_464 : vector<16xf32>
        %parallel_loop3A_466 = arith.constant 1 : i32
        %parallel_loop3A_467 = arith.index_cast %parallel_loop3A_466 : i32 to index
        %parallel_loop3A_468 = arith.index_cast %parallel_loop3A_437 : i32 to index
        %parallel_loop3A_469 = tpu.vector_load %arg15[%parallel_loop3A_467, %parallel_loop3A_468] {strides = array<i32>} : memref<8x1024xf32, #tpu.memory_space<vmem>>, vector<1x16xf32>,
        %parallel_loop3A_470 = vector.shape_cast %parallel_loop3A_469 : vector<1x16xf32> to vector<16xf32>
        %parallel_loop3A_471 = vector.shape_cast %parallel_loop3A_465 : vector<16xf32> to vector<1x16xf32>
        tpu.vector_store %arg15[%parallel_loop3A_467, %parallel_loop3A_468], %parallel_loop3A_471 {strides = array<i32>} : memref<8x1024xf32, #tpu.memory_space<vmem>>, vector<1x16xf32>,
        %parallel_loop3A_472 = arith.constant 2 : i32
        %parallel_loop3A_473 = arith.index_cast %parallel_loop3A_472 : i32 to index
        %parallel_loop3A_474 = arith.index_cast %parallel_loop3A_437 : i32 to index
        %parallel_loop3A_475 = tpu.vector_load %arg7[%parallel_loop3A_473, %parallel_loop3A_474] {strides = array<i32>} : memref<8x1024xf32, #tpu.memory_space<vmem>>, vector<1x16xf32>,
        %parallel_loop3A_476 = vector.shape_cast %parallel_loop3A_475 : vector<1x16xf32> to vector<16xf32>
        %parallel_loop3A_477 = arith.constant 2 : i32
        %parallel_loop3A_478 = arith.index_cast %parallel_loop3A_477 : i32 to index
        %parallel_loop3A_479 = arith.index_cast %parallel_loop3A_437 : i32 to index
        %parallel_loop3A_480 = tpu.vector_load %arg5[%parallel_loop3A_478, %parallel_loop3A_479] {strides = array<i32>} : memref<8x1024xf32, #tpu.memory_space<vmem>>, vector<1x16xf32>,
        %parallel_loop3A_481 = vector.shape_cast %parallel_loop3A_480 : vector<1x16xf32> to vector<16xf32>
        %parallel_loop3A_482 = arith.addf %parallel_loop3A_476, %parallel_loop3A_481 : vector<16xf32>
        %parallel_loop3A_483 = arith.constant 2 : i32
        %parallel_loop3A_484 = arith.index_cast %parallel_loop3A_483 : i32 to index
        %parallel_loop3A_485 = arith.index_cast %parallel_loop3A_437 : i32 to index
        %parallel_loop3A_486 = tpu.vector_load %arg15[%parallel_loop3A_484, %parallel_loop3A_485] {strides = array<i32>} : memref<8x1024xf32, #tpu.memory_space<vmem>>, vector<1x16xf32>,
        %parallel_loop3A_487 = vector.shape_cast %parallel_loop3A_486 : vector<1x16xf32> to vector<16xf32>
        %parallel_loop3A_488 = vector.shape_cast %parallel_loop3A_482 : vector<16xf32> to vector<1x16xf32>
        tpu.vector_store %arg15[%parallel_loop3A_484, %parallel_loop3A_485], %parallel_loop3A_488 {strides = array<i32>} : memref<8x1024xf32, #tpu.memory_space<vmem>>, vector<1x16xf32>,
        %parallel_loop3A_489 = arith.constant 3 : i32
        %parallel_loop3A_490 = arith.index_cast %parallel_loop3A_489 : i32 to index
        %parallel_loop3A_491 = arith.index_cast %parallel_loop3A_437 : i32 to index
        %parallel_loop3A_492 = tpu.vector_load %arg7[%parallel_loop3A_490, %parallel_loop3A_491] {strides = array<i32>} : memref<8x1024xf32, #tpu.memory_space<vmem>>, vector<1x16xf32>,
        %parallel_loop3A_493 = vector.shape_cast %parallel_loop3A_492 : vector<1x16xf32> to vector<16xf32>
        %parallel_loop3A_494 = arith.constant 3 : i32
        %parallel_loop3A_495 = arith.index_cast %parallel_loop3A_494 : i32 to index
        %parallel_loop3A_496 = arith.index_cast %parallel_loop3A_437 : i32 to index
        %parallel_loop3A_497 = tpu.vector_load %arg5[%parallel_loop3A_495, %parallel_loop3A_496] {strides = array<i32>} : memref<8x1024xf32, #tpu.memory_space<vmem>>, vector<1x16xf32>,
        %parallel_loop3A_498 = vector.shape_cast %parallel_loop3A_497 : vector<1x16xf32> to vector<16xf32>
        %parallel_loop3A_499 = arith.addf %parallel_loop3A_493, %parallel_loop3A_498 : vector<16xf32>
        %parallel_loop3A_500 = arith.constant 3 : i32
        %parallel_loop3A_501 = arith.index_cast %parallel_loop3A_500 : i32 to index
        %parallel_loop3A_502 = arith.index_cast %parallel_loop3A_437 : i32 to index
        %parallel_loop3A_503 = tpu.vector_load %arg15[%parallel_loop3A_501, %parallel_loop3A_502] {strides = array<i32>} : memref<8x1024xf32, #tpu.memory_space<vmem>>, vector<1x16xf32>,
        %parallel_loop3A_504 = vector.shape_cast %parallel_loop3A_503 : vector<1x16xf32> to vector<16xf32>
        %parallel_loop3A_505 = vector.shape_cast %parallel_loop3A_499 : vector<16xf32> to vector<1x16xf32>
        tpu.vector_store %arg15[%parallel_loop3A_501, %parallel_loop3A_502], %parallel_loop3A_505 {strides = array<i32>} : memref<8x1024xf32, #tpu.memory_space<vmem>>, vector<1x16xf32>,
        %parallel_loop3A_506 = arith.constant 4 : i32
        %parallel_loop3A_507 = arith.index_cast %parallel_loop3A_506 : i32 to index
        %parallel_loop3A_508 = arith.index_cast %parallel_loop3A_437 : i32 to index
        %parallel_loop3A_509 = tpu.vector_load %arg7[%parallel_loop3A_507, %parallel_loop3A_508] {strides = array<i32>} : memref<8x1024xf32, #tpu.memory_space<vmem>>, vector<1x16xf32>,
        %parallel_loop3A_510 = vector.shape_cast %parallel_loop3A_509 : vector<1x16xf32> to vector<16xf32>
        %parallel_loop3A_511 = arith.constant 4 : i32
        %parallel_loop3A_512 = arith.index_cast %parallel_loop3A_511 : i32 to index
        %parallel_loop3A_513 = arith.index_cast %parallel_loop3A_437 : i32 to index
        %parallel_loop3A_514 = tpu.vector_load %arg5[%parallel_loop3A_512, %parallel_loop3A_513] {strides = array<i32>} : memref<8x1024xf32, #tpu.memory_space<vmem>>, vector<1x16xf32>,
        %parallel_loop3A_515 = vector.shape_cast %parallel_loop3A_514 : vector<1x16xf32> to vector<16xf32>
        %parallel_loop3A_516 = arith.addf %parallel_loop3A_510, %parallel_loop3A_515 : vector<16xf32>
        %parallel_loop3A_517 = arith.constant 4 : i32
        %parallel_loop3A_518 = arith.index_cast %parallel_loop3A_517 : i32 to index
        %parallel_loop3A_519 = arith.index_cast %parallel_loop3A_437 : i32 to index
        %parallel_loop3A_520 = tpu.vector_load %arg15[%parallel_loop3A_518, %parallel_loop3A_519] {strides = array<i32>} : memref<8x1024xf32, #tpu.memory_space<vmem>>, vector<1x16xf32>,
        %parallel_loop3A_521 = vector.shape_cast %parallel_loop3A_520 : vector<1x16xf32> to vector<16xf32>
        %parallel_loop3A_522 = vector.shape_cast %parallel_loop3A_516 : vector<16xf32> to vector<1x16xf32>
        tpu.vector_store %arg15[%parallel_loop3A_518, %parallel_loop3A_519], %parallel_loop3A_522 {strides = array<i32>} : memref<8x1024xf32, #tpu.memory_space<vmem>>, vector<1x16xf32>,
        %parallel_loop3A_523 = arith.constant 5 : i32
        %parallel_loop3A_524 = arith.index_cast %parallel_loop3A_523 : i32 to index
        %parallel_loop3A_525 = arith.index_cast %parallel_loop3A_437 : i32 to index
        %parallel_loop3A_526 = tpu.vector_load %arg7[%parallel_loop3A_524, %parallel_loop3A_525] {strides = array<i32>} : memref<8x1024xf32, #tpu.memory_space<vmem>>, vector<1x16xf32>,
        %parallel_loop3A_527 = vector.shape_cast %parallel_loop3A_526 : vector<1x16xf32> to vector<16xf32>
        %parallel_loop3A_528 = arith.constant 5 : i32
        %parallel_loop3A_529 = arith.index_cast %parallel_loop3A_528 : i32 to index
        %parallel_loop3A_530 = arith.index_cast %parallel_loop3A_437 : i32 to index
        %parallel_loop3A_531 = tpu.vector_load %arg5[%parallel_loop3A_529, %parallel_loop3A_530] {strides = array<i32>} : memref<8x1024xf32, #tpu.memory_space<vmem>>, vector<1x16xf32>,
        %parallel_loop3A_532 = vector.shape_cast %parallel_loop3A_531 : vector<1x16xf32> to vector<16xf32>
        %parallel_loop3A_533 = arith.addf %parallel_loop3A_527, %parallel_loop3A_532 : vector<16xf32>
        %parallel_loop3A_534 = arith.constant 5 : i32
        %parallel_loop3A_535 = arith.index_cast %parallel_loop3A_534 : i32 to index
        %parallel_loop3A_536 = arith.index_cast %parallel_loop3A_437 : i32 to index
        %parallel_loop3A_537 = tpu.vector_load %arg15[%parallel_loop3A_535, %parallel_loop3A_536] {strides = array<i32>} : memref<8x1024xf32, #tpu.memory_space<vmem>>, vector<1x16xf32>,
        %parallel_loop3A_538 = vector.shape_cast %parallel_loop3A_537 : vector<1x16xf32> to vector<16xf32>
        %parallel_loop3A_539 = vector.shape_cast %parallel_loop3A_533 : vector<16xf32> to vector<1x16xf32>
        tpu.vector_store %arg15[%parallel_loop3A_535, %parallel_loop3A_536], %parallel_loop3A_539 {strides = array<i32>} : memref<8x1024xf32, #tpu.memory_space<vmem>>, vector<1x16xf32>,
        %parallel_loop3A_540 = arith.constant 6 : i32
        %parallel_loop3A_541 = arith.index_cast %parallel_loop3A_540 : i32 to index
        %parallel_loop3A_542 = arith.index_cast %parallel_loop3A_437 : i32 to index
        %parallel_loop3A_543 = tpu.vector_load %arg7[%parallel_loop3A_541, %parallel_loop3A_542] {strides = array<i32>} : memref<8x1024xf32, #tpu.memory_space<vmem>>, vector<1x16xf32>,
        %parallel_loop3A_544 = vector.shape_cast %parallel_loop3A_543 : vector<1x16xf32> to vector<16xf32>
        %parallel_loop3A_545 = arith.constant 6 : i32
        %parallel_loop3A_546 = arith.index_cast %parallel_loop3A_545 : i32 to index
        %parallel_loop3A_547 = arith.index_cast %parallel_loop3A_437 : i32 to index
        %parallel_loop3A_548 = tpu.vector_load %arg5[%parallel_loop3A_546, %parallel_loop3A_547] {strides = array<i32>} : memref<8x1024xf32, #tpu.memory_space<vmem>>, vector<1x16xf32>,
        %parallel_loop3A_549 = vector.shape_cast %parallel_loop3A_548 : vector<1x16xf32> to vector<16xf32>
        %parallel_loop3A_550 = arith.addf %parallel_loop3A_544, %parallel_loop3A_549 : vector<16xf32>
        %parallel_loop3A_551 = arith.constant 6 : i32
        %parallel_loop3A_552 = arith.index_cast %parallel_loop3A_551 : i32 to index
        %parallel_loop3A_553 = arith.index_cast %parallel_loop3A_437 : i32 to index
        %parallel_loop3A_554 = tpu.vector_load %arg15[%parallel_loop3A_552, %parallel_loop3A_553] {strides = array<i32>} : memref<8x1024xf32, #tpu.memory_space<vmem>>, vector<1x16xf32>,
        %parallel_loop3A_555 = vector.shape_cast %parallel_loop3A_554 : vector<1x16xf32> to vector<16xf32>
        %parallel_loop3A_556 = vector.shape_cast %parallel_loop3A_550 : vector<16xf32> to vector<1x16xf32>
        tpu.vector_store %arg15[%parallel_loop3A_552, %parallel_loop3A_553], %parallel_loop3A_556 {strides = array<i32>} : memref<8x1024xf32, #tpu.memory_space<vmem>>, vector<1x16xf32>,
        %parallel_loop3A_557 = arith.constant 7 : i32
        %parallel_loop3A_558 = arith.index_cast %parallel_loop3A_557 : i32 to index
        %parallel_loop3A_559 = arith.index_cast %parallel_loop3A_437 : i32 to index
        %parallel_loop3A_560 = tpu.vector_load %arg7[%parallel_loop3A_558, %parallel_loop3A_559] {strides = array<i32>} : memref<8x1024xf32, #tpu.memory_space<vmem>>, vector<1x16xf32>,
        %parallel_loop3A_561 = vector.shape_cast %parallel_loop3A_560 : vector<1x16xf32> to vector<16xf32>
        %parallel_loop3A_562 = arith.constant 7 : i32
        %parallel_loop3A_563 = arith.index_cast %parallel_loop3A_562 : i32 to index
        %parallel_loop3A_564 = arith.index_cast %parallel_loop3A_437 : i32 to index
        %parallel_loop3A_565 = tpu.vector_load %arg5[%parallel_loop3A_563, %parallel_loop3A_564] {strides = array<i32>} : memref<8x1024xf32, #tpu.memory_space<vmem>>, vector<1x16xf32>,
        %parallel_loop3A_566 = vector.shape_cast %parallel_loop3A_565 : vector<1x16xf32> to vector<16xf32>
        %parallel_loop3A_567 = arith.addf %parallel_loop3A_561, %parallel_loop3A_566 : vector<16xf32>
        %parallel_loop3A_568 = arith.constant 7 : i32
        %parallel_loop3A_569 = arith.index_cast %parallel_loop3A_568 : i32 to index
        %parallel_loop3A_570 = arith.index_cast %parallel_loop3A_437 : i32 to index
        %parallel_loop3A_571 = tpu.vector_load %arg15[%parallel_loop3A_569, %parallel_loop3A_570] {strides = array<i32>} : memref<8x1024xf32, #tpu.memory_space<vmem>>, vector<1x16xf32>,
        %parallel_loop3A_572 = vector.shape_cast %parallel_loop3A_571 : vector<1x16xf32> to vector<16xf32>
        %parallel_loop3A_573 = vector.shape_cast %parallel_loop3A_567 : vector<16xf32> to vector<1x16xf32>
        tpu.vector_store %arg15[%parallel_loop3A_569, %parallel_loop3A_570], %parallel_loop3A_573 {strides = array<i32>} : memref<8x1024xf32, #tpu.memory_space<vmem>>, vector<1x16xf32>,
      } {sc.loop_unroll_factor = 1 : i64, sc.parallel_access}
      %add3A_153 = arith.constant 2 : i32
      %add3A_154 = arith.addi %add3A_131, %add3A_153 : i32
      %lt3A = arith.constant 32 : i32
      %lt3A_155 = arith.cmpi slt, %add3A_154, %lt3A : i32
      %convert_element_type3A_156 = arith.extui %lt3A_155 : i1 to i32
      %cond3A_157 = arith.constant 0 : i32
      %cond3A_158 = arith.cmpi ne, %convert_element_type3A_156, %cond3A_157 : i32
      scf.if %cond3A_158 {
        %add3A_437 = arith.constant 2 : i32
        %add3A_438 = arith.addi %add3A_131, %add3A_437 : i32
        %mul3A_439 = arith.constant 8 : i32
        %mul3A_440 = arith.muli %add3A_438, %mul3A_439 : i32
        %add3A_441 = arith.addi %mul3A_2, %mul3A_440 : i32
        %dma_start3A_442 = arith.constant 0 : i32
        %dma_start3A_443 = arith.constant 0 : i32
        %dma_start3A_444 = tpu.memref_slice %arg2[%dma_start3A_442, %add3A_441, %dma_start3A_443] : memref<4x8192x1024xf32, #tpu.memory_space<hbm>> -> memref<1x8x1024xf32, #tpu.memory_space<hbm>>
        %dma_start3A_445 = tpu.memref_squeeze %dma_start3A_444 : memref<1x8x1024xf32, #tpu.memory_space<hbm>> -> memref<8x1024xf32, #tpu.memory_space<hbm>>
        %dma_start3A_446 = arith.constant 0 : i32
        %dma_start3A_447 = tpu.memref_slice %arg2[%dma_start3A_442, %add3A_441, %dma_start3A_446] : memref<4x8192x1024xf32, #tpu.memory_space<hbm>> -> memref<1x8x1024xf32, #tpu.memory_space<hbm>>
        %dma_start3A_448 = tpu.memref_squeeze %dma_start3A_447 : memref<1x8x1024xf32, #tpu.memory_space<hbm>> -> memref<8x1024xf32, #tpu.memory_space<hbm>>
        tpu.enqueue_dma source(%dma_start3A_448 : memref<8x1024xf32, #tpu.memory_space<hbm>>) target(%arg7 : memref<8x1024xf32, #tpu.memory_space<vmem>>) target_semaphore(%arg21 : memref<!tpu.dma_semaphore, #tpu.memory_space<semaphore_mem>>)
      } else {
      }
      %mul3A_159 = arith.constant 8 : i32
      %mul3A_160 = arith.muli %add3A_131, %mul3A_159 : i32
      %add3A_161 = arith.addi %mul3A_2, %mul3A_160 : i32
      %dma_start3A_162 = arith.constant 0 : i32
      %dma_start3A_163 = arith.constant 0 : i32
      %dma_start3A_164 = tpu.memref_slice %arg4[%dma_start3A_162, %add3A_161, %dma_start3A_163] : memref<4x8192x1024xf32, #tpu.memory_space<hbm>> -> memref<1x8x1024xf32, #tpu.memory_space<hbm>>
      %dma_start3A_165 = tpu.memref_squeeze %dma_start3A_164 : memref<1x8x1024xf32, #tpu.memory_space<hbm>> -> memref<8x1024xf32, #tpu.memory_space<hbm>>
      %dma_start3A_166 = arith.constant 0 : i32
      %dma_start3A_167 = tpu.memref_slice %arg4[%dma_start3A_162, %add3A_161, %dma_start3A_166] : memref<4x8192x1024xf32, #tpu.memory_space<hbm>> -> memref<1x8x1024xf32, #tpu.memory_space<hbm>>
      %dma_start3A_168 = tpu.memref_squeeze %dma_start3A_167 : memref<1x8x1024xf32, #tpu.memory_space<hbm>> -> memref<8x1024xf32, #tpu.memory_space<hbm>>
      tpu.enqueue_dma source(%arg15 : memref<8x1024xf32, #tpu.memory_space<vmem>>) target(%dma_start3A_168 : memref<8x1024xf32, #tpu.memory_space<hbm>>) target_semaphore(%arg29 : memref<!tpu.dma_semaphore, #tpu.memory_space<semaphore_mem>>)
      %mul3A_169 = arith.constant 8 : i32
      %mul3A_170 = arith.muli %add3A_131, %mul3A_169 : i32
      %add3A_171 = arith.addi %mul3A_2, %mul3A_170 : i32
      %dma_wait3A_172 = arith.constant 1 : i32
      %dma_wait3A_173 = arith.constant 0 : i32
      %dma_wait3A_174 = tpu.memref_slice %arg2[%dma_wait3A_172, %add3A_171, %dma_wait3A_173] : memref<4x8192x1024xf32, #tpu.memory_space<hbm>> -> memref<1x8x1024xf32, #tpu.memory_space<hbm>>
      %dma_wait3A_175 = tpu.memref_squeeze %dma_wait3A_174 : memref<1x8x1024xf32, #tpu.memory_space<hbm>> -> memref<8x1024xf32, #tpu.memory_space<hbm>>
      %dma_wait3A_176 = arith.constant 0 : i32
      %dma_wait3A_177 = tpu.memref_slice %arg2[%dma_wait3A_172, %add3A_171, %dma_wait3A_176] : memref<4x8192x1024xf32, #tpu.memory_space<hbm>> -> memref<1x8x1024xf32, #tpu.memory_space<hbm>>
      %dma_wait3A_178 = tpu.memref_squeeze %dma_wait3A_177 : memref<1x8x1024xf32, #tpu.memory_space<hbm>> -> memref<8x1024xf32, #tpu.memory_space<hbm>>
      tpu.wait_dma2 semaphore(%arg22 : memref<!tpu.dma_semaphore, #tpu.memory_space<semaphore_mem>>) src(%dma_wait3A_178 : memref<8x1024xf32, #tpu.memory_space<hbm>>) dst(%arg8 : memref<8x1024xf32, #tpu.memory_space<vmem>>)
      %gt3A_179 = arith.constant 0 : i32
      %gt3A_180 = arith.cmpi sgt, %add3A_131, %gt3A_179 : i32
      %convert_element_type3A_181 = arith.extui %gt3A_180 : i1 to i32
      %cond3A_182 = arith.constant 0 : i32
      %cond3A_183 = arith.cmpi ne, %convert_element_type3A_181, %cond3A_182 : i32
      scf.if %cond3A_183 {
        %mul3A_437 = arith.constant 8 : i32
        %mul3A_438 = arith.muli %add3A_131, %mul3A_437 : i32
        %add3A_439 = arith.addi %mul3A_2, %mul3A_438 : i32
        %dma_wait3A_440 = arith.constant 1 : i32
        %dma_wait3A_441 = arith.constant 0 : i32
        %dma_wait3A_442 = tpu.memref_slice %arg4[%dma_wait3A_440, %add3A_439, %dma_wait3A_441] : memref<4x8192x1024xf32, #tpu.memory_space<hbm>> -> memref<1x8x1024xf32, #tpu.memory_space<hbm>>
        %dma_wait3A_443 = tpu.memref_squeeze %dma_wait3A_442 : memref<1x8x1024xf32, #tpu.memory_space<hbm>> -> memref<8x1024xf32, #tpu.memory_space<hbm>>
        %dma_wait3A_444 = arith.constant 0 : i32
        %dma_wait3A_445 = tpu.memref_slice %arg4[%dma_wait3A_440, %add3A_439, %dma_wait3A_444] : memref<4x8192x1024xf32, #tpu.memory_space<hbm>> -> memref<1x8x1024xf32, #tpu.memory_space<hbm>>
        %dma_wait3A_446 = tpu.memref_squeeze %dma_wait3A_445 : memref<1x8x1024xf32, #tpu.memory_space<hbm>> -> memref<8x1024xf32, #tpu.memory_space<hbm>>
        tpu.wait_dma2 semaphore(%arg30 : memref<!tpu.dma_semaphore, #tpu.memory_space<semaphore_mem>>) src(%arg16 : memref<8x1024xf32, #tpu.memory_space<vmem>>) dst(%dma_wait3A_446 : memref<8x1024xf32, #tpu.memory_space<hbm>>)
      } else {
      }
      %parallel_loop3A_184 = arith.constant 0 : i32
      %parallel_loop3A_185 = arith.constant 1024 : i32
      %parallel_loop3A_186 = arith.constant 16 : i32
      scf.for %parallel_loop3A_437 = %parallel_loop3A_184 to %parallel_loop3A_185 step %parallel_loop3A_186  : i32 {
        %parallel_loop3A_438 = arith.constant 0 : i32
        %parallel_loop3A_439 = arith.index_cast %parallel_loop3A_438 : i32 to index
        %parallel_loop3A_440 = arith.index_cast %parallel_loop3A_437 : i32 to index
        %parallel_loop3A_441 = tpu.vector_load %arg8[%parallel_loop3A_439, %parallel_loop3A_440] {strides = array<i32>} : memref<8x1024xf32, #tpu.memory_space<vmem>>, vector<1x16xf32>,
        %parallel_loop3A_442 = vector.shape_cast %parallel_loop3A_441 : vector<1x16xf32> to vector<16xf32>
        %parallel_loop3A_443 = arith.constant 0 : i32
        %parallel_loop3A_444 = arith.index_cast %parallel_loop3A_443 : i32 to index
        %parallel_loop3A_445 = arith.index_cast %parallel_loop3A_437 : i32 to index
        %parallel_loop3A_446 = tpu.vector_load %arg5[%parallel_loop3A_444, %parallel_loop3A_445] {strides = array<i32>} : memref<8x1024xf32, #tpu.memory_space<vmem>>, vector<1x16xf32>,
        %parallel_loop3A_447 = vector.shape_cast %parallel_loop3A_446 : vector<1x16xf32> to vector<16xf32>
        %parallel_loop3A_448 = arith.addf %parallel_loop3A_442, %parallel_loop3A_447 : vector<16xf32>
        %parallel_loop3A_449 = arith.constant 0 : i32
        %parallel_loop3A_450 = arith.index_cast %parallel_loop3A_449 : i32 to index
        %parallel_loop3A_451 = arith.index_cast %parallel_loop3A_437 : i32 to index
        %parallel_loop3A_452 = tpu.vector_load %arg16[%parallel_loop3A_450, %parallel_loop3A_451] {strides = array<i32>} : memref<8x1024xf32, #tpu.memory_space<vmem>>, vector<1x16xf32>,
        %parallel_loop3A_453 = vector.shape_cast %parallel_loop3A_452 : vector<1x16xf32> to vector<16xf32>
        %parallel_loop3A_454 = vector.shape_cast %parallel_loop3A_448 : vector<16xf32> to vector<1x16xf32>
        tpu.vector_store %arg16[%parallel_loop3A_450, %parallel_loop3A_451], %parallel_loop3A_454 {strides = array<i32>} : memref<8x1024xf32, #tpu.memory_space<vmem>>, vector<1x16xf32>,
        %parallel_loop3A_455 = arith.constant 1 : i32
        %parallel_loop3A_456 = arith.index_cast %parallel_loop3A_455 : i32 to index
        %parallel_loop3A_457 = arith.index_cast %parallel_loop3A_437 : i32 to index
        %parallel_loop3A_458 = tpu.vector_load %arg8[%parallel_loop3A_456, %parallel_loop3A_457] {strides = array<i32>} : memref<8x1024xf32, #tpu.memory_space<vmem>>, vector<1x16xf32>,
        %parallel_loop3A_459 = vector.shape_cast %parallel_loop3A_458 : vector<1x16xf32> to vector<16xf32>
        %parallel_loop3A_460 = arith.constant 1 : i32
        %parallel_loop3A_461 = arith.index_cast %parallel_loop3A_460 : i32 to index
        %parallel_loop3A_462 = arith.index_cast %parallel_loop3A_437 : i32 to index
        %parallel_loop3A_463 = tpu.vector_load %arg5[%parallel_loop3A_461, %parallel_loop3A_462] {strides = array<i32>} : memref<8x1024xf32, #tpu.memory_space<vmem>>, vector<1x16xf32>,
        %parallel_loop3A_464 = vector.shape_cast %parallel_loop3A_463 : vector<1x16xf32> to vector<16xf32>
        %parallel_loop3A_465 = arith.addf %parallel_loop3A_459, %parallel_loop3A_464 : vector<16xf32>
        %parallel_loop3A_466 = arith.constant 1 : i32
        %parallel_loop3A_467 = arith.index_cast %parallel_loop3A_466 : i32 to index
        %parallel_loop3A_468 = arith.index_cast %parallel_loop3A_437 : i32 to index
        %parallel_loop3A_469 = tpu.vector_load %arg16[%parallel_loop3A_467, %parallel_loop3A_468] {strides = array<i32>} : memref<8x1024xf32, #tpu.memory_space<vmem>>, vector<1x16xf32>,
        %parallel_loop3A_470 = vector.shape_cast %parallel_loop3A_469 : vector<1x16xf32> to vector<16xf32>
        %parallel_loop3A_471 = vector.shape_cast %parallel_loop3A_465 : vector<16xf32> to vector<1x16xf32>
        tpu.vector_store %arg16[%parallel_loop3A_467, %parallel_loop3A_468], %parallel_loop3A_471 {strides = array<i32>} : memref<8x1024xf32, #tpu.memory_space<vmem>>, vector<1x16xf32>,
        %parallel_loop3A_472 = arith.constant 2 : i32
        %parallel_loop3A_473 = arith.index_cast %parallel_loop3A_472 : i32 to index
        %parallel_loop3A_474 = arith.index_cast %parallel_loop3A_437 : i32 to index
        %parallel_loop3A_475 = tpu.vector_load %arg8[%parallel_loop3A_473, %parallel_loop3A_474] {strides = array<i32>} : memref<8x1024xf32, #tpu.memory_space<vmem>>, vector<1x16xf32>,
        %parallel_loop3A_476 = vector.shape_cast %parallel_loop3A_475 : vector<1x16xf32> to vector<16xf32>
        %parallel_loop3A_477 = arith.constant 2 : i32
        %parallel_loop3A_478 = arith.index_cast %parallel_loop3A_477 : i32 to index
        %parallel_loop3A_479 = arith.index_cast %parallel_loop3A_437 : i32 to index
        %parallel_loop3A_480 = tpu.vector_load %arg5[%parallel_loop3A_478, %parallel_loop3A_479] {strides = array<i32>} : memref<8x1024xf32, #tpu.memory_space<vmem>>, vector<1x16xf32>,
        %parallel_loop3A_481 = vector.shape_cast %parallel_loop3A_480 : vector<1x16xf32> to vector<16xf32>
        %parallel_loop3A_482 = arith.addf %parallel_loop3A_476, %parallel_loop3A_481 : vector<16xf32>
        %parallel_loop3A_483 = arith.constant 2 : i32
        %parallel_loop3A_484 = arith.index_cast %parallel_loop3A_483 : i32 to index
        %parallel_loop3A_485 = arith.index_cast %parallel_loop3A_437 : i32 to index
        %parallel_loop3A_486 = tpu.vector_load %arg16[%parallel_loop3A_484, %parallel_loop3A_485] {strides = array<i32>} : memref<8x1024xf32, #tpu.memory_space<vmem>>, vector<1x16xf32>,
        %parallel_loop3A_487 = vector.shape_cast %parallel_loop3A_486 : vector<1x16xf32> to vector<16xf32>
        %parallel_loop3A_488 = vector.shape_cast %parallel_loop3A_482 : vector<16xf32> to vector<1x16xf32>
        tpu.vector_store %arg16[%parallel_loop3A_484, %parallel_loop3A_485], %parallel_loop3A_488 {strides = array<i32>} : memref<8x1024xf32, #tpu.memory_space<vmem>>, vector<1x16xf32>,
        %parallel_loop3A_489 = arith.constant 3 : i32
        %parallel_loop3A_490 = arith.index_cast %parallel_loop3A_489 : i32 to index
        %parallel_loop3A_491 = arith.index_cast %parallel_loop3A_437 : i32 to index
        %parallel_loop3A_492 = tpu.vector_load %arg8[%parallel_loop3A_490, %parallel_loop3A_491] {strides = array<i32>} : memref<8x1024xf32, #tpu.memory_space<vmem>>, vector<1x16xf32>,
        %parallel_loop3A_493 = vector.shape_cast %parallel_loop3A_492 : vector<1x16xf32> to vector<16xf32>
        %parallel_loop3A_494 = arith.constant 3 : i32
        %parallel_loop3A_495 = arith.index_cast %parallel_loop3A_494 : i32 to index
        %parallel_loop3A_496 = arith.index_cast %parallel_loop3A_437 : i32 to index
        %parallel_loop3A_497 = tpu.vector_load %arg5[%parallel_loop3A_495, %parallel_loop3A_496] {strides = array<i32>} : memref<8x1024xf32, #tpu.memory_space<vmem>>, vector<1x16xf32>,
        %parallel_loop3A_498 = vector.shape_cast %parallel_loop3A_497 : vector<1x16xf32> to vector<16xf32>
        %parallel_loop3A_499 = arith.addf %parallel_loop3A_493, %parallel_loop3A_498 : vector<16xf32>
        %parallel_loop3A_500 = arith.constant 3 : i32
        %parallel_loop3A_501 = arith.index_cast %parallel_loop3A_500 : i32 to index
        %parallel_loop3A_502 = arith.index_cast %parallel_loop3A_437 : i32 to index
        %parallel_loop3A_503 = tpu.vector_load %arg16[%parallel_loop3A_501, %parallel_loop3A_502] {strides = array<i32>} : memref<8x1024xf32, #tpu.memory_space<vmem>>, vector<1x16xf32>,
        %parallel_loop3A_504 = vector.shape_cast %parallel_loop3A_503 : vector<1x16xf32> to vector<16xf32>
        %parallel_loop3A_505 = vector.shape_cast %parallel_loop3A_499 : vector<16xf32> to vector<1x16xf32>
        tpu.vector_store %arg16[%parallel_loop3A_501, %parallel_loop3A_502], %parallel_loop3A_505 {strides = array<i32>} : memref<8x1024xf32, #tpu.memory_space<vmem>>, vector<1x16xf32>,
        %parallel_loop3A_506 = arith.constant 4 : i32
        %parallel_loop3A_507 = arith.index_cast %parallel_loop3A_506 : i32 to index
        %parallel_loop3A_508 = arith.index_cast %parallel_loop3A_437 : i32 to index
        %parallel_loop3A_509 = tpu.vector_load %arg8[%parallel_loop3A_507, %parallel_loop3A_508] {strides = array<i32>} : memref<8x1024xf32, #tpu.memory_space<vmem>>, vector<1x16xf32>,
        %parallel_loop3A_510 = vector.shape_cast %parallel_loop3A_509 : vector<1x16xf32> to vector<16xf32>
        %parallel_loop3A_511 = arith.constant 4 : i32
        %parallel_loop3A_512 = arith.index_cast %parallel_loop3A_511 : i32 to index
        %parallel_loop3A_513 = arith.index_cast %parallel_loop3A_437 : i32 to index
        %parallel_loop3A_514 = tpu.vector_load %arg5[%parallel_loop3A_512, %parallel_loop3A_513] {strides = array<i32>} : memref<8x1024xf32, #tpu.memory_space<vmem>>, vector<1x16xf32>,
        %parallel_loop3A_515 = vector.shape_cast %parallel_loop3A_514 : vector<1x16xf32> to vector<16xf32>
        %parallel_loop3A_516 = arith.addf %parallel_loop3A_510, %parallel_loop3A_515 : vector<16xf32>
        %parallel_loop3A_517 = arith.constant 4 : i32
        %parallel_loop3A_518 = arith.index_cast %parallel_loop3A_517 : i32 to index
        %parallel_loop3A_519 = arith.index_cast %parallel_loop3A_437 : i32 to index
        %parallel_loop3A_520 = tpu.vector_load %arg16[%parallel_loop3A_518, %parallel_loop3A_519] {strides = array<i32>} : memref<8x1024xf32, #tpu.memory_space<vmem>>, vector<1x16xf32>,
        %parallel_loop3A_521 = vector.shape_cast %parallel_loop3A_520 : vector<1x16xf32> to vector<16xf32>
        %parallel_loop3A_522 = vector.shape_cast %parallel_loop3A_516 : vector<16xf32> to vector<1x16xf32>
        tpu.vector_store %arg16[%parallel_loop3A_518, %parallel_loop3A_519], %parallel_loop3A_522 {strides = array<i32>} : memref<8x1024xf32, #tpu.memory_space<vmem>>, vector<1x16xf32>,
        %parallel_loop3A_523 = arith.constant 5 : i32
        %parallel_loop3A_524 = arith.index_cast %parallel_loop3A_523 : i32 to index
        %parallel_loop3A_525 = arith.index_cast %parallel_loop3A_437 : i32 to index
        %parallel_loop3A_526 = tpu.vector_load %arg8[%parallel_loop3A_524, %parallel_loop3A_525] {strides = array<i32>} : memref<8x1024xf32, #tpu.memory_space<vmem>>, vector<1x16xf32>,
        %parallel_loop3A_527 = vector.shape_cast %parallel_loop3A_526 : vector<1x16xf32> to vector<16xf32>
        %parallel_loop3A_528 = arith.constant 5 : i32
        %parallel_loop3A_529 = arith.index_cast %parallel_loop3A_528 : i32 to index
        %parallel_loop3A_530 = arith.index_cast %parallel_loop3A_437 : i32 to index
        %parallel_loop3A_531 = tpu.vector_load %arg5[%parallel_loop3A_529, %parallel_loop3A_530] {strides = array<i32>} : memref<8x1024xf32, #tpu.memory_space<vmem>>, vector<1x16xf32>,
        %parallel_loop3A_532 = vector.shape_cast %parallel_loop3A_531 : vector<1x16xf32> to vector<16xf32>
        %parallel_loop3A_533 = arith.addf %parallel_loop3A_527, %parallel_loop3A_532 : vector<16xf32>
        %parallel_loop3A_534 = arith.constant 5 : i32
        %parallel_loop3A_535 = arith.index_cast %parallel_loop3A_534 : i32 to index
        %parallel_loop3A_536 = arith.index_cast %parallel_loop3A_437 : i32 to index
        %parallel_loop3A_537 = tpu.vector_load %arg16[%parallel_loop3A_535, %parallel_loop3A_536] {strides = array<i32>} : memref<8x1024xf32, #tpu.memory_space<vmem>>, vector<1x16xf32>,
        %parallel_loop3A_538 = vector.shape_cast %parallel_loop3A_537 : vector<1x16xf32> to vector<16xf32>
        %parallel_loop3A_539 = vector.shape_cast %parallel_loop3A_533 : vector<16xf32> to vector<1x16xf32>
        tpu.vector_store %arg16[%parallel_loop3A_535, %parallel_loop3A_536], %parallel_loop3A_539 {strides = array<i32>} : memref<8x1024xf32, #tpu.memory_space<vmem>>, vector<1x16xf32>,
        %parallel_loop3A_540 = arith.constant 6 : i32
        %parallel_loop3A_541 = arith.index_cast %parallel_loop3A_540 : i32 to index
        %parallel_loop3A_542 = arith.index_cast %parallel_loop3A_437 : i32 to index
        %parallel_loop3A_543 = tpu.vector_load %arg8[%parallel_loop3A_541, %parallel_loop3A_542] {strides = array<i32>} : memref<8x1024xf32, #tpu.memory_space<vmem>>, vector<1x16xf32>,
        %parallel_loop3A_544 = vector.shape_cast %parallel_loop3A_543 : vector<1x16xf32> to vector<16xf32>
        %parallel_loop3A_545 = arith.constant 6 : i32
        %parallel_loop3A_546 = arith.index_cast %parallel_loop3A_545 : i32 to index
        %parallel_loop3A_547 = arith.index_cast %parallel_loop3A_437 : i32 to index
        %parallel_loop3A_548 = tpu.vector_load %arg5[%parallel_loop3A_546, %parallel_loop3A_547] {strides = array<i32>} : memref<8x1024xf32, #tpu.memory_space<vmem>>, vector<1x16xf32>,
        %parallel_loop3A_549 = vector.shape_cast %parallel_loop3A_548 : vector<1x16xf32> to vector<16xf32>
        %parallel_loop3A_550 = arith.addf %parallel_loop3A_544, %parallel_loop3A_549 : vector<16xf32>
        %parallel_loop3A_551 = arith.constant 6 : i32
        %parallel_loop3A_552 = arith.index_cast %parallel_loop3A_551 : i32 to index
        %parallel_loop3A_553 = arith.index_cast %parallel_loop3A_437 : i32 to index
        %parallel_loop3A_554 = tpu.vector_load %arg16[%parallel_loop3A_552, %parallel_loop3A_553] {strides = array<i32>} : memref<8x1024xf32, #tpu.memory_space<vmem>>, vector<1x16xf32>,
        %parallel_loop3A_555 = vector.shape_cast %parallel_loop3A_554 : vector<1x16xf32> to vector<16xf32>
        %parallel_loop3A_556 = vector.shape_cast %parallel_loop3A_550 : vector<16xf32> to vector<1x16xf32>
        tpu.vector_store %arg16[%parallel_loop3A_552, %parallel_loop3A_553], %parallel_loop3A_556 {strides = array<i32>} : memref<8x1024xf32, #tpu.memory_space<vmem>>, vector<1x16xf32>,
        %parallel_loop3A_557 = arith.constant 7 : i32
        %parallel_loop3A_558 = arith.index_cast %parallel_loop3A_557 : i32 to index
        %parallel_loop3A_559 = arith.index_cast %parallel_loop3A_437 : i32 to index
        %parallel_loop3A_560 = tpu.vector_load %arg8[%parallel_loop3A_558, %parallel_loop3A_559] {strides = array<i32>} : memref<8x1024xf32, #tpu.memory_space<vmem>>, vector<1x16xf32>,
        %parallel_loop3A_561 = vector.shape_cast %parallel_loop3A_560 : vector<1x16xf32> to vector<16xf32>
        %parallel_loop3A_562 = arith.constant 7 : i32
        %parallel_loop3A_563 = arith.index_cast %parallel_loop3A_562 : i32 to index
        %parallel_loop3A_564 = arith.index_cast %parallel_loop3A_437 : i32 to index
        %parallel_loop3A_565 = tpu.vector_load %arg5[%parallel_loop3A_563, %parallel_loop3A_564] {strides = array<i32>} : memref<8x1024xf32, #tpu.memory_space<vmem>>, vector<1x16xf32>,
        %parallel_loop3A_566 = vector.shape_cast %parallel_loop3A_565 : vector<1x16xf32> to vector<16xf32>
        %parallel_loop3A_567 = arith.addf %parallel_loop3A_561, %parallel_loop3A_566 : vector<16xf32>
        %parallel_loop3A_568 = arith.constant 7 : i32
        %parallel_loop3A_569 = arith.index_cast %parallel_loop3A_568 : i32 to index
        %parallel_loop3A_570 = arith.index_cast %parallel_loop3A_437 : i32 to index
        %parallel_loop3A_571 = tpu.vector_load %arg16[%parallel_loop3A_569, %parallel_loop3A_570] {strides = array<i32>} : memref<8x1024xf32, #tpu.memory_space<vmem>>, vector<1x16xf32>,
        %parallel_loop3A_572 = vector.shape_cast %parallel_loop3A_571 : vector<1x16xf32> to vector<16xf32>
        %parallel_loop3A_573 = vector.shape_cast %parallel_loop3A_567 : vector<16xf32> to vector<1x16xf32>
        tpu.vector_store %arg16[%parallel_loop3A_569, %parallel_loop3A_570], %parallel_loop3A_573 {strides = array<i32>} : memref<8x1024xf32, #tpu.memory_space<vmem>>, vector<1x16xf32>,
      } {sc.loop_unroll_factor = 1 : i64, sc.parallel_access}
      %add3A_187 = arith.constant 2 : i32
      %add3A_188 = arith.addi %add3A_131, %add3A_187 : i32
      %lt3A_189 = arith.constant 32 : i32
      %lt3A_190 = arith.cmpi slt, %add3A_188, %lt3A_189 : i32
      %convert_element_type3A_191 = arith.extui %lt3A_190 : i1 to i32
      %cond3A_192 = arith.constant 0 : i32
      %cond3A_193 = arith.cmpi ne, %convert_element_type3A_191, %cond3A_192 : i32
      scf.if %cond3A_193 {
        %add3A_437 = arith.constant 2 : i32
        %add3A_438 = arith.addi %add3A_131, %add3A_437 : i32
        %mul3A_439 = arith.constant 8 : i32
        %mul3A_440 = arith.muli %add3A_438, %mul3A_439 : i32
        %add3A_441 = arith.addi %mul3A_2, %mul3A_440 : i32
        %dma_start3A_442 = arith.constant 1 : i32
        %dma_start3A_443 = arith.constant 0 : i32
        %dma_start3A_444 = tpu.memref_slice %arg2[%dma_start3A_442, %add3A_441, %dma_start3A_443] : memref<4x8192x1024xf32, #tpu.memory_space<hbm>> -> memref<1x8x1024xf32, #tpu.memory_space<hbm>>
        %dma_start3A_445 = tpu.memref_squeeze %dma_start3A_444 : memref<1x8x1024xf32, #tpu.memory_space<hbm>> -> memref<8x1024xf32, #tpu.memory_space<hbm>>
        %dma_start3A_446 = arith.constant 0 : i32
        %dma_start3A_447 = tpu.memref_slice %arg2[%dma_start3A_442, %add3A_441, %dma_start3A_446] : memref<4x8192x1024xf32, #tpu.memory_space<hbm>> -> memref<1x8x1024xf32, #tpu.memory_space<hbm>>
        %dma_start3A_448 = tpu.memref_squeeze %dma_start3A_447 : memref<1x8x1024xf32, #tpu.memory_space<hbm>> -> memref<8x1024xf32, #tpu.memory_space<hbm>>
        tpu.enqueue_dma source(%dma_start3A_448 : memref<8x1024xf32, #tpu.memory_space<hbm>>) target(%arg8 : memref<8x1024xf32, #tpu.memory_space<vmem>>) target_semaphore(%arg22 : memref<!tpu.dma_semaphore, #tpu.memory_space<semaphore_mem>>)
      } else {
      }
      %mul3A_194 = arith.constant 8 : i32
      %mul3A_195 = arith.muli %add3A_131, %mul3A_194 : i32
      %add3A_196 = arith.addi %mul3A_2, %mul3A_195 : i32
      %dma_start3A_197 = arith.constant 1 : i32
      %dma_start3A_198 = arith.constant 0 : i32
      %dma_start3A_199 = tpu.memref_slice %arg4[%dma_start3A_197, %add3A_196, %dma_start3A_198] : memref<4x8192x1024xf32, #tpu.memory_space<hbm>> -> memref<1x8x1024xf32, #tpu.memory_space<hbm>>
      %dma_start3A_200 = tpu.memref_squeeze %dma_start3A_199 : memref<1x8x1024xf32, #tpu.memory_space<hbm>> -> memref<8x1024xf32, #tpu.memory_space<hbm>>
      %dma_start3A_201 = arith.constant 0 : i32
      %dma_start3A_202 = tpu.memref_slice %arg4[%dma_start3A_197, %add3A_196, %dma_start3A_201] : memref<4x8192x1024xf32, #tpu.memory_space<hbm>> -> memref<1x8x1024xf32, #tpu.memory_space<hbm>>
      %dma_start3A_203 = tpu.memref_squeeze %dma_start3A_202 : memref<1x8x1024xf32, #tpu.memory_space<hbm>> -> memref<8x1024xf32, #tpu.memory_space<hbm>>
      tpu.enqueue_dma source(%arg16 : memref<8x1024xf32, #tpu.memory_space<vmem>>) target(%dma_start3A_203 : memref<8x1024xf32, #tpu.memory_space<hbm>>) target_semaphore(%arg30 : memref<!tpu.dma_semaphore, #tpu.memory_space<semaphore_mem>>)
      %mul3A_204 = arith.constant 8 : i32
      %mul3A_205 = arith.muli %add3A_131, %mul3A_204 : i32
      %add3A_206 = arith.addi %mul3A_2, %mul3A_205 : i32
      %dma_wait3A_207 = arith.constant 2 : i32
      %dma_wait3A_208 = arith.constant 0 : i32
      %dma_wait3A_209 = tpu.memref_slice %arg2[%dma_wait3A_207, %add3A_206, %dma_wait3A_208] : memref<4x8192x1024xf32, #tpu.memory_space<hbm>> -> memref<1x8x1024xf32, #tpu.memory_space<hbm>>
      %dma_wait3A_210 = tpu.memref_squeeze %dma_wait3A_209 : memref<1x8x1024xf32, #tpu.memory_space<hbm>> -> memref<8x1024xf32, #tpu.memory_space<hbm>>
      %dma_wait3A_211 = arith.constant 0 : i32
      %dma_wait3A_212 = tpu.memref_slice %arg2[%dma_wait3A_207, %add3A_206, %dma_wait3A_211] : memref<4x8192x1024xf32, #tpu.memory_space<hbm>> -> memref<1x8x1024xf32, #tpu.memory_space<hbm>>
      %dma_wait3A_213 = tpu.memref_squeeze %dma_wait3A_212 : memref<1x8x1024xf32, #tpu.memory_space<hbm>> -> memref<8x1024xf32, #tpu.memory_space<hbm>>
      tpu.wait_dma2 semaphore(%arg23 : memref<!tpu.dma_semaphore, #tpu.memory_space<semaphore_mem>>) src(%dma_wait3A_213 : memref<8x1024xf32, #tpu.memory_space<hbm>>) dst(%arg9 : memref<8x1024xf32, #tpu.memory_space<vmem>>)
      %gt3A_214 = arith.constant 0 : i32
      %gt3A_215 = arith.cmpi sgt, %add3A_131, %gt3A_214 : i32
      %convert_element_type3A_216 = arith.extui %gt3A_215 : i1 to i32
      %cond3A_217 = arith.constant 0 : i32
      %cond3A_218 = arith.cmpi ne, %convert_element_type3A_216, %cond3A_217 : i32
      scf.if %cond3A_218 {
        %mul3A_437 = arith.constant 8 : i32
        %mul3A_438 = arith.muli %add3A_131, %mul3A_437 : i32
        %add3A_439 = arith.addi %mul3A_2, %mul3A_438 : i32
        %dma_wait3A_440 = arith.constant 2 : i32
        %dma_wait3A_441 = arith.constant 0 : i32
        %dma_wait3A_442 = tpu.memref_slice %arg4[%dma_wait3A_440, %add3A_439, %dma_wait3A_441] : memref<4x8192x1024xf32, #tpu.memory_space<hbm>> -> memref<1x8x1024xf32, #tpu.memory_space<hbm>>
        %dma_wait3A_443 = tpu.memref_squeeze %dma_wait3A_442 : memref<1x8x1024xf32, #tpu.memory_space<hbm>> -> memref<8x1024xf32, #tpu.memory_space<hbm>>
        %dma_wait3A_444 = arith.constant 0 : i32
        %dma_wait3A_445 = tpu.memref_slice %arg4[%dma_wait3A_440, %add3A_439, %dma_wait3A_444] : memref<4x8192x1024xf32, #tpu.memory_space<hbm>> -> memref<1x8x1024xf32, #tpu.memory_space<hbm>>
        %dma_wait3A_446 = tpu.memref_squeeze %dma_wait3A_445 : memref<1x8x1024xf32, #tpu.memory_space<hbm>> -> memref<8x1024xf32, #tpu.memory_space<hbm>>
        tpu.wait_dma2 semaphore(%arg31 : memref<!tpu.dma_semaphore, #tpu.memory_space<semaphore_mem>>) src(%arg17 : memref<8x1024xf32, #tpu.memory_space<vmem>>) dst(%dma_wait3A_446 : memref<8x1024xf32, #tpu.memory_space<hbm>>)
      } else {
      }
      %parallel_loop3A_219 = arith.constant 0 : i32
      %parallel_loop3A_220 = arith.constant 1024 : i32
      %parallel_loop3A_221 = arith.constant 16 : i32
      scf.for %parallel_loop3A_437 = %parallel_loop3A_219 to %parallel_loop3A_220 step %parallel_loop3A_221  : i32 {
        %parallel_loop3A_438 = arith.constant 0 : i32
        %parallel_loop3A_439 = arith.index_cast %parallel_loop3A_438 : i32 to index
        %parallel_loop3A_440 = arith.index_cast %parallel_loop3A_437 : i32 to index
        %parallel_loop3A_441 = tpu.vector_load %arg9[%parallel_loop3A_439, %parallel_loop3A_440] {strides = array<i32>} : memref<8x1024xf32, #tpu.memory_space<vmem>>, vector<1x16xf32>,
        %parallel_loop3A_442 = vector.shape_cast %parallel_loop3A_441 : vector<1x16xf32> to vector<16xf32>
        %parallel_loop3A_443 = arith.constant 0 : i32
        %parallel_loop3A_444 = arith.index_cast %parallel_loop3A_443 : i32 to index
        %parallel_loop3A_445 = arith.index_cast %parallel_loop3A_437 : i32 to index
        %parallel_loop3A_446 = tpu.vector_load %arg5[%parallel_loop3A_444, %parallel_loop3A_445] {strides = array<i32>} : memref<8x1024xf32, #tpu.memory_space<vmem>>, vector<1x16xf32>,
        %parallel_loop3A_447 = vector.shape_cast %parallel_loop3A_446 : vector<1x16xf32> to vector<16xf32>
        %parallel_loop3A_448 = arith.addf %parallel_loop3A_442, %parallel_loop3A_447 : vector<16xf32>
        %parallel_loop3A_449 = arith.constant 0 : i32
        %parallel_loop3A_450 = arith.index_cast %parallel_loop3A_449 : i32 to index
        %parallel_loop3A_451 = arith.index_cast %parallel_loop3A_437 : i32 to index
        %parallel_loop3A_452 = tpu.vector_load %arg17[%parallel_loop3A_450, %parallel_loop3A_451] {strides = array<i32>} : memref<8x1024xf32, #tpu.memory_space<vmem>>, vector<1x16xf32>,
        %parallel_loop3A_453 = vector.shape_cast %parallel_loop3A_452 : vector<1x16xf32> to vector<16xf32>
        %parallel_loop3A_454 = vector.shape_cast %parallel_loop3A_448 : vector<16xf32> to vector<1x16xf32>
        tpu.vector_store %arg17[%parallel_loop3A_450, %parallel_loop3A_451], %parallel_loop3A_454 {strides = array<i32>} : memref<8x1024xf32, #tpu.memory_space<vmem>>, vector<1x16xf32>,
        %parallel_loop3A_455 = arith.constant 1 : i32
        %parallel_loop3A_456 = arith.index_cast %parallel_loop3A_455 : i32 to index
        %parallel_loop3A_457 = arith.index_cast %parallel_loop3A_437 : i32 to index
        %parallel_loop3A_458 = tpu.vector_load %arg9[%parallel_loop3A_456, %parallel_loop3A_457] {strides = array<i32>} : memref<8x1024xf32, #tpu.memory_space<vmem>>, vector<1x16xf32>,
        %parallel_loop3A_459 = vector.shape_cast %parallel_loop3A_458 : vector<1x16xf32> to vector<16xf32>
        %parallel_loop3A_460 = arith.constant 1 : i32
        %parallel_loop3A_461 = arith.index_cast %parallel_loop3A_460 : i32 to index
        %parallel_loop3A_462 = arith.index_cast %parallel_loop3A_437 : i32 to index
        %parallel_loop3A_463 = tpu.vector_load %arg5[%parallel_loop3A_461, %parallel_loop3A_462] {strides = array<i32>} : memref<8x1024xf32, #tpu.memory_space<vmem>>, vector<1x16xf32>,
        %parallel_loop3A_464 = vector.shape_cast %parallel_loop3A_463 : vector<1x16xf32> to vector<16xf32>
        %parallel_loop3A_465 = arith.addf %parallel_loop3A_459, %parallel_loop3A_464 : vector<16xf32>
        %parallel_loop3A_466 = arith.constant 1 : i32
        %parallel_loop3A_467 = arith.index_cast %parallel_loop3A_466 : i32 to index
        %parallel_loop3A_468 = arith.index_cast %parallel_loop3A_437 : i32 to index
        %parallel_loop3A_469 = tpu.vector_load %arg17[%parallel_loop3A_467, %parallel_loop3A_468] {strides = array<i32>} : memref<8x1024xf32, #tpu.memory_space<vmem>>, vector<1x16xf32>,
        %parallel_loop3A_470 = vector.shape_cast %parallel_loop3A_469 : vector<1x16xf32> to vector<16xf32>
        %parallel_loop3A_471 = vector.shape_cast %parallel_loop3A_465 : vector<16xf32> to vector<1x16xf32>
        tpu.vector_store %arg17[%parallel_loop3A_467, %parallel_loop3A_468], %parallel_loop3A_471 {strides = array<i32>} : memref<8x1024xf32, #tpu.memory_space<vmem>>, vector<1x16xf32>,
        %parallel_loop3A_472 = arith.constant 2 : i32
        %parallel_loop3A_473 = arith.index_cast %parallel_loop3A_472 : i32 to index
        %parallel_loop3A_474 = arith.index_cast %parallel_loop3A_437 : i32 to index
        %parallel_loop3A_475 = tpu.vector_load %arg9[%parallel_loop3A_473, %parallel_loop3A_474] {strides = array<i32>} : memref<8x1024xf32, #tpu.memory_space<vmem>>, vector<1x16xf32>,
        %parallel_loop3A_476 = vector.shape_cast %parallel_loop3A_475 : vector<1x16xf32> to vector<16xf32>
        %parallel_loop3A_477 = arith.constant 2 : i32
        %parallel_loop3A_478 = arith.index_cast %parallel_loop3A_477 : i32 to index
        %parallel_loop3A_479 = arith.index_cast %parallel_loop3A_437 : i32 to index
        %parallel_loop3A_480 = tpu.vector_load %arg5[%parallel_loop3A_478, %parallel_loop3A_479] {strides = array<i32>} : memref<8x1024xf32, #tpu.memory_space<vmem>>, vector<1x16xf32>,
        %parallel_loop3A_481 = vector.shape_cast %parallel_loop3A_480 : vector<1x16xf32> to vector<16xf32>
        %parallel_loop3A_482 = arith.addf %parallel_loop3A_476, %parallel_loop3A_481 : vector<16xf32>
        %parallel_loop3A_483 = arith.constant 2 : i32
        %parallel_loop3A_484 = arith.index_cast %parallel_loop3A_483 : i32 to index
        %parallel_loop3A_485 = arith.index_cast %parallel_loop3A_437 : i32 to index
        %parallel_loop3A_486 = tpu.vector_load %arg17[%parallel_loop3A_484, %parallel_loop3A_485] {strides = array<i32>} : memref<8x1024xf32, #tpu.memory_space<vmem>>, vector<1x16xf32>,
        %parallel_loop3A_487 = vector.shape_cast %parallel_loop3A_486 : vector<1x16xf32> to vector<16xf32>
        %parallel_loop3A_488 = vector.shape_cast %parallel_loop3A_482 : vector<16xf32> to vector<1x16xf32>
        tpu.vector_store %arg17[%parallel_loop3A_484, %parallel_loop3A_485], %parallel_loop3A_488 {strides = array<i32>} : memref<8x1024xf32, #tpu.memory_space<vmem>>, vector<1x16xf32>,
        %parallel_loop3A_489 = arith.constant 3 : i32
        %parallel_loop3A_490 = arith.index_cast %parallel_loop3A_489 : i32 to index
        %parallel_loop3A_491 = arith.index_cast %parallel_loop3A_437 : i32 to index
        %parallel_loop3A_492 = tpu.vector_load %arg9[%parallel_loop3A_490, %parallel_loop3A_491] {strides = array<i32>} : memref<8x1024xf32, #tpu.memory_space<vmem>>, vector<1x16xf32>,
        %parallel_loop3A_493 = vector.shape_cast %parallel_loop3A_492 : vector<1x16xf32> to vector<16xf32>
        %parallel_loop3A_494 = arith.constant 3 : i32
        %parallel_loop3A_495 = arith.index_cast %parallel_loop3A_494 : i32 to index
        %parallel_loop3A_496 = arith.index_cast %parallel_loop3A_437 : i32 to index
        %parallel_loop3A_497 = tpu.vector_load %arg5[%parallel_loop3A_495, %parallel_loop3A_496] {strides = array<i32>} : memref<8x1024xf32, #tpu.memory_space<vmem>>, vector<1x16xf32>,
        %parallel_loop3A_498 = vector.shape_cast %parallel_loop3A_497 : vector<1x16xf32> to vector<16xf32>
        %parallel_loop3A_499 = arith.addf %parallel_loop3A_493, %parallel_loop3A_498 : vector<16xf32>
        %parallel_loop3A_500 = arith.constant 3 : i32
        %parallel_loop3A_501 = arith.index_cast %parallel_loop3A_500 : i32 to index
        %parallel_loop3A_502 = arith.index_cast %parallel_loop3A_437 : i32 to index
        %parallel_loop3A_503 = tpu.vector_load %arg17[%parallel_loop3A_501, %parallel_loop3A_502] {strides = array<i32>} : memref<8x1024xf32, #tpu.memory_space<vmem>>, vector<1x16xf32>,
        %parallel_loop3A_504 = vector.shape_cast %parallel_loop3A_503 : vector<1x16xf32> to vector<16xf32>
        %parallel_loop3A_505 = vector.shape_cast %parallel_loop3A_499 : vector<16xf32> to vector<1x16xf32>
        tpu.vector_store %arg17[%parallel_loop3A_501, %parallel_loop3A_502], %parallel_loop3A_505 {strides = array<i32>} : memref<8x1024xf32, #tpu.memory_space<vmem>>, vector<1x16xf32>,
        %parallel_loop3A_506 = arith.constant 4 : i32
        %parallel_loop3A_507 = arith.index_cast %parallel_loop3A_506 : i32 to index
        %parallel_loop3A_508 = arith.index_cast %parallel_loop3A_437 : i32 to index
        %parallel_loop3A_509 = tpu.vector_load %arg9[%parallel_loop3A_507, %parallel_loop3A_508] {strides = array<i32>} : memref<8x1024xf32, #tpu.memory_space<vmem>>, vector<1x16xf32>,
        %parallel_loop3A_510 = vector.shape_cast %parallel_loop3A_509 : vector<1x16xf32> to vector<16xf32>
        %parallel_loop3A_511 = arith.constant 4 : i32
        %parallel_loop3A_512 = arith.index_cast %parallel_loop3A_511 : i32 to index
        %parallel_loop3A_513 = arith.index_cast %parallel_loop3A_437 : i32 to index
        %parallel_loop3A_514 = tpu.vector_load %arg5[%parallel_loop3A_512, %parallel_loop3A_513] {strides = array<i32>} : memref<8x1024xf32, #tpu.memory_space<vmem>>, vector<1x16xf32>,
        %parallel_loop3A_515 = vector.shape_cast %parallel_loop3A_514 : vector<1x16xf32> to vector<16xf32>
        %parallel_loop3A_516 = arith.addf %parallel_loop3A_510, %parallel_loop3A_515 : vector<16xf32>
        %parallel_loop3A_517 = arith.constant 4 : i32
        %parallel_loop3A_518 = arith.index_cast %parallel_loop3A_517 : i32 to index
        %parallel_loop3A_519 = arith.index_cast %parallel_loop3A_437 : i32 to index
        %parallel_loop3A_520 = tpu.vector_load %arg17[%parallel_loop3A_518, %parallel_loop3A_519] {strides = array<i32>} : memref<8x1024xf32, #tpu.memory_space<vmem>>, vector<1x16xf32>,
        %parallel_loop3A_521 = vector.shape_cast %parallel_loop3A_520 : vector<1x16xf32> to vector<16xf32>
        %parallel_loop3A_522 = vector.shape_cast %parallel_loop3A_516 : vector<16xf32> to vector<1x16xf32>
        tpu.vector_store %arg17[%parallel_loop3A_518, %parallel_loop3A_519], %parallel_loop3A_522 {strides = array<i32>} : memref<8x1024xf32, #tpu.memory_space<vmem>>, vector<1x16xf32>,
        %parallel_loop3A_523 = arith.constant 5 : i32
        %parallel_loop3A_524 = arith.index_cast %parallel_loop3A_523 : i32 to index
        %parallel_loop3A_525 = arith.index_cast %parallel_loop3A_437 : i32 to index
        %parallel_loop3A_526 = tpu.vector_load %arg9[%parallel_loop3A_524, %parallel_loop3A_525] {strides = array<i32>} : memref<8x1024xf32, #tpu.memory_space<vmem>>, vector<1x16xf32>,
        %parallel_loop3A_527 = vector.shape_cast %parallel_loop3A_526 : vector<1x16xf32> to vector<16xf32>
        %parallel_loop3A_528 = arith.constant 5 : i32
        %parallel_loop3A_529 = arith.index_cast %parallel_loop3A_528 : i32 to index
        %parallel_loop3A_530 = arith.index_cast %parallel_loop3A_437 : i32 to index
        %parallel_loop3A_531 = tpu.vector_load %arg5[%parallel_loop3A_529, %parallel_loop3A_530] {strides = array<i32>} : memref<8x1024xf32, #tpu.memory_space<vmem>>, vector<1x16xf32>,
        %parallel_loop3A_532 = vector.shape_cast %parallel_loop3A_531 : vector<1x16xf32> to vector<16xf32>
        %parallel_loop3A_533 = arith.addf %parallel_loop3A_527, %parallel_loop3A_532 : vector<16xf32>
        %parallel_loop3A_534 = arith.constant 5 : i32
        %parallel_loop3A_535 = arith.index_cast %parallel_loop3A_534 : i32 to index
        %parallel_loop3A_536 = arith.index_cast %parallel_loop3A_437 : i32 to index
        %parallel_loop3A_537 = tpu.vector_load %arg17[%parallel_loop3A_535, %parallel_loop3A_536] {strides = array<i32>} : memref<8x1024xf32, #tpu.memory_space<vmem>>, vector<1x16xf32>,
        %parallel_loop3A_538 = vector.shape_cast %parallel_loop3A_537 : vector<1x16xf32> to vector<16xf32>
        %parallel_loop3A_539 = vector.shape_cast %parallel_loop3A_533 : vector<16xf32> to vector<1x16xf32>
        tpu.vector_store %arg17[%parallel_loop3A_535, %parallel_loop3A_536], %parallel_loop3A_539 {strides = array<i32>} : memref<8x1024xf32, #tpu.memory_space<vmem>>, vector<1x16xf32>,
        %parallel_loop3A_540 = arith.constant 6 : i32
        %parallel_loop3A_541 = arith.index_cast %parallel_loop3A_540 : i32 to index
        %parallel_loop3A_542 = arith.index_cast %parallel_loop3A_437 : i32 to index
        %parallel_loop3A_543 = tpu.vector_load %arg9[%parallel_loop3A_541, %parallel_loop3A_542] {strides = array<i32>} : memref<8x1024xf32, #tpu.memory_space<vmem>>, vector<1x16xf32>,
        %parallel_loop3A_544 = vector.shape_cast %parallel_loop3A_543 : vector<1x16xf32> to vector<16xf32>
        %parallel_loop3A_545 = arith.constant 6 : i32
        %parallel_loop3A_546 = arith.index_cast %parallel_loop3A_545 : i32 to index
        %parallel_loop3A_547 = arith.index_cast %parallel_loop3A_437 : i32 to index
        %parallel_loop3A_548 = tpu.vector_load %arg5[%parallel_loop3A_546, %parallel_loop3A_547] {strides = array<i32>} : memref<8x1024xf32, #tpu.memory_space<vmem>>, vector<1x16xf32>,
        %parallel_loop3A_549 = vector.shape_cast %parallel_loop3A_548 : vector<1x16xf32> to vector<16xf32>
        %parallel_loop3A_550 = arith.addf %parallel_loop3A_544, %parallel_loop3A_549 : vector<16xf32>
        %parallel_loop3A_551 = arith.constant 6 : i32
        %parallel_loop3A_552 = arith.index_cast %parallel_loop3A_551 : i32 to index
        %parallel_loop3A_553 = arith.index_cast %parallel_loop3A_437 : i32 to index
        %parallel_loop3A_554 = tpu.vector_load %arg17[%parallel_loop3A_552, %parallel_loop3A_553] {strides = array<i32>} : memref<8x1024xf32, #tpu.memory_space<vmem>>, vector<1x16xf32>,
        %parallel_loop3A_555 = vector.shape_cast %parallel_loop3A_554 : vector<1x16xf32> to vector<16xf32>
        %parallel_loop3A_556 = vector.shape_cast %parallel_loop3A_550 : vector<16xf32> to vector<1x16xf32>
        tpu.vector_store %arg17[%parallel_loop3A_552, %parallel_loop3A_553], %parallel_loop3A_556 {strides = array<i32>} : memref<8x1024xf32, #tpu.memory_space<vmem>>, vector<1x16xf32>,
        %parallel_loop3A_557 = arith.constant 7 : i32
        %parallel_loop3A_558 = arith.index_cast %parallel_loop3A_557 : i32 to index
        %parallel_loop3A_559 = arith.index_cast %parallel_loop3A_437 : i32 to index
        %parallel_loop3A_560 = tpu.vector_load %arg9[%parallel_loop3A_558, %parallel_loop3A_559] {strides = array<i32>} : memref<8x1024xf32, #tpu.memory_space<vmem>>, vector<1x16xf32>,
        %parallel_loop3A_561 = vector.shape_cast %parallel_loop3A_560 : vector<1x16xf32> to vector<16xf32>
        %parallel_loop3A_562 = arith.constant 7 : i32
        %parallel_loop3A_563 = arith.index_cast %parallel_loop3A_562 : i32 to index
        %parallel_loop3A_564 = arith.index_cast %parallel_loop3A_437 : i32 to index
        %parallel_loop3A_565 = tpu.vector_load %arg5[%parallel_loop3A_563, %parallel_loop3A_564] {strides = array<i32>} : memref<8x1024xf32, #tpu.memory_space<vmem>>, vector<1x16xf32>,
        %parallel_loop3A_566 = vector.shape_cast %parallel_loop3A_565 : vector<1x16xf32> to vector<16xf32>
        %parallel_loop3A_567 = arith.addf %parallel_loop3A_561, %parallel_loop3A_566 : vector<16xf32>
        %parallel_loop3A_568 = arith.constant 7 : i32
        %parallel_loop3A_569 = arith.index_cast %parallel_loop3A_568 : i32 to index
        %parallel_loop3A_570 = arith.index_cast %parallel_loop3A_437 : i32 to index
        %parallel_loop3A_571 = tpu.vector_load %arg17[%parallel_loop3A_569, %parallel_loop3A_570] {strides = array<i32>} : memref<8x1024xf32, #tpu.memory_space<vmem>>, vector<1x16xf32>,
        %parallel_loop3A_572 = vector.shape_cast %parallel_loop3A_571 : vector<1x16xf32> to vector<16xf32>
        %parallel_loop3A_573 = vector.shape_cast %parallel_loop3A_567 : vector<16xf32> to vector<1x16xf32>
        tpu.vector_store %arg17[%parallel_loop3A_569, %parallel_loop3A_570], %parallel_loop3A_573 {strides = array<i32>} : memref<8x1024xf32, #tpu.memory_space<vmem>>, vector<1x16xf32>,
      } {sc.loop_unroll_factor = 1 : i64, sc.parallel_access}
      %add3A_222 = arith.constant 2 : i32
      %add3A_223 = arith.addi %add3A_131, %add3A_222 : i32
      %lt3A_224 = arith.constant 32 : i32
      %lt3A_225 = arith.cmpi slt, %add3A_223, %lt3A_224 : i32
      %convert_element_type3A_226 = arith.extui %lt3A_225 : i1 to i32
      %cond3A_227 = arith.constant 0 : i32
      %cond3A_228 = arith.cmpi ne, %convert_element_type3A_226, %cond3A_227 : i32
      scf.if %cond3A_228 {
        %add3A_437 = arith.constant 2 : i32
        %add3A_438 = arith.addi %add3A_131, %add3A_437 : i32
        %mul3A_439 = arith.constant 8 : i32
        %mul3A_440 = arith.muli %add3A_438, %mul3A_439 : i32
        %add3A_441 = arith.addi %mul3A_2, %mul3A_440 : i32
        %dma_start3A_442 = arith.constant 2 : i32
        %dma_start3A_443 = arith.constant 0 : i32
        %dma_start3A_444 = tpu.memref_slice %arg2[%dma_start3A_442, %add3A_441, %dma_start3A_443] : memref<4x8192x1024xf32, #tpu.memory_space<hbm>> -> memref<1x8x1024xf32, #tpu.memory_space<hbm>>
        %dma_start3A_445 = tpu.memref_squeeze %dma_start3A_444 : memref<1x8x1024xf32, #tpu.memory_space<hbm>> -> memref<8x1024xf32, #tpu.memory_space<hbm>>
        %dma_start3A_446 = arith.constant 0 : i32
        %dma_start3A_447 = tpu.memref_slice %arg2[%dma_start3A_442, %add3A_441, %dma_start3A_446] : memref<4x8192x1024xf32, #tpu.memory_space<hbm>> -> memref<1x8x1024xf32, #tpu.memory_space<hbm>>
        %dma_start3A_448 = tpu.memref_squeeze %dma_start3A_447 : memref<1x8x1024xf32, #tpu.memory_space<hbm>> -> memref<8x1024xf32, #tpu.memory_space<hbm>>
        tpu.enqueue_dma source(%dma_start3A_448 : memref<8x1024xf32, #tpu.memory_space<hbm>>) target(%arg9 : memref<8x1024xf32, #tpu.memory_space<vmem>>) target_semaphore(%arg23 : memref<!tpu.dma_semaphore, #tpu.memory_space<semaphore_mem>>)
      } else {
      }
      %mul3A_229 = arith.constant 8 : i32
      %mul3A_230 = arith.muli %add3A_131, %mul3A_229 : i32
      %add3A_231 = arith.addi %mul3A_2, %mul3A_230 : i32
      %dma_start3A_232 = arith.constant 2 : i32
      %dma_start3A_233 = arith.constant 0 : i32
      %dma_start3A_234 = tpu.memref_slice %arg4[%dma_start3A_232, %add3A_231, %dma_start3A_233] : memref<4x8192x1024xf32, #tpu.memory_space<hbm>> -> memref<1x8x1024xf32, #tpu.memory_space<hbm>>
      %dma_start3A_235 = tpu.memref_squeeze %dma_start3A_234 : memref<1x8x1024xf32, #tpu.memory_space<hbm>> -> memref<8x1024xf32, #tpu.memory_space<hbm>>
      %dma_start3A_236 = arith.constant 0 : i32
      %dma_start3A_237 = tpu.memref_slice %arg4[%dma_start3A_232, %add3A_231, %dma_start3A_236] : memref<4x8192x1024xf32, #tpu.memory_space<hbm>> -> memref<1x8x1024xf32, #tpu.memory_space<hbm>>
      %dma_start3A_238 = tpu.memref_squeeze %dma_start3A_237 : memref<1x8x1024xf32, #tpu.memory_space<hbm>> -> memref<8x1024xf32, #tpu.memory_space<hbm>>
      tpu.enqueue_dma source(%arg17 : memref<8x1024xf32, #tpu.memory_space<vmem>>) target(%dma_start3A_238 : memref<8x1024xf32, #tpu.memory_space<hbm>>) target_semaphore(%arg31 : memref<!tpu.dma_semaphore, #tpu.memory_space<semaphore_mem>>)
      %mul3A_239 = arith.constant 8 : i32
      %mul3A_240 = arith.muli %add3A_131, %mul3A_239 : i32
      %add3A_241 = arith.addi %mul3A_2, %mul3A_240 : i32
      %dma_wait3A_242 = arith.constant 3 : i32
      %dma_wait3A_243 = arith.constant 0 : i32
      %dma_wait3A_244 = tpu.memref_slice %arg2[%dma_wait3A_242, %add3A_241, %dma_wait3A_243] : memref<4x8192x1024xf32, #tpu.memory_space<hbm>> -> memref<1x8x1024xf32, #tpu.memory_space<hbm>>
      %dma_wait3A_245 = tpu.memref_squeeze %dma_wait3A_244 : memref<1x8x1024xf32, #tpu.memory_space<hbm>> -> memref<8x1024xf32, #tpu.memory_space<hbm>>
      %dma_wait3A_246 = arith.constant 0 : i32
      %dma_wait3A_247 = tpu.memref_slice %arg2[%dma_wait3A_242, %add3A_241, %dma_wait3A_246] : memref<4x8192x1024xf32, #tpu.memory_space<hbm>> -> memref<1x8x1024xf32, #tpu.memory_space<hbm>>
      %dma_wait3A_248 = tpu.memref_squeeze %dma_wait3A_247 : memref<1x8x1024xf32, #tpu.memory_space<hbm>> -> memref<8x1024xf32, #tpu.memory_space<hbm>>
      tpu.wait_dma2 semaphore(%arg24 : memref<!tpu.dma_semaphore, #tpu.memory_space<semaphore_mem>>) src(%dma_wait3A_248 : memref<8x1024xf32, #tpu.memory_space<hbm>>) dst(%arg10 : memref<8x1024xf32, #tpu.memory_space<vmem>>)
      %gt3A_249 = arith.constant 0 : i32
      %gt3A_250 = arith.cmpi sgt, %add3A_131, %gt3A_249 : i32
      %convert_element_type3A_251 = arith.extui %gt3A_250 : i1 to i32
      %cond3A_252 = arith.constant 0 : i32
      %cond3A_253 = arith.cmpi ne, %convert_element_type3A_251, %cond3A_252 : i32
      scf.if %cond3A_253 {
        %mul3A_437 = arith.constant 8 : i32
        %mul3A_438 = arith.muli %add3A_131, %mul3A_437 : i32
        %add3A_439 = arith.addi %mul3A_2, %mul3A_438 : i32
        %dma_wait3A_440 = arith.constant 3 : i32
        %dma_wait3A_441 = arith.constant 0 : i32
        %dma_wait3A_442 = tpu.memref_slice %arg4[%dma_wait3A_440, %add3A_439, %dma_wait3A_441] : memref<4x8192x1024xf32, #tpu.memory_space<hbm>> -> memref<1x8x1024xf32, #tpu.memory_space<hbm>>
        %dma_wait3A_443 = tpu.memref_squeeze %dma_wait3A_442 : memref<1x8x1024xf32, #tpu.memory_space<hbm>> -> memref<8x1024xf32, #tpu.memory_space<hbm>>
        %dma_wait3A_444 = arith.constant 0 : i32
        %dma_wait3A_445 = tpu.memref_slice %arg4[%dma_wait3A_440, %add3A_439, %dma_wait3A_444] : memref<4x8192x1024xf32, #tpu.memory_space<hbm>> -> memref<1x8x1024xf32, #tpu.memory_space<hbm>>
        %dma_wait3A_446 = tpu.memref_squeeze %dma_wait3A_445 : memref<1x8x1024xf32, #tpu.memory_space<hbm>> -> memref<8x1024xf32, #tpu.memory_space<hbm>>
        tpu.wait_dma2 semaphore(%arg32 : memref<!tpu.dma_semaphore, #tpu.memory_space<semaphore_mem>>) src(%arg18 : memref<8x1024xf32, #tpu.memory_space<vmem>>) dst(%dma_wait3A_446 : memref<8x1024xf32, #tpu.memory_space<hbm>>)
      } else {
      }
      %parallel_loop3A_254 = arith.constant 0 : i32
      %parallel_loop3A_255 = arith.constant 1024 : i32
      %parallel_loop3A_256 = arith.constant 16 : i32
      scf.for %parallel_loop3A_437 = %parallel_loop3A_254 to %parallel_loop3A_255 step %parallel_loop3A_256  : i32 {
        %parallel_loop3A_438 = arith.constant 0 : i32
        %parallel_loop3A_439 = arith.index_cast %parallel_loop3A_438 : i32 to index
        %parallel_loop3A_440 = arith.index_cast %parallel_loop3A_437 : i32 to index
        %parallel_loop3A_441 = tpu.vector_load %arg10[%parallel_loop3A_439, %parallel_loop3A_440] {strides = array<i32>} : memref<8x1024xf32, #tpu.memory_space<vmem>>, vector<1x16xf32>,
        %parallel_loop3A_442 = vector.shape_cast %parallel_loop3A_441 : vector<1x16xf32> to vector<16xf32>
        %parallel_loop3A_443 = arith.constant 0 : i32
        %parallel_loop3A_444 = arith.index_cast %parallel_loop3A_443 : i32 to index
        %parallel_loop3A_445 = arith.index_cast %parallel_loop3A_437 : i32 to index
        %parallel_loop3A_446 = tpu.vector_load %arg5[%parallel_loop3A_444, %parallel_loop3A_445] {strides = array<i32>} : memref<8x1024xf32, #tpu.memory_space<vmem>>, vector<1x16xf32>,
        %parallel_loop3A_447 = vector.shape_cast %parallel_loop3A_446 : vector<1x16xf32> to vector<16xf32>
        %parallel_loop3A_448 = arith.addf %parallel_loop3A_442, %parallel_loop3A_447 : vector<16xf32>
        %parallel_loop3A_449 = arith.constant 0 : i32
        %parallel_loop3A_450 = arith.index_cast %parallel_loop3A_449 : i32 to index
        %parallel_loop3A_451 = arith.index_cast %parallel_loop3A_437 : i32 to index
        %parallel_loop3A_452 = tpu.vector_load %arg18[%parallel_loop3A_450, %parallel_loop3A_451] {strides = array<i32>} : memref<8x1024xf32, #tpu.memory_space<vmem>>, vector<1x16xf32>,
        %parallel_loop3A_453 = vector.shape_cast %parallel_loop3A_452 : vector<1x16xf32> to vector<16xf32>
        %parallel_loop3A_454 = vector.shape_cast %parallel_loop3A_448 : vector<16xf32> to vector<1x16xf32>
        tpu.vector_store %arg18[%parallel_loop3A_450, %parallel_loop3A_451], %parallel_loop3A_454 {strides = array<i32>} : memref<8x1024xf32, #tpu.memory_space<vmem>>, vector<1x16xf32>,
        %parallel_loop3A_455 = arith.constant 1 : i32
        %parallel_loop3A_456 = arith.index_cast %parallel_loop3A_455 : i32 to index
        %parallel_loop3A_457 = arith.index_cast %parallel_loop3A_437 : i32 to index
        %parallel_loop3A_458 = tpu.vector_load %arg10[%parallel_loop3A_456, %parallel_loop3A_457] {strides = array<i32>} : memref<8x1024xf32, #tpu.memory_space<vmem>>, vector<1x16xf32>,
        %parallel_loop3A_459 = vector.shape_cast %parallel_loop3A_458 : vector<1x16xf32> to vector<16xf32>
        %parallel_loop3A_460 = arith.constant 1 : i32
        %parallel_loop3A_461 = arith.index_cast %parallel_loop3A_460 : i32 to index
        %parallel_loop3A_462 = arith.index_cast %parallel_loop3A_437 : i32 to index
        %parallel_loop3A_463 = tpu.vector_load %arg5[%parallel_loop3A_461, %parallel_loop3A_462] {strides = array<i32>} : memref<8x1024xf32, #tpu.memory_space<vmem>>, vector<1x16xf32>,
        %parallel_loop3A_464 = vector.shape_cast %parallel_loop3A_463 : vector<1x16xf32> to vector<16xf32>
        %parallel_loop3A_465 = arith.addf %parallel_loop3A_459, %parallel_loop3A_464 : vector<16xf32>
        %parallel_loop3A_466 = arith.constant 1 : i32
        %parallel_loop3A_467 = arith.index_cast %parallel_loop3A_466 : i32 to index
        %parallel_loop3A_468 = arith.index_cast %parallel_loop3A_437 : i32 to index
        %parallel_loop3A_469 = tpu.vector_load %arg18[%parallel_loop3A_467, %parallel_loop3A_468] {strides = array<i32>} : memref<8x1024xf32, #tpu.memory_space<vmem>>, vector<1x16xf32>,
        %parallel_loop3A_470 = vector.shape_cast %parallel_loop3A_469 : vector<1x16xf32> to vector<16xf32>
        %parallel_loop3A_471 = vector.shape_cast %parallel_loop3A_465 : vector<16xf32> to vector<1x16xf32>
        tpu.vector_store %arg18[%parallel_loop3A_467, %parallel_loop3A_468], %parallel_loop3A_471 {strides = array<i32>} : memref<8x1024xf32, #tpu.memory_space<vmem>>, vector<1x16xf32>,
        %parallel_loop3A_472 = arith.constant 2 : i32
        %parallel_loop3A_473 = arith.index_cast %parallel_loop3A_472 : i32 to index
        %parallel_loop3A_474 = arith.index_cast %parallel_loop3A_437 : i32 to index
        %parallel_loop3A_475 = tpu.vector_load %arg10[%parallel_loop3A_473, %parallel_loop3A_474] {strides = array<i32>} : memref<8x1024xf32, #tpu.memory_space<vmem>>, vector<1x16xf32>,
        %parallel_loop3A_476 = vector.shape_cast %parallel_loop3A_475 : vector<1x16xf32> to vector<16xf32>
        %parallel_loop3A_477 = arith.constant 2 : i32
        %parallel_loop3A_478 = arith.index_cast %parallel_loop3A_477 : i32 to index
        %parallel_loop3A_479 = arith.index_cast %parallel_loop3A_437 : i32 to index
        %parallel_loop3A_480 = tpu.vector_load %arg5[%parallel_loop3A_478, %parallel_loop3A_479] {strides = array<i32>} : memref<8x1024xf32, #tpu.memory_space<vmem>>, vector<1x16xf32>,
        %parallel_loop3A_481 = vector.shape_cast %parallel_loop3A_480 : vector<1x16xf32> to vector<16xf32>
        %parallel_loop3A_482 = arith.addf %parallel_loop3A_476, %parallel_loop3A_481 : vector<16xf32>
        %parallel_loop3A_483 = arith.constant 2 : i32
        %parallel_loop3A_484 = arith.index_cast %parallel_loop3A_483 : i32 to index
        %parallel_loop3A_485 = arith.index_cast %parallel_loop3A_437 : i32 to index
        %parallel_loop3A_486 = tpu.vector_load %arg18[%parallel_loop3A_484, %parallel_loop3A_485] {strides = array<i32>} : memref<8x1024xf32, #tpu.memory_space<vmem>>, vector<1x16xf32>,
        %parallel_loop3A_487 = vector.shape_cast %parallel_loop3A_486 : vector<1x16xf32> to vector<16xf32>
        %parallel_loop3A_488 = vector.shape_cast %parallel_loop3A_482 : vector<16xf32> to vector<1x16xf32>
        tpu.vector_store %arg18[%parallel_loop3A_484, %parallel_loop3A_485], %parallel_loop3A_488 {strides = array<i32>} : memref<8x1024xf32, #tpu.memory_space<vmem>>, vector<1x16xf32>,
        %parallel_loop3A_489 = arith.constant 3 : i32
        %parallel_loop3A_490 = arith.index_cast %parallel_loop3A_489 : i32 to index
        %parallel_loop3A_491 = arith.index_cast %parallel_loop3A_437 : i32 to index
        %parallel_loop3A_492 = tpu.vector_load %arg10[%parallel_loop3A_490, %parallel_loop3A_491] {strides = array<i32>} : memref<8x1024xf32, #tpu.memory_space<vmem>>, vector<1x16xf32>,
        %parallel_loop3A_493 = vector.shape_cast %parallel_loop3A_492 : vector<1x16xf32> to vector<16xf32>
        %parallel_loop3A_494 = arith.constant 3 : i32
        %parallel_loop3A_495 = arith.index_cast %parallel_loop3A_494 : i32 to index
        %parallel_loop3A_496 = arith.index_cast %parallel_loop3A_437 : i32 to index
        %parallel_loop3A_497 = tpu.vector_load %arg5[%parallel_loop3A_495, %parallel_loop3A_496] {strides = array<i32>} : memref<8x1024xf32, #tpu.memory_space<vmem>>, vector<1x16xf32>,
        %parallel_loop3A_498 = vector.shape_cast %parallel_loop3A_497 : vector<1x16xf32> to vector<16xf32>
        %parallel_loop3A_499 = arith.addf %parallel_loop3A_493, %parallel_loop3A_498 : vector<16xf32>
        %parallel_loop3A_500 = arith.constant 3 : i32
        %parallel_loop3A_501 = arith.index_cast %parallel_loop3A_500 : i32 to index
        %parallel_loop3A_502 = arith.index_cast %parallel_loop3A_437 : i32 to index
        %parallel_loop3A_503 = tpu.vector_load %arg18[%parallel_loop3A_501, %parallel_loop3A_502] {strides = array<i32>} : memref<8x1024xf32, #tpu.memory_space<vmem>>, vector<1x16xf32>,
        %parallel_loop3A_504 = vector.shape_cast %parallel_loop3A_503 : vector<1x16xf32> to vector<16xf32>
        %parallel_loop3A_505 = vector.shape_cast %parallel_loop3A_499 : vector<16xf32> to vector<1x16xf32>
        tpu.vector_store %arg18[%parallel_loop3A_501, %parallel_loop3A_502], %parallel_loop3A_505 {strides = array<i32>} : memref<8x1024xf32, #tpu.memory_space<vmem>>, vector<1x16xf32>,
        %parallel_loop3A_506 = arith.constant 4 : i32
        %parallel_loop3A_507 = arith.index_cast %parallel_loop3A_506 : i32 to index
        %parallel_loop3A_508 = arith.index_cast %parallel_loop3A_437 : i32 to index
        %parallel_loop3A_509 = tpu.vector_load %arg10[%parallel_loop3A_507, %parallel_loop3A_508] {strides = array<i32>} : memref<8x1024xf32, #tpu.memory_space<vmem>>, vector<1x16xf32>,
        %parallel_loop3A_510 = vector.shape_cast %parallel_loop3A_509 : vector<1x16xf32> to vector<16xf32>
        %parallel_loop3A_511 = arith.constant 4 : i32
        %parallel_loop3A_512 = arith.index_cast %parallel_loop3A_511 : i32 to index
        %parallel_loop3A_513 = arith.index_cast %parallel_loop3A_437 : i32 to index
        %parallel_loop3A_514 = tpu.vector_load %arg5[%parallel_loop3A_512, %parallel_loop3A_513] {strides = array<i32>} : memref<8x1024xf32, #tpu.memory_space<vmem>>, vector<1x16xf32>,
        %parallel_loop3A_515 = vector.shape_cast %parallel_loop3A_514 : vector<1x16xf32> to vector<16xf32>
        %parallel_loop3A_516 = arith.addf %parallel_loop3A_510, %parallel_loop3A_515 : vector<16xf32>
        %parallel_loop3A_517 = arith.constant 4 : i32
        %parallel_loop3A_518 = arith.index_cast %parallel_loop3A_517 : i32 to index
        %parallel_loop3A_519 = arith.index_cast %parallel_loop3A_437 : i32 to index
        %parallel_loop3A_520 = tpu.vector_load %arg18[%parallel_loop3A_518, %parallel_loop3A_519] {strides = array<i32>} : memref<8x1024xf32, #tpu.memory_space<vmem>>, vector<1x16xf32>,
        %parallel_loop3A_521 = vector.shape_cast %parallel_loop3A_520 : vector<1x16xf32> to vector<16xf32>
        %parallel_loop3A_522 = vector.shape_cast %parallel_loop3A_516 : vector<16xf32> to vector<1x16xf32>
        tpu.vector_store %arg18[%parallel_loop3A_518, %parallel_loop3A_519], %parallel_loop3A_522 {strides = array<i32>} : memref<8x1024xf32, #tpu.memory_space<vmem>>, vector<1x16xf32>,
        %parallel_loop3A_523 = arith.constant 5 : i32
        %parallel_loop3A_524 = arith.index_cast %parallel_loop3A_523 : i32 to index
        %parallel_loop3A_525 = arith.index_cast %parallel_loop3A_437 : i32 to index
        %parallel_loop3A_526 = tpu.vector_load %arg10[%parallel_loop3A_524, %parallel_loop3A_525] {strides = array<i32>} : memref<8x1024xf32, #tpu.memory_space<vmem>>, vector<1x16xf32>,
        %parallel_loop3A_527 = vector.shape_cast %parallel_loop3A_526 : vector<1x16xf32> to vector<16xf32>
        %parallel_loop3A_528 = arith.constant 5 : i32
        %parallel_loop3A_529 = arith.index_cast %parallel_loop3A_528 : i32 to index
        %parallel_loop3A_530 = arith.index_cast %parallel_loop3A_437 : i32 to index
        %parallel_loop3A_531 = tpu.vector_load %arg5[%parallel_loop3A_529, %parallel_loop3A_530] {strides = array<i32>} : memref<8x1024xf32, #tpu.memory_space<vmem>>, vector<1x16xf32>,
        %parallel_loop3A_532 = vector.shape_cast %parallel_loop3A_531 : vector<1x16xf32> to vector<16xf32>
        %parallel_loop3A_533 = arith.addf %parallel_loop3A_527, %parallel_loop3A_532 : vector<16xf32>
        %parallel_loop3A_534 = arith.constant 5 : i32
        %parallel_loop3A_535 = arith.index_cast %parallel_loop3A_534 : i32 to index
        %parallel_loop3A_536 = arith.index_cast %parallel_loop3A_437 : i32 to index
        %parallel_loop3A_537 = tpu.vector_load %arg18[%parallel_loop3A_535, %parallel_loop3A_536] {strides = array<i32>} : memref<8x1024xf32, #tpu.memory_space<vmem>>, vector<1x16xf32>,
        %parallel_loop3A_538 = vector.shape_cast %parallel_loop3A_537 : vector<1x16xf32> to vector<16xf32>
        %parallel_loop3A_539 = vector.shape_cast %parallel_loop3A_533 : vector<16xf32> to vector<1x16xf32>
        tpu.vector_store %arg18[%parallel_loop3A_535, %parallel_loop3A_536], %parallel_loop3A_539 {strides = array<i32>} : memref<8x1024xf32, #tpu.memory_space<vmem>>, vector<1x16xf32>,
        %parallel_loop3A_540 = arith.constant 6 : i32
        %parallel_loop3A_541 = arith.index_cast %parallel_loop3A_540 : i32 to index
        %parallel_loop3A_542 = arith.index_cast %parallel_loop3A_437 : i32 to index
        %parallel_loop3A_543 = tpu.vector_load %arg10[%parallel_loop3A_541, %parallel_loop3A_542] {strides = array<i32>} : memref<8x1024xf32, #tpu.memory_space<vmem>>, vector<1x16xf32>,
        %parallel_loop3A_544 = vector.shape_cast %parallel_loop3A_543 : vector<1x16xf32> to vector<16xf32>
        %parallel_loop3A_545 = arith.constant 6 : i32
        %parallel_loop3A_546 = arith.index_cast %parallel_loop3A_545 : i32 to index
        %parallel_loop3A_547 = arith.index_cast %parallel_loop3A_437 : i32 to index
        %parallel_loop3A_548 = tpu.vector_load %arg5[%parallel_loop3A_546, %parallel_loop3A_547] {strides = array<i32>} : memref<8x1024xf32, #tpu.memory_space<vmem>>, vector<1x16xf32>,
        %parallel_loop3A_549 = vector.shape_cast %parallel_loop3A_548 : vector<1x16xf32> to vector<16xf32>
        %parallel_loop3A_550 = arith.addf %parallel_loop3A_544, %parallel_loop3A_549 : vector<16xf32>
        %parallel_loop3A_551 = arith.constant 6 : i32
        %parallel_loop3A_552 = arith.index_cast %parallel_loop3A_551 : i32 to index
        %parallel_loop3A_553 = arith.index_cast %parallel_loop3A_437 : i32 to index
        %parallel_loop3A_554 = tpu.vector_load %arg18[%parallel_loop3A_552, %parallel_loop3A_553] {strides = array<i32>} : memref<8x1024xf32, #tpu.memory_space<vmem>>, vector<1x16xf32>,
        %parallel_loop3A_555 = vector.shape_cast %parallel_loop3A_554 : vector<1x16xf32> to vector<16xf32>
        %parallel_loop3A_556 = vector.shape_cast %parallel_loop3A_550 : vector<16xf32> to vector<1x16xf32>
        tpu.vector_store %arg18[%parallel_loop3A_552, %parallel_loop3A_553], %parallel_loop3A_556 {strides = array<i32>} : memref<8x1024xf32, #tpu.memory_space<vmem>>, vector<1x16xf32>,
        %parallel_loop3A_557 = arith.constant 7 : i32
        %parallel_loop3A_558 = arith.index_cast %parallel_loop3A_557 : i32 to index
        %parallel_loop3A_559 = arith.index_cast %parallel_loop3A_437 : i32 to index
        %parallel_loop3A_560 = tpu.vector_load %arg10[%parallel_loop3A_558, %parallel_loop3A_559] {strides = array<i32>} : memref<8x1024xf32, #tpu.memory_space<vmem>>, vector<1x16xf32>,
        %parallel_loop3A_561 = vector.shape_cast %parallel_loop3A_560 : vector<1x16xf32> to vector<16xf32>
        %parallel_loop3A_562 = arith.constant 7 : i32
        %parallel_loop3A_563 = arith.index_cast %parallel_loop3A_562 : i32 to index
        %parallel_loop3A_564 = arith.index_cast %parallel_loop3A_437 : i32 to index
        %parallel_loop3A_565 = tpu.vector_load %arg5[%parallel_loop3A_563, %parallel_loop3A_564] {strides = array<i32>} : memref<8x1024xf32, #tpu.memory_space<vmem>>, vector<1x16xf32>,
        %parallel_loop3A_566 = vector.shape_cast %parallel_loop3A_565 : vector<1x16xf32> to vector<16xf32>
        %parallel_loop3A_567 = arith.addf %parallel_loop3A_561, %parallel_loop3A_566 : vector<16xf32>
        %parallel_loop3A_568 = arith.constant 7 : i32
        %parallel_loop3A_569 = arith.index_cast %parallel_loop3A_568 : i32 to index
        %parallel_loop3A_570 = arith.index_cast %parallel_loop3A_437 : i32 to index
        %parallel_loop3A_571 = tpu.vector_load %arg18[%parallel_loop3A_569, %parallel_loop3A_570] {strides = array<i32>} : memref<8x1024xf32, #tpu.memory_space<vmem>>, vector<1x16xf32>,
        %parallel_loop3A_572 = vector.shape_cast %parallel_loop3A_571 : vector<1x16xf32> to vector<16xf32>
        %parallel_loop3A_573 = vector.shape_cast %parallel_loop3A_567 : vector<16xf32> to vector<1x16xf32>
        tpu.vector_store %arg18[%parallel_loop3A_569, %parallel_loop3A_570], %parallel_loop3A_573 {strides = array<i32>} : memref<8x1024xf32, #tpu.memory_space<vmem>>, vector<1x16xf32>,
      } {sc.loop_unroll_factor = 1 : i64, sc.parallel_access}
      %add3A_257 = arith.constant 2 : i32
      %add3A_258 = arith.addi %add3A_131, %add3A_257 : i32
      %lt3A_259 = arith.constant 32 : i32
      %lt3A_260 = arith.cmpi slt, %add3A_258, %lt3A_259 : i32
      %convert_element_type3A_261 = arith.extui %lt3A_260 : i1 to i32
      %cond3A_262 = arith.constant 0 : i32
      %cond3A_263 = arith.cmpi ne, %convert_element_type3A_261, %cond3A_262 : i32
      scf.if %cond3A_263 {
        %add3A_437 = arith.constant 2 : i32
        %add3A_438 = arith.addi %add3A_131, %add3A_437 : i32
        %mul3A_439 = arith.constant 8 : i32
        %mul3A_440 = arith.muli %add3A_438, %mul3A_439 : i32
        %add3A_441 = arith.addi %mul3A_2, %mul3A_440 : i32
        %dma_start3A_442 = arith.constant 3 : i32
        %dma_start3A_443 = arith.constant 0 : i32
        %dma_start3A_444 = tpu.memref_slice %arg2[%dma_start3A_442, %add3A_441, %dma_start3A_443] : memref<4x8192x1024xf32, #tpu.memory_space<hbm>> -> memref<1x8x1024xf32, #tpu.memory_space<hbm>>
        %dma_start3A_445 = tpu.memref_squeeze %dma_start3A_444 : memref<1x8x1024xf32, #tpu.memory_space<hbm>> -> memref<8x1024xf32, #tpu.memory_space<hbm>>
        %dma_start3A_446 = arith.constant 0 : i32
        %dma_start3A_447 = tpu.memref_slice %arg2[%dma_start3A_442, %add3A_441, %dma_start3A_446] : memref<4x8192x1024xf32, #tpu.memory_space<hbm>> -> memref<1x8x1024xf32, #tpu.memory_space<hbm>>
        %dma_start3A_448 = tpu.memref_squeeze %dma_start3A_447 : memref<1x8x1024xf32, #tpu.memory_space<hbm>> -> memref<8x1024xf32, #tpu.memory_space<hbm>>
        tpu.enqueue_dma source(%dma_start3A_448 : memref<8x1024xf32, #tpu.memory_space<hbm>>) target(%arg10 : memref<8x1024xf32, #tpu.memory_space<vmem>>) target_semaphore(%arg24 : memref<!tpu.dma_semaphore, #tpu.memory_space<semaphore_mem>>)
      } else {
      }
      %mul3A_264 = arith.constant 8 : i32
      %mul3A_265 = arith.muli %add3A_131, %mul3A_264 : i32
      %add3A_266 = arith.addi %mul3A_2, %mul3A_265 : i32
      %dma_start3A_267 = arith.constant 3 : i32
      %dma_start3A_268 = arith.constant 0 : i32
      %dma_start3A_269 = tpu.memref_slice %arg4[%dma_start3A_267, %add3A_266, %dma_start3A_268] : memref<4x8192x1024xf32, #tpu.memory_space<hbm>> -> memref<1x8x1024xf32, #tpu.memory_space<hbm>>
      %dma_start3A_270 = tpu.memref_squeeze %dma_start3A_269 : memref<1x8x1024xf32, #tpu.memory_space<hbm>> -> memref<8x1024xf32, #tpu.memory_space<hbm>>
      %dma_start3A_271 = arith.constant 0 : i32
      %dma_start3A_272 = tpu.memref_slice %arg4[%dma_start3A_267, %add3A_266, %dma_start3A_271] : memref<4x8192x1024xf32, #tpu.memory_space<hbm>> -> memref<1x8x1024xf32, #tpu.memory_space<hbm>>
      %dma_start3A_273 = tpu.memref_squeeze %dma_start3A_272 : memref<1x8x1024xf32, #tpu.memory_space<hbm>> -> memref<8x1024xf32, #tpu.memory_space<hbm>>
      tpu.enqueue_dma source(%arg18 : memref<8x1024xf32, #tpu.memory_space<vmem>>) target(%dma_start3A_273 : memref<8x1024xf32, #tpu.memory_space<hbm>>) target_semaphore(%arg32 : memref<!tpu.dma_semaphore, #tpu.memory_space<semaphore_mem>>)
      %add3A_274 = arith.constant 2 : i32
      %add3A_275 = arith.addi %add3A_131, %add3A_274 : i32
      %lt3A_276 = arith.constant 32 : i32
      %lt3A_277 = arith.cmpi slt, %add3A_275, %lt3A_276 : i32
      %convert_element_type3A_278 = arith.extui %lt3A_277 : i1 to i32
      %cond3A_279 = arith.constant 0 : i32
      %cond3A_280 = arith.cmpi ne, %convert_element_type3A_278, %cond3A_279 : i32
      scf.if %cond3A_280 {
        %add3A_437 = arith.constant 2 : i32
        %add3A_438 = arith.addi %add3A_131, %add3A_437 : i32
        %mul3A_439 = arith.constant 8 : i32
        %mul3A_440 = arith.muli %add3A_438, %mul3A_439 : i32
        %add3A_441 = arith.addi %mul3A_2, %mul3A_440 : i32
        %dma_start3A_442 = arith.constant 0 : i32
        %dma_start3A_443 = tpu.memref_slice %arg3[%add3A_441, %dma_start3A_442] : memref<8192x1024xf32, #tpu.memory_space<hbm>> -> memref<8x1024xf32, #tpu.memory_space<hbm>>
        %dma_start3A_444 = arith.constant 0 : i32
        %dma_start3A_445 = tpu.memref_slice %arg3[%add3A_441, %dma_start3A_444] : memref<8192x1024xf32, #tpu.memory_space<hbm>> -> memref<8x1024xf32, #tpu.memory_space<hbm>>
        tpu.enqueue_dma source(%dma_start3A_445 : memref<8x1024xf32, #tpu.memory_space<hbm>>) target(%arg5 : memref<8x1024xf32, #tpu.memory_space<vmem>>) target_semaphore(%arg19 : memref<!tpu.dma_semaphore, #tpu.memory_space<semaphore_mem>>)
      } else {
      }
      %add3A_281 = arith.constant 1 : i32
      %add3A_282 = arith.addi %add3A_129, %add3A_281 : i32
      %mul3A_283 = arith.constant 8 : i32
      %mul3A_284 = arith.muli %add3A_282, %mul3A_283 : i32
      %add3A_285 = arith.addi %mul3A_2, %mul3A_284 : i32
      %dma_wait3A_286 = arith.constant 0 : i32
      %dma_wait3A_287 = arith.constant 0 : i32
      %dma_wait3A_288 = tpu.memref_slice %arg2[%dma_wait3A_286, %add3A_285, %dma_wait3A_287] : memref<4x8192x1024xf32, #tpu.memory_space<hbm>> -> memref<1x8x1024xf32, #tpu.memory_space<hbm>>
      %dma_wait3A_289 = tpu.memref_squeeze %dma_wait3A_288 : memref<1x8x1024xf32, #tpu.memory_space<hbm>> -> memref<8x1024xf32, #tpu.memory_space<hbm>>
      %dma_wait3A_290 = arith.constant 0 : i32
      %dma_wait3A_291 = tpu.memref_slice %arg2[%dma_wait3A_286, %add3A_285, %dma_wait3A_290] : memref<4x8192x1024xf32, #tpu.memory_space<hbm>> -> memref<1x8x1024xf32, #tpu.memory_space<hbm>>
      %dma_wait3A_292 = tpu.memref_squeeze %dma_wait3A_291 : memref<1x8x1024xf32, #tpu.memory_space<hbm>> -> memref<8x1024xf32, #tpu.memory_space<hbm>>
      tpu.wait_dma2 semaphore(%arg25 : memref<!tpu.dma_semaphore, #tpu.memory_space<semaphore_mem>>) src(%dma_wait3A_292 : memref<8x1024xf32, #tpu.memory_space<hbm>>) dst(%arg11 : memref<8x1024xf32, #tpu.memory_space<vmem>>)
      %mul3A_293 = arith.constant 8 : i32
      %mul3A_294 = arith.muli %add3A_282, %mul3A_293 : i32
      %add3A_295 = arith.addi %mul3A_2, %mul3A_294 : i32
      %dma_wait3A_296 = arith.constant 0 : i32
      %dma_wait3A_297 = tpu.memref_slice %arg3[%add3A_295, %dma_wait3A_296] : memref<8192x1024xf32, #tpu.memory_space<hbm>> -> memref<8x1024xf32, #tpu.memory_space<hbm>>
      %dma_wait3A_298 = arith.constant 0 : i32
      %dma_wait3A_299 = tpu.memref_slice %arg3[%add3A_295, %dma_wait3A_298] : memref<8192x1024xf32, #tpu.memory_space<hbm>> -> memref<8x1024xf32, #tpu.memory_space<hbm>>
      tpu.wait_dma2 semaphore(%arg20 : memref<!tpu.dma_semaphore, #tpu.memory_space<semaphore_mem>>) src(%dma_wait3A_299 : memref<8x1024xf32, #tpu.memory_space<hbm>>) dst(%arg6 : memref<8x1024xf32, #tpu.memory_space<vmem>>)
      %gt3A_300 = arith.constant 0 : i32
      %gt3A_301 = arith.cmpi sgt, %add3A_282, %gt3A_300 : i32
      %convert_element_type3A_302 = arith.extui %gt3A_301 : i1 to i32
      %cond3A_303 = arith.constant 0 : i32
      %cond3A_304 = arith.cmpi ne, %convert_element_type3A_302, %cond3A_303 : i32
      scf.if %cond3A_304 {
        %mul3A_437 = arith.constant 8 : i32
        %mul3A_438 = arith.muli %add3A_282, %mul3A_437 : i32
        %add3A_439 = arith.addi %mul3A_2, %mul3A_438 : i32
        %dma_wait3A_440 = arith.constant 0 : i32
        %dma_wait3A_441 = arith.constant 0 : i32
        %dma_wait3A_442 = tpu.memref_slice %arg4[%dma_wait3A_440, %add3A_439, %dma_wait3A_441] : memref<4x8192x1024xf32, #tpu.memory_space<hbm>> -> memref<1x8x1024xf32, #tpu.memory_space<hbm>>
        %dma_wait3A_443 = tpu.memref_squeeze %dma_wait3A_442 : memref<1x8x1024xf32, #tpu.memory_space<hbm>> -> memref<8x1024xf32, #tpu.memory_space<hbm>>
        %dma_wait3A_444 = arith.constant 0 : i32
        %dma_wait3A_445 = tpu.memref_slice %arg4[%dma_wait3A_440, %add3A_439, %dma_wait3A_444] : memref<4x8192x1024xf32, #tpu.memory_space<hbm>> -> memref<1x8x1024xf32, #tpu.memory_space<hbm>>
        %dma_wait3A_446 = tpu.memref_squeeze %dma_wait3A_445 : memref<1x8x1024xf32, #tpu.memory_space<hbm>> -> memref<8x1024xf32, #tpu.memory_space<hbm>>
        tpu.wait_dma2 semaphore(%arg29 : memref<!tpu.dma_semaphore, #tpu.memory_space<semaphore_mem>>) src(%arg15 : memref<8x1024xf32, #tpu.memory_space<vmem>>) dst(%dma_wait3A_446 : memref<8x1024xf32, #tpu.memory_space<hbm>>)
      } else {
      }
      %parallel_loop3A_305 = arith.constant 0 : i32
      %parallel_loop3A_306 = arith.constant 1024 : i32
      %parallel_loop3A_307 = arith.constant 16 : i32
      scf.for %parallel_loop3A_437 = %parallel_loop3A_305 to %parallel_loop3A_306 step %parallel_loop3A_307  : i32 {
        %parallel_loop3A_438 = arith.constant 0 : i32
        %parallel_loop3A_439 = arith.index_cast %parallel_loop3A_438 : i32 to index
        %parallel_loop3A_440 = arith.index_cast %parallel_loop3A_437 : i32 to index
        %parallel_loop3A_441 = tpu.vector_load %arg11[%parallel_loop3A_439, %parallel_loop3A_440] {strides = array<i32>} : memref<8x1024xf32, #tpu.memory_space<vmem>>, vector<1x16xf32>,
        %parallel_loop3A_442 = vector.shape_cast %parallel_loop3A_441 : vector<1x16xf32> to vector<16xf32>
        %parallel_loop3A_443 = arith.constant 0 : i32
        %parallel_loop3A_444 = arith.index_cast %parallel_loop3A_443 : i32 to index
        %parallel_loop3A_445 = arith.index_cast %parallel_loop3A_437 : i32 to index
        %parallel_loop3A_446 = tpu.vector_load %arg6[%parallel_loop3A_444, %parallel_loop3A_445] {strides = array<i32>} : memref<8x1024xf32, #tpu.memory_space<vmem>>, vector<1x16xf32>,
        %parallel_loop3A_447 = vector.shape_cast %parallel_loop3A_446 : vector<1x16xf32> to vector<16xf32>
        %parallel_loop3A_448 = arith.addf %parallel_loop3A_442, %parallel_loop3A_447 : vector<16xf32>
        %parallel_loop3A_449 = arith.constant 0 : i32
        %parallel_loop3A_450 = arith.index_cast %parallel_loop3A_449 : i32 to index
        %parallel_loop3A_451 = arith.index_cast %parallel_loop3A_437 : i32 to index
        %parallel_loop3A_452 = tpu.vector_load %arg15[%parallel_loop3A_450, %parallel_loop3A_451] {strides = array<i32>} : memref<8x1024xf32, #tpu.memory_space<vmem>>, vector<1x16xf32>,
        %parallel_loop3A_453 = vector.shape_cast %parallel_loop3A_452 : vector<1x16xf32> to vector<16xf32>
        %parallel_loop3A_454 = vector.shape_cast %parallel_loop3A_448 : vector<16xf32> to vector<1x16xf32>
        tpu.vector_store %arg15[%parallel_loop3A_450, %parallel_loop3A_451], %parallel_loop3A_454 {strides = array<i32>} : memref<8x1024xf32, #tpu.memory_space<vmem>>, vector<1x16xf32>,
        %parallel_loop3A_455 = arith.constant 1 : i32
        %parallel_loop3A_456 = arith.index_cast %parallel_loop3A_455 : i32 to index
        %parallel_loop3A_457 = arith.index_cast %parallel_loop3A_437 : i32 to index
        %parallel_loop3A_458 = tpu.vector_load %arg11[%parallel_loop3A_456, %parallel_loop3A_457] {strides = array<i32>} : memref<8x1024xf32, #tpu.memory_space<vmem>>, vector<1x16xf32>,
        %parallel_loop3A_459 = vector.shape_cast %parallel_loop3A_458 : vector<1x16xf32> to vector<16xf32>
        %parallel_loop3A_460 = arith.constant 1 : i32
        %parallel_loop3A_461 = arith.index_cast %parallel_loop3A_460 : i32 to index
        %parallel_loop3A_462 = arith.index_cast %parallel_loop3A_437 : i32 to index
        %parallel_loop3A_463 = tpu.vector_load %arg6[%parallel_loop3A_461, %parallel_loop3A_462] {strides = array<i32>} : memref<8x1024xf32, #tpu.memory_space<vmem>>, vector<1x16xf32>,
        %parallel_loop3A_464 = vector.shape_cast %parallel_loop3A_463 : vector<1x16xf32> to vector<16xf32>
        %parallel_loop3A_465 = arith.addf %parallel_loop3A_459, %parallel_loop3A_464 : vector<16xf32>
        %parallel_loop3A_466 = arith.constant 1 : i32
        %parallel_loop3A_467 = arith.index_cast %parallel_loop3A_466 : i32 to index
        %parallel_loop3A_468 = arith.index_cast %parallel_loop3A_437 : i32 to index
        %parallel_loop3A_469 = tpu.vector_load %arg15[%parallel_loop3A_467, %parallel_loop3A_468] {strides = array<i32>} : memref<8x1024xf32, #tpu.memory_space<vmem>>, vector<1x16xf32>,
        %parallel_loop3A_470 = vector.shape_cast %parallel_loop3A_469 : vector<1x16xf32> to vector<16xf32>
        %parallel_loop3A_471 = vector.shape_cast %parallel_loop3A_465 : vector<16xf32> to vector<1x16xf32>
        tpu.vector_store %arg15[%parallel_loop3A_467, %parallel_loop3A_468], %parallel_loop3A_471 {strides = array<i32>} : memref<8x1024xf32, #tpu.memory_space<vmem>>, vector<1x16xf32>,
        %parallel_loop3A_472 = arith.constant 2 : i32
        %parallel_loop3A_473 = arith.index_cast %parallel_loop3A_472 : i32 to index
        %parallel_loop3A_474 = arith.index_cast %parallel_loop3A_437 : i32 to index
        %parallel_loop3A_475 = tpu.vector_load %arg11[%parallel_loop3A_473, %parallel_loop3A_474] {strides = array<i32>} : memref<8x1024xf32, #tpu.memory_space<vmem>>, vector<1x16xf32>,
        %parallel_loop3A_476 = vector.shape_cast %parallel_loop3A_475 : vector<1x16xf32> to vector<16xf32>
        %parallel_loop3A_477 = arith.constant 2 : i32
        %parallel_loop3A_478 = arith.index_cast %parallel_loop3A_477 : i32 to index
        %parallel_loop3A_479 = arith.index_cast %parallel_loop3A_437 : i32 to index
        %parallel_loop3A_480 = tpu.vector_load %arg6[%parallel_loop3A_478, %parallel_loop3A_479] {strides = array<i32>} : memref<8x1024xf32, #tpu.memory_space<vmem>>, vector<1x16xf32>,
        %parallel_loop3A_481 = vector.shape_cast %parallel_loop3A_480 : vector<1x16xf32> to vector<16xf32>
        %parallel_loop3A_482 = arith.addf %parallel_loop3A_476, %parallel_loop3A_481 : vector<16xf32>
        %parallel_loop3A_483 = arith.constant 2 : i32
        %parallel_loop3A_484 = arith.index_cast %parallel_loop3A_483 : i32 to index
        %parallel_loop3A_485 = arith.index_cast %parallel_loop3A_437 : i32 to index
        %parallel_loop3A_486 = tpu.vector_load %arg15[%parallel_loop3A_484, %parallel_loop3A_485] {strides = array<i32>} : memref<8x1024xf32, #tpu.memory_space<vmem>>, vector<1x16xf32>,
        %parallel_loop3A_487 = vector.shape_cast %parallel_loop3A_486 : vector<1x16xf32> to vector<16xf32>
        %parallel_loop3A_488 = vector.shape_cast %parallel_loop3A_482 : vector<16xf32> to vector<1x16xf32>
        tpu.vector_store %arg15[%parallel_loop3A_484, %parallel_loop3A_485], %parallel_loop3A_488 {strides = array<i32>} : memref<8x1024xf32, #tpu.memory_space<vmem>>, vector<1x16xf32>,
        %parallel_loop3A_489 = arith.constant 3 : i32
        %parallel_loop3A_490 = arith.index_cast %parallel_loop3A_489 : i32 to index
        %parallel_loop3A_491 = arith.index_cast %parallel_loop3A_437 : i32 to index
        %parallel_loop3A_492 = tpu.vector_load %arg11[%parallel_loop3A_490, %parallel_loop3A_491] {strides = array<i32>} : memref<8x1024xf32, #tpu.memory_space<vmem>>, vector<1x16xf32>,
        %parallel_loop3A_493 = vector.shape_cast %parallel_loop3A_492 : vector<1x16xf32> to vector<16xf32>
        %parallel_loop3A_494 = arith.constant 3 : i32
        %parallel_loop3A_495 = arith.index_cast %parallel_loop3A_494 : i32 to index
        %parallel_loop3A_496 = arith.index_cast %parallel_loop3A_437 : i32 to index
        %parallel_loop3A_497 = tpu.vector_load %arg6[%parallel_loop3A_495, %parallel_loop3A_496] {strides = array<i32>} : memref<8x1024xf32, #tpu.memory_space<vmem>>, vector<1x16xf32>,
        %parallel_loop3A_498 = vector.shape_cast %parallel_loop3A_497 : vector<1x16xf32> to vector<16xf32>
        %parallel_loop3A_499 = arith.addf %parallel_loop3A_493, %parallel_loop3A_498 : vector<16xf32>
        %parallel_loop3A_500 = arith.constant 3 : i32
        %parallel_loop3A_501 = arith.index_cast %parallel_loop3A_500 : i32 to index
        %parallel_loop3A_502 = arith.index_cast %parallel_loop3A_437 : i32 to index
        %parallel_loop3A_503 = tpu.vector_load %arg15[%parallel_loop3A_501, %parallel_loop3A_502] {strides = array<i32>} : memref<8x1024xf32, #tpu.memory_space<vmem>>, vector<1x16xf32>,
        %parallel_loop3A_504 = vector.shape_cast %parallel_loop3A_503 : vector<1x16xf32> to vector<16xf32>
        %parallel_loop3A_505 = vector.shape_cast %parallel_loop3A_499 : vector<16xf32> to vector<1x16xf32>
        tpu.vector_store %arg15[%parallel_loop3A_501, %parallel_loop3A_502], %parallel_loop3A_505 {strides = array<i32>} : memref<8x1024xf32, #tpu.memory_space<vmem>>, vector<1x16xf32>,
        %parallel_loop3A_506 = arith.constant 4 : i32
        %parallel_loop3A_507 = arith.index_cast %parallel_loop3A_506 : i32 to index
        %parallel_loop3A_508 = arith.index_cast %parallel_loop3A_437 : i32 to index
        %parallel_loop3A_509 = tpu.vector_load %arg11[%parallel_loop3A_507, %parallel_loop3A_508] {strides = array<i32>} : memref<8x1024xf32, #tpu.memory_space<vmem>>, vector<1x16xf32>,
        %parallel_loop3A_510 = vector.shape_cast %parallel_loop3A_509 : vector<1x16xf32> to vector<16xf32>
        %parallel_loop3A_511 = arith.constant 4 : i32
        %parallel_loop3A_512 = arith.index_cast %parallel_loop3A_511 : i32 to index
        %parallel_loop3A_513 = arith.index_cast %parallel_loop3A_437 : i32 to index
        %parallel_loop3A_514 = tpu.vector_load %arg6[%parallel_loop3A_512, %parallel_loop3A_513] {strides = array<i32>} : memref<8x1024xf32, #tpu.memory_space<vmem>>, vector<1x16xf32>,
        %parallel_loop3A_515 = vector.shape_cast %parallel_loop3A_514 : vector<1x16xf32> to vector<16xf32>
        %parallel_loop3A_516 = arith.addf %parallel_loop3A_510, %parallel_loop3A_515 : vector<16xf32>
        %parallel_loop3A_517 = arith.constant 4 : i32
        %parallel_loop3A_518 = arith.index_cast %parallel_loop3A_517 : i32 to index
        %parallel_loop3A_519 = arith.index_cast %parallel_loop3A_437 : i32 to index
        %parallel_loop3A_520 = tpu.vector_load %arg15[%parallel_loop3A_518, %parallel_loop3A_519] {strides = array<i32>} : memref<8x1024xf32, #tpu.memory_space<vmem>>, vector<1x16xf32>,
        %parallel_loop3A_521 = vector.shape_cast %parallel_loop3A_520 : vector<1x16xf32> to vector<16xf32>
        %parallel_loop3A_522 = vector.shape_cast %parallel_loop3A_516 : vector<16xf32> to vector<1x16xf32>
        tpu.vector_store %arg15[%parallel_loop3A_518, %parallel_loop3A_519], %parallel_loop3A_522 {strides = array<i32>} : memref<8x1024xf32, #tpu.memory_space<vmem>>, vector<1x16xf32>,
        %parallel_loop3A_523 = arith.constant 5 : i32
        %parallel_loop3A_524 = arith.index_cast %parallel_loop3A_523 : i32 to index
        %parallel_loop3A_525 = arith.index_cast %parallel_loop3A_437 : i32 to index
        %parallel_loop3A_526 = tpu.vector_load %arg11[%parallel_loop3A_524, %parallel_loop3A_525] {strides = array<i32>} : memref<8x1024xf32, #tpu.memory_space<vmem>>, vector<1x16xf32>,
        %parallel_loop3A_527 = vector.shape_cast %parallel_loop3A_526 : vector<1x16xf32> to vector<16xf32>
        %parallel_loop3A_528 = arith.constant 5 : i32
        %parallel_loop3A_529 = arith.index_cast %parallel_loop3A_528 : i32 to index
        %parallel_loop3A_530 = arith.index_cast %parallel_loop3A_437 : i32 to index
        %parallel_loop3A_531 = tpu.vector_load %arg6[%parallel_loop3A_529, %parallel_loop3A_530] {strides = array<i32>} : memref<8x1024xf32, #tpu.memory_space<vmem>>, vector<1x16xf32>,
        %parallel_loop3A_532 = vector.shape_cast %parallel_loop3A_531 : vector<1x16xf32> to vector<16xf32>
        %parallel_loop3A_533 = arith.addf %parallel_loop3A_527, %parallel_loop3A_532 : vector<16xf32>
        %parallel_loop3A_534 = arith.constant 5 : i32
        %parallel_loop3A_535 = arith.index_cast %parallel_loop3A_534 : i32 to index
        %parallel_loop3A_536 = arith.index_cast %parallel_loop3A_437 : i32 to index
        %parallel_loop3A_537 = tpu.vector_load %arg15[%parallel_loop3A_535, %parallel_loop3A_536] {strides = array<i32>} : memref<8x1024xf32, #tpu.memory_space<vmem>>, vector<1x16xf32>,
        %parallel_loop3A_538 = vector.shape_cast %parallel_loop3A_537 : vector<1x16xf32> to vector<16xf32>
        %parallel_loop3A_539 = vector.shape_cast %parallel_loop3A_533 : vector<16xf32> to vector<1x16xf32>
        tpu.vector_store %arg15[%parallel_loop3A_535, %parallel_loop3A_536], %parallel_loop3A_539 {strides = array<i32>} : memref<8x1024xf32, #tpu.memory_space<vmem>>, vector<1x16xf32>,
        %parallel_loop3A_540 = arith.constant 6 : i32
        %parallel_loop3A_541 = arith.index_cast %parallel_loop3A_540 : i32 to index
        %parallel_loop3A_542 = arith.index_cast %parallel_loop3A_437 : i32 to index
        %parallel_loop3A_543 = tpu.vector_load %arg11[%parallel_loop3A_541, %parallel_loop3A_542] {strides = array<i32>} : memref<8x1024xf32, #tpu.memory_space<vmem>>, vector<1x16xf32>,
        %parallel_loop3A_544 = vector.shape_cast %parallel_loop3A_543 : vector<1x16xf32> to vector<16xf32>
        %parallel_loop3A_545 = arith.constant 6 : i32
        %parallel_loop3A_546 = arith.index_cast %parallel_loop3A_545 : i32 to index
        %parallel_loop3A_547 = arith.index_cast %parallel_loop3A_437 : i32 to index
        %parallel_loop3A_548 = tpu.vector_load %arg6[%parallel_loop3A_546, %parallel_loop3A_547] {strides = array<i32>} : memref<8x1024xf32, #tpu.memory_space<vmem>>, vector<1x16xf32>,
        %parallel_loop3A_549 = vector.shape_cast %parallel_loop3A_548 : vector<1x16xf32> to vector<16xf32>
        %parallel_loop3A_550 = arith.addf %parallel_loop3A_544, %parallel_loop3A_549 : vector<16xf32>
        %parallel_loop3A_551 = arith.constant 6 : i32
        %parallel_loop3A_552 = arith.index_cast %parallel_loop3A_551 : i32 to index
        %parallel_loop3A_553 = arith.index_cast %parallel_loop3A_437 : i32 to index
        %parallel_loop3A_554 = tpu.vector_load %arg15[%parallel_loop3A_552, %parallel_loop3A_553] {strides = array<i32>} : memref<8x1024xf32, #tpu.memory_space<vmem>>, vector<1x16xf32>,
        %parallel_loop3A_555 = vector.shape_cast %parallel_loop3A_554 : vector<1x16xf32> to vector<16xf32>
        %parallel_loop3A_556 = vector.shape_cast %parallel_loop3A_550 : vector<16xf32> to vector<1x16xf32>
        tpu.vector_store %arg15[%parallel_loop3A_552, %parallel_loop3A_553], %parallel_loop3A_556 {strides = array<i32>} : memref<8x1024xf32, #tpu.memory_space<vmem>>, vector<1x16xf32>,
        %parallel_loop3A_557 = arith.constant 7 : i32
        %parallel_loop3A_558 = arith.index_cast %parallel_loop3A_557 : i32 to index
        %parallel_loop3A_559 = arith.index_cast %parallel_loop3A_437 : i32 to index
        %parallel_loop3A_560 = tpu.vector_load %arg11[%parallel_loop3A_558, %parallel_loop3A_559] {strides = array<i32>} : memref<8x1024xf32, #tpu.memory_space<vmem>>, vector<1x16xf32>,
        %parallel_loop3A_561 = vector.shape_cast %parallel_loop3A_560 : vector<1x16xf32> to vector<16xf32>
        %parallel_loop3A_562 = arith.constant 7 : i32
        %parallel_loop3A_563 = arith.index_cast %parallel_loop3A_562 : i32 to index
        %parallel_loop3A_564 = arith.index_cast %parallel_loop3A_437 : i32 to index
        %parallel_loop3A_565 = tpu.vector_load %arg6[%parallel_loop3A_563, %parallel_loop3A_564] {strides = array<i32>} : memref<8x1024xf32, #tpu.memory_space<vmem>>, vector<1x16xf32>,
        %parallel_loop3A_566 = vector.shape_cast %parallel_loop3A_565 : vector<1x16xf32> to vector<16xf32>
        %parallel_loop3A_567 = arith.addf %parallel_loop3A_561, %parallel_loop3A_566 : vector<16xf32>
        %parallel_loop3A_568 = arith.constant 7 : i32
        %parallel_loop3A_569 = arith.index_cast %parallel_loop3A_568 : i32 to index
        %parallel_loop3A_570 = arith.index_cast %parallel_loop3A_437 : i32 to index
        %parallel_loop3A_571 = tpu.vector_load %arg15[%parallel_loop3A_569, %parallel_loop3A_570] {strides = array<i32>} : memref<8x1024xf32, #tpu.memory_space<vmem>>, vector<1x16xf32>,
        %parallel_loop3A_572 = vector.shape_cast %parallel_loop3A_571 : vector<1x16xf32> to vector<16xf32>
        %parallel_loop3A_573 = vector.shape_cast %parallel_loop3A_567 : vector<16xf32> to vector<1x16xf32>
        tpu.vector_store %arg15[%parallel_loop3A_569, %parallel_loop3A_570], %parallel_loop3A_573 {strides = array<i32>} : memref<8x1024xf32, #tpu.memory_space<vmem>>, vector<1x16xf32>,
      } {sc.loop_unroll_factor = 1 : i64, sc.parallel_access}
      %add3A_308 = arith.constant 2 : i32
      %add3A_309 = arith.addi %add3A_282, %add3A_308 : i32
      %lt3A_310 = arith.constant 32 : i32
      %lt3A_311 = arith.cmpi slt, %add3A_309, %lt3A_310 : i32
      %convert_element_type3A_312 = arith.extui %lt3A_311 : i1 to i32
      %cond3A_313 = arith.constant 0 : i32
      %cond3A_314 = arith.cmpi ne, %convert_element_type3A_312, %cond3A_313 : i32
      scf.if %cond3A_314 {
        %add3A_437 = arith.constant 2 : i32
        %add3A_438 = arith.addi %add3A_282, %add3A_437 : i32
        %mul3A_439 = arith.constant 8 : i32
        %mul3A_440 = arith.muli %add3A_438, %mul3A_439 : i32
        %add3A_441 = arith.addi %mul3A_2, %mul3A_440 : i32
        %dma_start3A_442 = arith.constant 0 : i32
        %dma_start3A_443 = arith.constant 0 : i32
        %dma_start3A_444 = tpu.memref_slice %arg2[%dma_start3A_442, %add3A_441, %dma_start3A_443] : memref<4x8192x1024xf32, #tpu.memory_space<hbm>> -> memref<1x8x1024xf32, #tpu.memory_space<hbm>>
        %dma_start3A_445 = tpu.memref_squeeze %dma_start3A_444 : memref<1x8x1024xf32, #tpu.memory_space<hbm>> -> memref<8x1024xf32, #tpu.memory_space<hbm>>
        %dma_start3A_446 = arith.constant 0 : i32
        %dma_start3A_447 = tpu.memref_slice %arg2[%dma_start3A_442, %add3A_441, %dma_start3A_446] : memref<4x8192x1024xf32, #tpu.memory_space<hbm>> -> memref<1x8x1024xf32, #tpu.memory_space<hbm>>
        %dma_start3A_448 = tpu.memref_squeeze %dma_start3A_447 : memref<1x8x1024xf32, #tpu.memory_space<hbm>> -> memref<8x1024xf32, #tpu.memory_space<hbm>>
        tpu.enqueue_dma source(%dma_start3A_448 : memref<8x1024xf32, #tpu.memory_space<hbm>>) target(%arg11 : memref<8x1024xf32, #tpu.memory_space<vmem>>) target_semaphore(%arg25 : memref<!tpu.dma_semaphore, #tpu.memory_space<semaphore_mem>>)
      } else {
      }
      %mul3A_315 = arith.constant 8 : i32
      %mul3A_316 = arith.muli %add3A_282, %mul3A_315 : i32
      %add3A_317 = arith.addi %mul3A_2, %mul3A_316 : i32
      %dma_start3A_318 = arith.constant 0 : i32
      %dma_start3A_319 = arith.constant 0 : i32
      %dma_start3A_320 = tpu.memref_slice %arg4[%dma_start3A_318, %add3A_317, %dma_start3A_319] : memref<4x8192x1024xf32, #tpu.memory_space<hbm>> -> memref<1x8x1024xf32, #tpu.memory_space<hbm>>
      %dma_start3A_321 = tpu.memref_squeeze %dma_start3A_320 : memref<1x8x1024xf32, #tpu.memory_space<hbm>> -> memref<8x1024xf32, #tpu.memory_space<hbm>>
      %dma_start3A_322 = arith.constant 0 : i32
      %dma_start3A_323 = tpu.memref_slice %arg4[%dma_start3A_318, %add3A_317, %dma_start3A_322] : memref<4x8192x1024xf32, #tpu.memory_space<hbm>> -> memref<1x8x1024xf32, #tpu.memory_space<hbm>>
      %dma_start3A_324 = tpu.memref_squeeze %dma_start3A_323 : memref<1x8x1024xf32, #tpu.memory_space<hbm>> -> memref<8x1024xf32, #tpu.memory_space<hbm>>
      tpu.enqueue_dma source(%arg15 : memref<8x1024xf32, #tpu.memory_space<vmem>>) target(%dma_start3A_324 : memref<8x1024xf32, #tpu.memory_space<hbm>>) target_semaphore(%arg29 : memref<!tpu.dma_semaphore, #tpu.memory_space<semaphore_mem>>)
      %mul3A_325 = arith.constant 8 : i32
      %mul3A_326 = arith.muli %add3A_282, %mul3A_325 : i32
      %add3A_327 = arith.addi %mul3A_2, %mul3A_326 : i32
      %dma_wait3A_328 = arith.constant 1 : i32
      %dma_wait3A_329 = arith.constant 0 : i32
      %dma_wait3A_330 = tpu.memref_slice %arg2[%dma_wait3A_328, %add3A_327, %dma_wait3A_329] : memref<4x8192x1024xf32, #tpu.memory_space<hbm>> -> memref<1x8x1024xf32, #tpu.memory_space<hbm>>
      %dma_wait3A_331 = tpu.memref_squeeze %dma_wait3A_330 : memref<1x8x1024xf32, #tpu.memory_space<hbm>> -> memref<8x1024xf32, #tpu.memory_space<hbm>>
      %dma_wait3A_332 = arith.constant 0 : i32
      %dma_wait3A_333 = tpu.memref_slice %arg2[%dma_wait3A_328, %add3A_327, %dma_wait3A_332] : memref<4x8192x1024xf32, #tpu.memory_space<hbm>> -> memref<1x8x1024xf32, #tpu.memory_space<hbm>>
      %dma_wait3A_334 = tpu.memref_squeeze %dma_wait3A_333 : memref<1x8x1024xf32, #tpu.memory_space<hbm>> -> memref<8x1024xf32, #tpu.memory_space<hbm>>
      tpu.wait_dma2 semaphore(%arg26 : memref<!tpu.dma_semaphore, #tpu.memory_space<semaphore_mem>>) src(%dma_wait3A_334 : memref<8x1024xf32, #tpu.memory_space<hbm>>) dst(%arg12 : memref<8x1024xf32, #tpu.memory_space<vmem>>)
      %gt3A_335 = arith.constant 0 : i32
      %gt3A_336 = arith.cmpi sgt, %add3A_282, %gt3A_335 : i32
      %convert_element_type3A_337 = arith.extui %gt3A_336 : i1 to i32
      %cond3A_338 = arith.constant 0 : i32
      %cond3A_339 = arith.cmpi ne, %convert_element_type3A_337, %cond3A_338 : i32
      scf.if %cond3A_339 {
        %mul3A_437 = arith.constant 8 : i32
        %mul3A_438 = arith.muli %add3A_282, %mul3A_437 : i32
        %add3A_439 = arith.addi %mul3A_2, %mul3A_438 : i32
        %dma_wait3A_440 = arith.constant 1 : i32
        %dma_wait3A_441 = arith.constant 0 : i32
        %dma_wait3A_442 = tpu.memref_slice %arg4[%dma_wait3A_440, %add3A_439, %dma_wait3A_441] : memref<4x8192x1024xf32, #tpu.memory_space<hbm>> -> memref<1x8x1024xf32, #tpu.memory_space<hbm>>
        %dma_wait3A_443 = tpu.memref_squeeze %dma_wait3A_442 : memref<1x8x1024xf32, #tpu.memory_space<hbm>> -> memref<8x1024xf32, #tpu.memory_space<hbm>>
        %dma_wait3A_444 = arith.constant 0 : i32
        %dma_wait3A_445 = tpu.memref_slice %arg4[%dma_wait3A_440, %add3A_439, %dma_wait3A_444] : memref<4x8192x1024xf32, #tpu.memory_space<hbm>> -> memref<1x8x1024xf32, #tpu.memory_space<hbm>>
        %dma_wait3A_446 = tpu.memref_squeeze %dma_wait3A_445 : memref<1x8x1024xf32, #tpu.memory_space<hbm>> -> memref<8x1024xf32, #tpu.memory_space<hbm>>
        tpu.wait_dma2 semaphore(%arg30 : memref<!tpu.dma_semaphore, #tpu.memory_space<semaphore_mem>>) src(%arg16 : memref<8x1024xf32, #tpu.memory_space<vmem>>) dst(%dma_wait3A_446 : memref<8x1024xf32, #tpu.memory_space<hbm>>)
      } else {
      }
      %parallel_loop3A_340 = arith.constant 0 : i32
      %parallel_loop3A_341 = arith.constant 1024 : i32
      %parallel_loop3A_342 = arith.constant 16 : i32
      scf.for %parallel_loop3A_437 = %parallel_loop3A_340 to %parallel_loop3A_341 step %parallel_loop3A_342  : i32 {
        %parallel_loop3A_438 = arith.constant 0 : i32
        %parallel_loop3A_439 = arith.index_cast %parallel_loop3A_438 : i32 to index
        %parallel_loop3A_440 = arith.index_cast %parallel_loop3A_437 : i32 to index
        %parallel_loop3A_441 = tpu.vector_load %arg12[%parallel_loop3A_439, %parallel_loop3A_440] {strides = array<i32>} : memref<8x1024xf32, #tpu.memory_space<vmem>>, vector<1x16xf32>,
        %parallel_loop3A_442 = vector.shape_cast %parallel_loop3A_441 : vector<1x16xf32> to vector<16xf32>
        %parallel_loop3A_443 = arith.constant 0 : i32
        %parallel_loop3A_444 = arith.index_cast %parallel_loop3A_443 : i32 to index
        %parallel_loop3A_445 = arith.index_cast %parallel_loop3A_437 : i32 to index
        %parallel_loop3A_446 = tpu.vector_load %arg6[%parallel_loop3A_444, %parallel_loop3A_445] {strides = array<i32>} : memref<8x1024xf32, #tpu.memory_space<vmem>>, vector<1x16xf32>,
        %parallel_loop3A_447 = vector.shape_cast %parallel_loop3A_446 : vector<1x16xf32> to vector<16xf32>
        %parallel_loop3A_448 = arith.addf %parallel_loop3A_442, %parallel_loop3A_447 : vector<16xf32>
        %parallel_loop3A_449 = arith.constant 0 : i32
        %parallel_loop3A_450 = arith.index_cast %parallel_loop3A_449 : i32 to index
        %parallel_loop3A_451 = arith.index_cast %parallel_loop3A_437 : i32 to index
        %parallel_loop3A_452 = tpu.vector_load %arg16[%parallel_loop3A_450, %parallel_loop3A_451] {strides = array<i32>} : memref<8x1024xf32, #tpu.memory_space<vmem>>, vector<1x16xf32>,
        %parallel_loop3A_453 = vector.shape_cast %parallel_loop3A_452 : vector<1x16xf32> to vector<16xf32>
        %parallel_loop3A_454 = vector.shape_cast %parallel_loop3A_448 : vector<16xf32> to vector<1x16xf32>
        tpu.vector_store %arg16[%parallel_loop3A_450, %parallel_loop3A_451], %parallel_loop3A_454 {strides = array<i32>} : memref<8x1024xf32, #tpu.memory_space<vmem>>, vector<1x16xf32>,
        %parallel_loop3A_455 = arith.constant 1 : i32
        %parallel_loop3A_456 = arith.index_cast %parallel_loop3A_455 : i32 to index
        %parallel_loop3A_457 = arith.index_cast %parallel_loop3A_437 : i32 to index
        %parallel_loop3A_458 = tpu.vector_load %arg12[%parallel_loop3A_456, %parallel_loop3A_457] {strides = array<i32>} : memref<8x1024xf32, #tpu.memory_space<vmem>>, vector<1x16xf32>,
        %parallel_loop3A_459 = vector.shape_cast %parallel_loop3A_458 : vector<1x16xf32> to vector<16xf32>
        %parallel_loop3A_460 = arith.constant 1 : i32
        %parallel_loop3A_461 = arith.index_cast %parallel_loop3A_460 : i32 to index
        %parallel_loop3A_462 = arith.index_cast %parallel_loop3A_437 : i32 to index
        %parallel_loop3A_463 = tpu.vector_load %arg6[%parallel_loop3A_461, %parallel_loop3A_462] {strides = array<i32>} : memref<8x1024xf32, #tpu.memory_space<vmem>>, vector<1x16xf32>,
        %parallel_loop3A_464 = vector.shape_cast %parallel_loop3A_463 : vector<1x16xf32> to vector<16xf32>
        %parallel_loop3A_465 = arith.addf %parallel_loop3A_459, %parallel_loop3A_464 : vector<16xf32>
        %parallel_loop3A_466 = arith.constant 1 : i32
        %parallel_loop3A_467 = arith.index_cast %parallel_loop3A_466 : i32 to index
        %parallel_loop3A_468 = arith.index_cast %parallel_loop3A_437 : i32 to index
        %parallel_loop3A_469 = tpu.vector_load %arg16[%parallel_loop3A_467, %parallel_loop3A_468] {strides = array<i32>} : memref<8x1024xf32, #tpu.memory_space<vmem>>, vector<1x16xf32>,
        %parallel_loop3A_470 = vector.shape_cast %parallel_loop3A_469 : vector<1x16xf32> to vector<16xf32>
        %parallel_loop3A_471 = vector.shape_cast %parallel_loop3A_465 : vector<16xf32> to vector<1x16xf32>
        tpu.vector_store %arg16[%parallel_loop3A_467, %parallel_loop3A_468], %parallel_loop3A_471 {strides = array<i32>} : memref<8x1024xf32, #tpu.memory_space<vmem>>, vector<1x16xf32>,
        %parallel_loop3A_472 = arith.constant 2 : i32
        %parallel_loop3A_473 = arith.index_cast %parallel_loop3A_472 : i32 to index
        %parallel_loop3A_474 = arith.index_cast %parallel_loop3A_437 : i32 to index
        %parallel_loop3A_475 = tpu.vector_load %arg12[%parallel_loop3A_473, %parallel_loop3A_474] {strides = array<i32>} : memref<8x1024xf32, #tpu.memory_space<vmem>>, vector<1x16xf32>,
        %parallel_loop3A_476 = vector.shape_cast %parallel_loop3A_475 : vector<1x16xf32> to vector<16xf32>
        %parallel_loop3A_477 = arith.constant 2 : i32
        %parallel_loop3A_478 = arith.index_cast %parallel_loop3A_477 : i32 to index
        %parallel_loop3A_479 = arith.index_cast %parallel_loop3A_437 : i32 to index
        %parallel_loop3A_480 = tpu.vector_load %arg6[%parallel_loop3A_478, %parallel_loop3A_479] {strides = array<i32>} : memref<8x1024xf32, #tpu.memory_space<vmem>>, vector<1x16xf32>,
        %parallel_loop3A_481 = vector.shape_cast %parallel_loop3A_480 : vector<1x16xf32> to vector<16xf32>
        %parallel_loop3A_482 = arith.addf %parallel_loop3A_476, %parallel_loop3A_481 : vector<16xf32>
        %parallel_loop3A_483 = arith.constant 2 : i32
        %parallel_loop3A_484 = arith.index_cast %parallel_loop3A_483 : i32 to index
        %parallel_loop3A_485 = arith.index_cast %parallel_loop3A_437 : i32 to index
        %parallel_loop3A_486 = tpu.vector_load %arg16[%parallel_loop3A_484, %parallel_loop3A_485] {strides = array<i32>} : memref<8x1024xf32, #tpu.memory_space<vmem>>, vector<1x16xf32>,
        %parallel_loop3A_487 = vector.shape_cast %parallel_loop3A_486 : vector<1x16xf32> to vector<16xf32>
        %parallel_loop3A_488 = vector.shape_cast %parallel_loop3A_482 : vector<16xf32> to vector<1x16xf32>
        tpu.vector_store %arg16[%parallel_loop3A_484, %parallel_loop3A_485], %parallel_loop3A_488 {strides = array<i32>} : memref<8x1024xf32, #tpu.memory_space<vmem>>, vector<1x16xf32>,
        %parallel_loop3A_489 = arith.constant 3 : i32
        %parallel_loop3A_490 = arith.index_cast %parallel_loop3A_489 : i32 to index
        %parallel_loop3A_491 = arith.index_cast %parallel_loop3A_437 : i32 to index
        %parallel_loop3A_492 = tpu.vector_load %arg12[%parallel_loop3A_490, %parallel_loop3A_491] {strides = array<i32>} : memref<8x1024xf32, #tpu.memory_space<vmem>>, vector<1x16xf32>,
        %parallel_loop3A_493 = vector.shape_cast %parallel_loop3A_492 : vector<1x16xf32> to vector<16xf32>
        %parallel_loop3A_494 = arith.constant 3 : i32
        %parallel_loop3A_495 = arith.index_cast %parallel_loop3A_494 : i32 to index
        %parallel_loop3A_496 = arith.index_cast %parallel_loop3A_437 : i32 to index
        %parallel_loop3A_497 = tpu.vector_load %arg6[%parallel_loop3A_495, %parallel_loop3A_496] {strides = array<i32>} : memref<8x1024xf32, #tpu.memory_space<vmem>>, vector<1x16xf32>,
        %parallel_loop3A_498 = vector.shape_cast %parallel_loop3A_497 : vector<1x16xf32> to vector<16xf32>
        %parallel_loop3A_499 = arith.addf %parallel_loop3A_493, %parallel_loop3A_498 : vector<16xf32>
        %parallel_loop3A_500 = arith.constant 3 : i32
        %parallel_loop3A_501 = arith.index_cast %parallel_loop3A_500 : i32 to index
        %parallel_loop3A_502 = arith.index_cast %parallel_loop3A_437 : i32 to index
        %parallel_loop3A_503 = tpu.vector_load %arg16[%parallel_loop3A_501, %parallel_loop3A_502] {strides = array<i32>} : memref<8x1024xf32, #tpu.memory_space<vmem>>, vector<1x16xf32>,
        %parallel_loop3A_504 = vector.shape_cast %parallel_loop3A_503 : vector<1x16xf32> to vector<16xf32>
        %parallel_loop3A_505 = vector.shape_cast %parallel_loop3A_499 : vector<16xf32> to vector<1x16xf32>
        tpu.vector_store %arg16[%parallel_loop3A_501, %parallel_loop3A_502], %parallel_loop3A_505 {strides = array<i32>} : memref<8x1024xf32, #tpu.memory_space<vmem>>, vector<1x16xf32>,
        %parallel_loop3A_506 = arith.constant 4 : i32
        %parallel_loop3A_507 = arith.index_cast %parallel_loop3A_506 : i32 to index
        %parallel_loop3A_508 = arith.index_cast %parallel_loop3A_437 : i32 to index
        %parallel_loop3A_509 = tpu.vector_load %arg12[%parallel_loop3A_507, %parallel_loop3A_508] {strides = array<i32>} : memref<8x1024xf32, #tpu.memory_space<vmem>>, vector<1x16xf32>,
        %parallel_loop3A_510 = vector.shape_cast %parallel_loop3A_509 : vector<1x16xf32> to vector<16xf32>
        %parallel_loop3A_511 = arith.constant 4 : i32
        %parallel_loop3A_512 = arith.index_cast %parallel_loop3A_511 : i32 to index
        %parallel_loop3A_513 = arith.index_cast %parallel_loop3A_437 : i32 to index
        %parallel_loop3A_514 = tpu.vector_load %arg6[%parallel_loop3A_512, %parallel_loop3A_513] {strides = array<i32>} : memref<8x1024xf32, #tpu.memory_space<vmem>>, vector<1x16xf32>,
        %parallel_loop3A_515 = vector.shape_cast %parallel_loop3A_514 : vector<1x16xf32> to vector<16xf32>
        %parallel_loop3A_516 = arith.addf %parallel_loop3A_510, %parallel_loop3A_515 : vector<16xf32>
        %parallel_loop3A_517 = arith.constant 4 : i32
        %parallel_loop3A_518 = arith.index_cast %parallel_loop3A_517 : i32 to index
        %parallel_loop3A_519 = arith.index_cast %parallel_loop3A_437 : i32 to index
        %parallel_loop3A_520 = tpu.vector_load %arg16[%parallel_loop3A_518, %parallel_loop3A_519] {strides = array<i32>} : memref<8x1024xf32, #tpu.memory_space<vmem>>, vector<1x16xf32>,
        %parallel_loop3A_521 = vector.shape_cast %parallel_loop3A_520 : vector<1x16xf32> to vector<16xf32>
        %parallel_loop3A_522 = vector.shape_cast %parallel_loop3A_516 : vector<16xf32> to vector<1x16xf32>
        tpu.vector_store %arg16[%parallel_loop3A_518, %parallel_loop3A_519], %parallel_loop3A_522 {strides = array<i32>} : memref<8x1024xf32, #tpu.memory_space<vmem>>, vector<1x16xf32>,
        %parallel_loop3A_523 = arith.constant 5 : i32
        %parallel_loop3A_524 = arith.index_cast %parallel_loop3A_523 : i32 to index
        %parallel_loop3A_525 = arith.index_cast %parallel_loop3A_437 : i32 to index
        %parallel_loop3A_526 = tpu.vector_load %arg12[%parallel_loop3A_524, %parallel_loop3A_525] {strides = array<i32>} : memref<8x1024xf32, #tpu.memory_space<vmem>>, vector<1x16xf32>,
        %parallel_loop3A_527 = vector.shape_cast %parallel_loop3A_526 : vector<1x16xf32> to vector<16xf32>
        %parallel_loop3A_528 = arith.constant 5 : i32
        %parallel_loop3A_529 = arith.index_cast %parallel_loop3A_528 : i32 to index
        %parallel_loop3A_530 = arith.index_cast %parallel_loop3A_437 : i32 to index
        %parallel_loop3A_531 = tpu.vector_load %arg6[%parallel_loop3A_529, %parallel_loop3A_530] {strides = array<i32>} : memref<8x1024xf32, #tpu.memory_space<vmem>>, vector<1x16xf32>,
        %parallel_loop3A_532 = vector.shape_cast %parallel_loop3A_531 : vector<1x16xf32> to vector<16xf32>
        %parallel_loop3A_533 = arith.addf %parallel_loop3A_527, %parallel_loop3A_532 : vector<16xf32>
        %parallel_loop3A_534 = arith.constant 5 : i32
        %parallel_loop3A_535 = arith.index_cast %parallel_loop3A_534 : i32 to index
        %parallel_loop3A_536 = arith.index_cast %parallel_loop3A_437 : i32 to index
        %parallel_loop3A_537 = tpu.vector_load %arg16[%parallel_loop3A_535, %parallel_loop3A_536] {strides = array<i32>} : memref<8x1024xf32, #tpu.memory_space<vmem>>, vector<1x16xf32>,
        %parallel_loop3A_538 = vector.shape_cast %parallel_loop3A_537 : vector<1x16xf32> to vector<16xf32>
        %parallel_loop3A_539 = vector.shape_cast %parallel_loop3A_533 : vector<16xf32> to vector<1x16xf32>
        tpu.vector_store %arg16[%parallel_loop3A_535, %parallel_loop3A_536], %parallel_loop3A_539 {strides = array<i32>} : memref<8x1024xf32, #tpu.memory_space<vmem>>, vector<1x16xf32>,
        %parallel_loop3A_540 = arith.constant 6 : i32
        %parallel_loop3A_541 = arith.index_cast %parallel_loop3A_540 : i32 to index
        %parallel_loop3A_542 = arith.index_cast %parallel_loop3A_437 : i32 to index
        %parallel_loop3A_543 = tpu.vector_load %arg12[%parallel_loop3A_541, %parallel_loop3A_542] {strides = array<i32>} : memref<8x1024xf32, #tpu.memory_space<vmem>>, vector<1x16xf32>,
        %parallel_loop3A_544 = vector.shape_cast %parallel_loop3A_543 : vector<1x16xf32> to vector<16xf32>
        %parallel_loop3A_545 = arith.constant 6 : i32
        %parallel_loop3A_546 = arith.index_cast %parallel_loop3A_545 : i32 to index
        %parallel_loop3A_547 = arith.index_cast %parallel_loop3A_437 : i32 to index
        %parallel_loop3A_548 = tpu.vector_load %arg6[%parallel_loop3A_546, %parallel_loop3A_547] {strides = array<i32>} : memref<8x1024xf32, #tpu.memory_space<vmem>>, vector<1x16xf32>,
        %parallel_loop3A_549 = vector.shape_cast %parallel_loop3A_548 : vector<1x16xf32> to vector<16xf32>
        %parallel_loop3A_550 = arith.addf %parallel_loop3A_544, %parallel_loop3A_549 : vector<16xf32>
        %parallel_loop3A_551 = arith.constant 6 : i32
        %parallel_loop3A_552 = arith.index_cast %parallel_loop3A_551 : i32 to index
        %parallel_loop3A_553 = arith.index_cast %parallel_loop3A_437 : i32 to index
        %parallel_loop3A_554 = tpu.vector_load %arg16[%parallel_loop3A_552, %parallel_loop3A_553] {strides = array<i32>} : memref<8x1024xf32, #tpu.memory_space<vmem>>, vector<1x16xf32>,
        %parallel_loop3A_555 = vector.shape_cast %parallel_loop3A_554 : vector<1x16xf32> to vector<16xf32>
        %parallel_loop3A_556 = vector.shape_cast %parallel_loop3A_550 : vector<16xf32> to vector<1x16xf32>
        tpu.vector_store %arg16[%parallel_loop3A_552, %parallel_loop3A_553], %parallel_loop3A_556 {strides = array<i32>} : memref<8x1024xf32, #tpu.memory_space<vmem>>, vector<1x16xf32>,
        %parallel_loop3A_557 = arith.constant 7 : i32
        %parallel_loop3A_558 = arith.index_cast %parallel_loop3A_557 : i32 to index
        %parallel_loop3A_559 = arith.index_cast %parallel_loop3A_437 : i32 to index
        %parallel_loop3A_560 = tpu.vector_load %arg12[%parallel_loop3A_558, %parallel_loop3A_559] {strides = array<i32>} : memref<8x1024xf32, #tpu.memory_space<vmem>>, vector<1x16xf32>,
        %parallel_loop3A_561 = vector.shape_cast %parallel_loop3A_560 : vector<1x16xf32> to vector<16xf32>
        %parallel_loop3A_562 = arith.constant 7 : i32
        %parallel_loop3A_563 = arith.index_cast %parallel_loop3A_562 : i32 to index
        %parallel_loop3A_564 = arith.index_cast %parallel_loop3A_437 : i32 to index
        %parallel_loop3A_565 = tpu.vector_load %arg6[%parallel_loop3A_563, %parallel_loop3A_564] {strides = array<i32>} : memref<8x1024xf32, #tpu.memory_space<vmem>>, vector<1x16xf32>,
        %parallel_loop3A_566 = vector.shape_cast %parallel_loop3A_565 : vector<1x16xf32> to vector<16xf32>
        %parallel_loop3A_567 = arith.addf %parallel_loop3A_561, %parallel_loop3A_566 : vector<16xf32>
        %parallel_loop3A_568 = arith.constant 7 : i32
        %parallel_loop3A_569 = arith.index_cast %parallel_loop3A_568 : i32 to index
        %parallel_loop3A_570 = arith.index_cast %parallel_loop3A_437 : i32 to index
        %parallel_loop3A_571 = tpu.vector_load %arg16[%parallel_loop3A_569, %parallel_loop3A_570] {strides = array<i32>} : memref<8x1024xf32, #tpu.memory_space<vmem>>, vector<1x16xf32>,
        %parallel_loop3A_572 = vector.shape_cast %parallel_loop3A_571 : vector<1x16xf32> to vector<16xf32>
        %parallel_loop3A_573 = vector.shape_cast %parallel_loop3A_567 : vector<16xf32> to vector<1x16xf32>
        tpu.vector_store %arg16[%parallel_loop3A_569, %parallel_loop3A_570], %parallel_loop3A_573 {strides = array<i32>} : memref<8x1024xf32, #tpu.memory_space<vmem>>, vector<1x16xf32>,
      } {sc.loop_unroll_factor = 1 : i64, sc.parallel_access}
      %add3A_343 = arith.constant 2 : i32
      %add3A_344 = arith.addi %add3A_282, %add3A_343 : i32
      %lt3A_345 = arith.constant 32 : i32
      %lt3A_346 = arith.cmpi slt, %add3A_344, %lt3A_345 : i32
      %convert_element_type3A_347 = arith.extui %lt3A_346 : i1 to i32
      %cond3A_348 = arith.constant 0 : i32
      %cond3A_349 = arith.cmpi ne, %convert_element_type3A_347, %cond3A_348 : i32
      scf.if %cond3A_349 {
        %add3A_437 = arith.constant 2 : i32
        %add3A_438 = arith.addi %add3A_282, %add3A_437 : i32
        %mul3A_439 = arith.constant 8 : i32
        %mul3A_440 = arith.muli %add3A_438, %mul3A_439 : i32
        %add3A_441 = arith.addi %mul3A_2, %mul3A_440 : i32
        %dma_start3A_442 = arith.constant 1 : i32
        %dma_start3A_443 = arith.constant 0 : i32
        %dma_start3A_444 = tpu.memref_slice %arg2[%dma_start3A_442, %add3A_441, %dma_start3A_443] : memref<4x8192x1024xf32, #tpu.memory_space<hbm>> -> memref<1x8x1024xf32, #tpu.memory_space<hbm>>
        %dma_start3A_445 = tpu.memref_squeeze %dma_start3A_444 : memref<1x8x1024xf32, #tpu.memory_space<hbm>> -> memref<8x1024xf32, #tpu.memory_space<hbm>>
        %dma_start3A_446 = arith.constant 0 : i32
        %dma_start3A_447 = tpu.memref_slice %arg2[%dma_start3A_442, %add3A_441, %dma_start3A_446] : memref<4x8192x1024xf32, #tpu.memory_space<hbm>> -> memref<1x8x1024xf32, #tpu.memory_space<hbm>>
        %dma_start3A_448 = tpu.memref_squeeze %dma_start3A_447 : memref<1x8x1024xf32, #tpu.memory_space<hbm>> -> memref<8x1024xf32, #tpu.memory_space<hbm>>
        tpu.enqueue_dma source(%dma_start3A_448 : memref<8x1024xf32, #tpu.memory_space<hbm>>) target(%arg12 : memref<8x1024xf32, #tpu.memory_space<vmem>>) target_semaphore(%arg26 : memref<!tpu.dma_semaphore, #tpu.memory_space<semaphore_mem>>)
      } else {
      }
      %mul3A_350 = arith.constant 8 : i32
      %mul3A_351 = arith.muli %add3A_282, %mul3A_350 : i32
      %add3A_352 = arith.addi %mul3A_2, %mul3A_351 : i32
      %dma_start3A_353 = arith.constant 1 : i32
      %dma_start3A_354 = arith.constant 0 : i32
      %dma_start3A_355 = tpu.memref_slice %arg4[%dma_start3A_353, %add3A_352, %dma_start3A_354] : memref<4x8192x1024xf32, #tpu.memory_space<hbm>> -> memref<1x8x1024xf32, #tpu.memory_space<hbm>>
      %dma_start3A_356 = tpu.memref_squeeze %dma_start3A_355 : memref<1x8x1024xf32, #tpu.memory_space<hbm>> -> memref<8x1024xf32, #tpu.memory_space<hbm>>
      %dma_start3A_357 = arith.constant 0 : i32
      %dma_start3A_358 = tpu.memref_slice %arg4[%dma_start3A_353, %add3A_352, %dma_start3A_357] : memref<4x8192x1024xf32, #tpu.memory_space<hbm>> -> memref<1x8x1024xf32, #tpu.memory_space<hbm>>
      %dma_start3A_359 = tpu.memref_squeeze %dma_start3A_358 : memref<1x8x1024xf32, #tpu.memory_space<hbm>> -> memref<8x1024xf32, #tpu.memory_space<hbm>>
      tpu.enqueue_dma source(%arg16 : memref<8x1024xf32, #tpu.memory_space<vmem>>) target(%dma_start3A_359 : memref<8x1024xf32, #tpu.memory_space<hbm>>) target_semaphore(%arg30 : memref<!tpu.dma_semaphore, #tpu.memory_space<semaphore_mem>>)
      %mul3A_360 = arith.constant 8 : i32
      %mul3A_361 = arith.muli %add3A_282, %mul3A_360 : i32
      %add3A_362 = arith.addi %mul3A_2, %mul3A_361 : i32
      %dma_wait3A_363 = arith.constant 2 : i32
      %dma_wait3A_364 = arith.constant 0 : i32
      %dma_wait3A_365 = tpu.memref_slice %arg2[%dma_wait3A_363, %add3A_362, %dma_wait3A_364] : memref<4x8192x1024xf32, #tpu.memory_space<hbm>> -> memref<1x8x1024xf32, #tpu.memory_space<hbm>>
      %dma_wait3A_366 = tpu.memref_squeeze %dma_wait3A_365 : memref<1x8x1024xf32, #tpu.memory_space<hbm>> -> memref<8x1024xf32, #tpu.memory_space<hbm>>
      %dma_wait3A_367 = arith.constant 0 : i32
      %dma_wait3A_368 = tpu.memref_slice %arg2[%dma_wait3A_363, %add3A_362, %dma_wait3A_367] : memref<4x8192x1024xf32, #tpu.memory_space<hbm>> -> memref<1x8x1024xf32, #tpu.memory_space<hbm>>
      %dma_wait3A_369 = tpu.memref_squeeze %dma_wait3A_368 : memref<1x8x1024xf32, #tpu.memory_space<hbm>> -> memref<8x1024xf32, #tpu.memory_space<hbm>>
      tpu.wait_dma2 semaphore(%arg27 : memref<!tpu.dma_semaphore, #tpu.memory_space<semaphore_mem>>) src(%dma_wait3A_369 : memref<8x1024xf32, #tpu.memory_space<hbm>>) dst(%arg13 : memref<8x1024xf32, #tpu.memory_space<vmem>>)
      %gt3A_370 = arith.constant 0 : i32
      %gt3A_371 = arith.cmpi sgt, %add3A_282, %gt3A_370 : i32
      %convert_element_type3A_372 = arith.extui %gt3A_371 : i1 to i32
      %cond3A_373 = arith.constant 0 : i32
      %cond3A_374 = arith.cmpi ne, %convert_element_type3A_372, %cond3A_373 : i32
      scf.if %cond3A_374 {
        %mul3A_437 = arith.constant 8 : i32
        %mul3A_438 = arith.muli %add3A_282, %mul3A_437 : i32
        %add3A_439 = arith.addi %mul3A_2, %mul3A_438 : i32
        %dma_wait3A_440 = arith.constant 2 : i32
        %dma_wait3A_441 = arith.constant 0 : i32
        %dma_wait3A_442 = tpu.memref_slice %arg4[%dma_wait3A_440, %add3A_439, %dma_wait3A_441] : memref<4x8192x1024xf32, #tpu.memory_space<hbm>> -> memref<1x8x1024xf32, #tpu.memory_space<hbm>>
        %dma_wait3A_443 = tpu.memref_squeeze %dma_wait3A_442 : memref<1x8x1024xf32, #tpu.memory_space<hbm>> -> memref<8x1024xf32, #tpu.memory_space<hbm>>
        %dma_wait3A_444 = arith.constant 0 : i32
        %dma_wait3A_445 = tpu.memref_slice %arg4[%dma_wait3A_440, %add3A_439, %dma_wait3A_444] : memref<4x8192x1024xf32, #tpu.memory_space<hbm>> -> memref<1x8x1024xf32, #tpu.memory_space<hbm>>
        %dma_wait3A_446 = tpu.memref_squeeze %dma_wait3A_445 : memref<1x8x1024xf32, #tpu.memory_space<hbm>> -> memref<8x1024xf32, #tpu.memory_space<hbm>>
        tpu.wait_dma2 semaphore(%arg31 : memref<!tpu.dma_semaphore, #tpu.memory_space<semaphore_mem>>) src(%arg17 : memref<8x1024xf32, #tpu.memory_space<vmem>>) dst(%dma_wait3A_446 : memref<8x1024xf32, #tpu.memory_space<hbm>>)
      } else {
      }
      %parallel_loop3A_375 = arith.constant 0 : i32
      %parallel_loop3A_376 = arith.constant 1024 : i32
      %parallel_loop3A_377 = arith.constant 16 : i32
      scf.for %parallel_loop3A_437 = %parallel_loop3A_375 to %parallel_loop3A_376 step %parallel_loop3A_377  : i32 {
        %parallel_loop3A_438 = arith.constant 0 : i32
        %parallel_loop3A_439 = arith.index_cast %parallel_loop3A_438 : i32 to index
        %parallel_loop3A_440 = arith.index_cast %parallel_loop3A_437 : i32 to index
        %parallel_loop3A_441 = tpu.vector_load %arg13[%parallel_loop3A_439, %parallel_loop3A_440] {strides = array<i32>} : memref<8x1024xf32, #tpu.memory_space<vmem>>, vector<1x16xf32>,
        %parallel_loop3A_442 = vector.shape_cast %parallel_loop3A_441 : vector<1x16xf32> to vector<16xf32>
        %parallel_loop3A_443 = arith.constant 0 : i32
        %parallel_loop3A_444 = arith.index_cast %parallel_loop3A_443 : i32 to index
        %parallel_loop3A_445 = arith.index_cast %parallel_loop3A_437 : i32 to index
        %parallel_loop3A_446 = tpu.vector_load %arg6[%parallel_loop3A_444, %parallel_loop3A_445] {strides = array<i32>} : memref<8x1024xf32, #tpu.memory_space<vmem>>, vector<1x16xf32>,
        %parallel_loop3A_447 = vector.shape_cast %parallel_loop3A_446 : vector<1x16xf32> to vector<16xf32>
        %parallel_loop3A_448 = arith.addf %parallel_loop3A_442, %parallel_loop3A_447 : vector<16xf32>
        %parallel_loop3A_449 = arith.constant 0 : i32
        %parallel_loop3A_450 = arith.index_cast %parallel_loop3A_449 : i32 to index
        %parallel_loop3A_451 = arith.index_cast %parallel_loop3A_437 : i32 to index
        %parallel_loop3A_452 = tpu.vector_load %arg17[%parallel_loop3A_450, %parallel_loop3A_451] {strides = array<i32>} : memref<8x1024xf32, #tpu.memory_space<vmem>>, vector<1x16xf32>,
        %parallel_loop3A_453 = vector.shape_cast %parallel_loop3A_452 : vector<1x16xf32> to vector<16xf32>
        %parallel_loop3A_454 = vector.shape_cast %parallel_loop3A_448 : vector<16xf32> to vector<1x16xf32>
        tpu.vector_store %arg17[%parallel_loop3A_450, %parallel_loop3A_451], %parallel_loop3A_454 {strides = array<i32>} : memref<8x1024xf32, #tpu.memory_space<vmem>>, vector<1x16xf32>,
        %parallel_loop3A_455 = arith.constant 1 : i32
        %parallel_loop3A_456 = arith.index_cast %parallel_loop3A_455 : i32 to index
        %parallel_loop3A_457 = arith.index_cast %parallel_loop3A_437 : i32 to index
        %parallel_loop3A_458 = tpu.vector_load %arg13[%parallel_loop3A_456, %parallel_loop3A_457] {strides = array<i32>} : memref<8x1024xf32, #tpu.memory_space<vmem>>, vector<1x16xf32>,
        %parallel_loop3A_459 = vector.shape_cast %parallel_loop3A_458 : vector<1x16xf32> to vector<16xf32>
        %parallel_loop3A_460 = arith.constant 1 : i32
        %parallel_loop3A_461 = arith.index_cast %parallel_loop3A_460 : i32 to index
        %parallel_loop3A_462 = arith.index_cast %parallel_loop3A_437 : i32 to index
        %parallel_loop3A_463 = tpu.vector_load %arg6[%parallel_loop3A_461, %parallel_loop3A_462] {strides = array<i32>} : memref<8x1024xf32, #tpu.memory_space<vmem>>, vector<1x16xf32>,
        %parallel_loop3A_464 = vector.shape_cast %parallel_loop3A_463 : vector<1x16xf32> to vector<16xf32>
        %parallel_loop3A_465 = arith.addf %parallel_loop3A_459, %parallel_loop3A_464 : vector<16xf32>
        %parallel_loop3A_466 = arith.constant 1 : i32
        %parallel_loop3A_467 = arith.index_cast %parallel_loop3A_466 : i32 to index
        %parallel_loop3A_468 = arith.index_cast %parallel_loop3A_437 : i32 to index
        %parallel_loop3A_469 = tpu.vector_load %arg17[%parallel_loop3A_467, %parallel_loop3A_468] {strides = array<i32>} : memref<8x1024xf32, #tpu.memory_space<vmem>>, vector<1x16xf32>,
        %parallel_loop3A_470 = vector.shape_cast %parallel_loop3A_469 : vector<1x16xf32> to vector<16xf32>
        %parallel_loop3A_471 = vector.shape_cast %parallel_loop3A_465 : vector<16xf32> to vector<1x16xf32>
        tpu.vector_store %arg17[%parallel_loop3A_467, %parallel_loop3A_468], %parallel_loop3A_471 {strides = array<i32>} : memref<8x1024xf32, #tpu.memory_space<vmem>>, vector<1x16xf32>,
        %parallel_loop3A_472 = arith.constant 2 : i32
        %parallel_loop3A_473 = arith.index_cast %parallel_loop3A_472 : i32 to index
        %parallel_loop3A_474 = arith.index_cast %parallel_loop3A_437 : i32 to index
        %parallel_loop3A_475 = tpu.vector_load %arg13[%parallel_loop3A_473, %parallel_loop3A_474] {strides = array<i32>} : memref<8x1024xf32, #tpu.memory_space<vmem>>, vector<1x16xf32>,
        %parallel_loop3A_476 = vector.shape_cast %parallel_loop3A_475 : vector<1x16xf32> to vector<16xf32>
        %parallel_loop3A_477 = arith.constant 2 : i32
        %parallel_loop3A_478 = arith.index_cast %parallel_loop3A_477 : i32 to index
        %parallel_loop3A_479 = arith.index_cast %parallel_loop3A_437 : i32 to index
        %parallel_loop3A_480 = tpu.vector_load %arg6[%parallel_loop3A_478, %parallel_loop3A_479] {strides = array<i32>} : memref<8x1024xf32, #tpu.memory_space<vmem>>, vector<1x16xf32>,
        %parallel_loop3A_481 = vector.shape_cast %parallel_loop3A_480 : vector<1x16xf32> to vector<16xf32>
        %parallel_loop3A_482 = arith.addf %parallel_loop3A_476, %parallel_loop3A_481 : vector<16xf32>
        %parallel_loop3A_483 = arith.constant 2 : i32
        %parallel_loop3A_484 = arith.index_cast %parallel_loop3A_483 : i32 to index
        %parallel_loop3A_485 = arith.index_cast %parallel_loop3A_437 : i32 to index
        %parallel_loop3A_486 = tpu.vector_load %arg17[%parallel_loop3A_484, %parallel_loop3A_485] {strides = array<i32>} : memref<8x1024xf32, #tpu.memory_space<vmem>>, vector<1x16xf32>,
        %parallel_loop3A_487 = vector.shape_cast %parallel_loop3A_486 : vector<1x16xf32> to vector<16xf32>
        %parallel_loop3A_488 = vector.shape_cast %parallel_loop3A_482 : vector<16xf32> to vector<1x16xf32>
        tpu.vector_store %arg17[%parallel_loop3A_484, %parallel_loop3A_485], %parallel_loop3A_488 {strides = array<i32>} : memref<8x1024xf32, #tpu.memory_space<vmem>>, vector<1x16xf32>,
        %parallel_loop3A_489 = arith.constant 3 : i32
        %parallel_loop3A_490 = arith.index_cast %parallel_loop3A_489 : i32 to index
        %parallel_loop3A_491 = arith.index_cast %parallel_loop3A_437 : i32 to index
        %parallel_loop3A_492 = tpu.vector_load %arg13[%parallel_loop3A_490, %parallel_loop3A_491] {strides = array<i32>} : memref<8x1024xf32, #tpu.memory_space<vmem>>, vector<1x16xf32>,
        %parallel_loop3A_493 = vector.shape_cast %parallel_loop3A_492 : vector<1x16xf32> to vector<16xf32>
        %parallel_loop3A_494 = arith.constant 3 : i32
        %parallel_loop3A_495 = arith.index_cast %parallel_loop3A_494 : i32 to index
        %parallel_loop3A_496 = arith.index_cast %parallel_loop3A_437 : i32 to index
        %parallel_loop3A_497 = tpu.vector_load %arg6[%parallel_loop3A_495, %parallel_loop3A_496] {strides = array<i32>} : memref<8x1024xf32, #tpu.memory_space<vmem>>, vector<1x16xf32>,
        %parallel_loop3A_498 = vector.shape_cast %parallel_loop3A_497 : vector<1x16xf32> to vector<16xf32>
        %parallel_loop3A_499 = arith.addf %parallel_loop3A_493, %parallel_loop3A_498 : vector<16xf32>
        %parallel_loop3A_500 = arith.constant 3 : i32
        %parallel_loop3A_501 = arith.index_cast %parallel_loop3A_500 : i32 to index
        %parallel_loop3A_502 = arith.index_cast %parallel_loop3A_437 : i32 to index
        %parallel_loop3A_503 = tpu.vector_load %arg17[%parallel_loop3A_501, %parallel_loop3A_502] {strides = array<i32>} : memref<8x1024xf32, #tpu.memory_space<vmem>>, vector<1x16xf32>,
        %parallel_loop3A_504 = vector.shape_cast %parallel_loop3A_503 : vector<1x16xf32> to vector<16xf32>
        %parallel_loop3A_505 = vector.shape_cast %parallel_loop3A_499 : vector<16xf32> to vector<1x16xf32>
        tpu.vector_store %arg17[%parallel_loop3A_501, %parallel_loop3A_502], %parallel_loop3A_505 {strides = array<i32>} : memref<8x1024xf32, #tpu.memory_space<vmem>>, vector<1x16xf32>,
        %parallel_loop3A_506 = arith.constant 4 : i32
        %parallel_loop3A_507 = arith.index_cast %parallel_loop3A_506 : i32 to index
        %parallel_loop3A_508 = arith.index_cast %parallel_loop3A_437 : i32 to index
        %parallel_loop3A_509 = tpu.vector_load %arg13[%parallel_loop3A_507, %parallel_loop3A_508] {strides = array<i32>} : memref<8x1024xf32, #tpu.memory_space<vmem>>, vector<1x16xf32>,
        %parallel_loop3A_510 = vector.shape_cast %parallel_loop3A_509 : vector<1x16xf32> to vector<16xf32>
        %parallel_loop3A_511 = arith.constant 4 : i32
        %parallel_loop3A_512 = arith.index_cast %parallel_loop3A_511 : i32 to index
        %parallel_loop3A_513 = arith.index_cast %parallel_loop3A_437 : i32 to index
        %parallel_loop3A_514 = tpu.vector_load %arg6[%parallel_loop3A_512, %parallel_loop3A_513] {strides = array<i32>} : memref<8x1024xf32, #tpu.memory_space<vmem>>, vector<1x16xf32>,
        %parallel_loop3A_515 = vector.shape_cast %parallel_loop3A_514 : vector<1x16xf32> to vector<16xf32>
        %parallel_loop3A_516 = arith.addf %parallel_loop3A_510, %parallel_loop3A_515 : vector<16xf32>
        %parallel_loop3A_517 = arith.constant 4 : i32
        %parallel_loop3A_518 = arith.index_cast %parallel_loop3A_517 : i32 to index
        %parallel_loop3A_519 = arith.index_cast %parallel_loop3A_437 : i32 to index
        %parallel_loop3A_520 = tpu.vector_load %arg17[%parallel_loop3A_518, %parallel_loop3A_519] {strides = array<i32>} : memref<8x1024xf32, #tpu.memory_space<vmem>>, vector<1x16xf32>,
        %parallel_loop3A_521 = vector.shape_cast %parallel_loop3A_520 : vector<1x16xf32> to vector<16xf32>
        %parallel_loop3A_522 = vector.shape_cast %parallel_loop3A_516 : vector<16xf32> to vector<1x16xf32>
        tpu.vector_store %arg17[%parallel_loop3A_518, %parallel_loop3A_519], %parallel_loop3A_522 {strides = array<i32>} : memref<8x1024xf32, #tpu.memory_space<vmem>>, vector<1x16xf32>,
        %parallel_loop3A_523 = arith.constant 5 : i32
        %parallel_loop3A_524 = arith.index_cast %parallel_loop3A_523 : i32 to index
        %parallel_loop3A_525 = arith.index_cast %parallel_loop3A_437 : i32 to index
        %parallel_loop3A_526 = tpu.vector_load %arg13[%parallel_loop3A_524, %parallel_loop3A_525] {strides = array<i32>} : memref<8x1024xf32, #tpu.memory_space<vmem>>, vector<1x16xf32>,
        %parallel_loop3A_527 = vector.shape_cast %parallel_loop3A_526 : vector<1x16xf32> to vector<16xf32>
        %parallel_loop3A_528 = arith.constant 5 : i32
        %parallel_loop3A_529 = arith.index_cast %parallel_loop3A_528 : i32 to index
        %parallel_loop3A_530 = arith.index_cast %parallel_loop3A_437 : i32 to index
        %parallel_loop3A_531 = tpu.vector_load %arg6[%parallel_loop3A_529, %parallel_loop3A_530] {strides = array<i32>} : memref<8x1024xf32, #tpu.memory_space<vmem>>, vector<1x16xf32>,
        %parallel_loop3A_532 = vector.shape_cast %parallel_loop3A_531 : vector<1x16xf32> to vector<16xf32>
        %parallel_loop3A_533 = arith.addf %parallel_loop3A_527, %parallel_loop3A_532 : vector<16xf32>
        %parallel_loop3A_534 = arith.constant 5 : i32
        %parallel_loop3A_535 = arith.index_cast %parallel_loop3A_534 : i32 to index
        %parallel_loop3A_536 = arith.index_cast %parallel_loop3A_437 : i32 to index
        %parallel_loop3A_537 = tpu.vector_load %arg17[%parallel_loop3A_535, %parallel_loop3A_536] {strides = array<i32>} : memref<8x1024xf32, #tpu.memory_space<vmem>>, vector<1x16xf32>,
        %parallel_loop3A_538 = vector.shape_cast %parallel_loop3A_537 : vector<1x16xf32> to vector<16xf32>
        %parallel_loop3A_539 = vector.shape_cast %parallel_loop3A_533 : vector<16xf32> to vector<1x16xf32>
        tpu.vector_store %arg17[%parallel_loop3A_535, %parallel_loop3A_536], %parallel_loop3A_539 {strides = array<i32>} : memref<8x1024xf32, #tpu.memory_space<vmem>>, vector<1x16xf32>,
        %parallel_loop3A_540 = arith.constant 6 : i32
        %parallel_loop3A_541 = arith.index_cast %parallel_loop3A_540 : i32 to index
        %parallel_loop3A_542 = arith.index_cast %parallel_loop3A_437 : i32 to index
        %parallel_loop3A_543 = tpu.vector_load %arg13[%parallel_loop3A_541, %parallel_loop3A_542] {strides = array<i32>} : memref<8x1024xf32, #tpu.memory_space<vmem>>, vector<1x16xf32>,
        %parallel_loop3A_544 = vector.shape_cast %parallel_loop3A_543 : vector<1x16xf32> to vector<16xf32>
        %parallel_loop3A_545 = arith.constant 6 : i32
        %parallel_loop3A_546 = arith.index_cast %parallel_loop3A_545 : i32 to index
        %parallel_loop3A_547 = arith.index_cast %parallel_loop3A_437 : i32 to index
        %parallel_loop3A_548 = tpu.vector_load %arg6[%parallel_loop3A_546, %parallel_loop3A_547] {strides = array<i32>} : memref<8x1024xf32, #tpu.memory_space<vmem>>, vector<1x16xf32>,
        %parallel_loop3A_549 = vector.shape_cast %parallel_loop3A_548 : vector<1x16xf32> to vector<16xf32>
        %parallel_loop3A_550 = arith.addf %parallel_loop3A_544, %parallel_loop3A_549 : vector<16xf32>
        %parallel_loop3A_551 = arith.constant 6 : i32
        %parallel_loop3A_552 = arith.index_cast %parallel_loop3A_551 : i32 to index
        %parallel_loop3A_553 = arith.index_cast %parallel_loop3A_437 : i32 to index
        %parallel_loop3A_554 = tpu.vector_load %arg17[%parallel_loop3A_552, %parallel_loop3A_553] {strides = array<i32>} : memref<8x1024xf32, #tpu.memory_space<vmem>>, vector<1x16xf32>,
        %parallel_loop3A_555 = vector.shape_cast %parallel_loop3A_554 : vector<1x16xf32> to vector<16xf32>
        %parallel_loop3A_556 = vector.shape_cast %parallel_loop3A_550 : vector<16xf32> to vector<1x16xf32>
        tpu.vector_store %arg17[%parallel_loop3A_552, %parallel_loop3A_553], %parallel_loop3A_556 {strides = array<i32>} : memref<8x1024xf32, #tpu.memory_space<vmem>>, vector<1x16xf32>,
        %parallel_loop3A_557 = arith.constant 7 : i32
        %parallel_loop3A_558 = arith.index_cast %parallel_loop3A_557 : i32 to index
        %parallel_loop3A_559 = arith.index_cast %parallel_loop3A_437 : i32 to index
        %parallel_loop3A_560 = tpu.vector_load %arg13[%parallel_loop3A_558, %parallel_loop3A_559] {strides = array<i32>} : memref<8x1024xf32, #tpu.memory_space<vmem>>, vector<1x16xf32>,
        %parallel_loop3A_561 = vector.shape_cast %parallel_loop3A_560 : vector<1x16xf32> to vector<16xf32>
        %parallel_loop3A_562 = arith.constant 7 : i32
        %parallel_loop3A_563 = arith.index_cast %parallel_loop3A_562 : i32 to index
        %parallel_loop3A_564 = arith.index_cast %parallel_loop3A_437 : i32 to index
        %parallel_loop3A_565 = tpu.vector_load %arg6[%parallel_loop3A_563, %parallel_loop3A_564] {strides = array<i32>} : memref<8x1024xf32, #tpu.memory_space<vmem>>, vector<1x16xf32>,
        %parallel_loop3A_566 = vector.shape_cast %parallel_loop3A_565 : vector<1x16xf32> to vector<16xf32>
        %parallel_loop3A_567 = arith.addf %parallel_loop3A_561, %parallel_loop3A_566 : vector<16xf32>
        %parallel_loop3A_568 = arith.constant 7 : i32
        %parallel_loop3A_569 = arith.index_cast %parallel_loop3A_568 : i32 to index
        %parallel_loop3A_570 = arith.index_cast %parallel_loop3A_437 : i32 to index
        %parallel_loop3A_571 = tpu.vector_load %arg17[%parallel_loop3A_569, %parallel_loop3A_570] {strides = array<i32>} : memref<8x1024xf32, #tpu.memory_space<vmem>>, vector<1x16xf32>,
        %parallel_loop3A_572 = vector.shape_cast %parallel_loop3A_571 : vector<1x16xf32> to vector<16xf32>
        %parallel_loop3A_573 = vector.shape_cast %parallel_loop3A_567 : vector<16xf32> to vector<1x16xf32>
        tpu.vector_store %arg17[%parallel_loop3A_569, %parallel_loop3A_570], %parallel_loop3A_573 {strides = array<i32>} : memref<8x1024xf32, #tpu.memory_space<vmem>>, vector<1x16xf32>,
      } {sc.loop_unroll_factor = 1 : i64, sc.parallel_access}
      %add3A_378 = arith.constant 2 : i32
      %add3A_379 = arith.addi %add3A_282, %add3A_378 : i32
      %lt3A_380 = arith.constant 32 : i32
      %lt3A_381 = arith.cmpi slt, %add3A_379, %lt3A_380 : i32
      %convert_element_type3A_382 = arith.extui %lt3A_381 : i1 to i32
      %cond3A_383 = arith.constant 0 : i32
      %cond3A_384 = arith.cmpi ne, %convert_element_type3A_382, %cond3A_383 : i32
      scf.if %cond3A_384 {
        %add3A_437 = arith.constant 2 : i32
        %add3A_438 = arith.addi %add3A_282, %add3A_437 : i32
        %mul3A_439 = arith.constant 8 : i32
        %mul3A_440 = arith.muli %add3A_438, %mul3A_439 : i32
        %add3A_441 = arith.addi %mul3A_2, %mul3A_440 : i32
        %dma_start3A_442 = arith.constant 2 : i32
        %dma_start3A_443 = arith.constant 0 : i32
        %dma_start3A_444 = tpu.memref_slice %arg2[%dma_start3A_442, %add3A_441, %dma_start3A_443] : memref<4x8192x1024xf32, #tpu.memory_space<hbm>> -> memref<1x8x1024xf32, #tpu.memory_space<hbm>>
        %dma_start3A_445 = tpu.memref_squeeze %dma_start3A_444 : memref<1x8x1024xf32, #tpu.memory_space<hbm>> -> memref<8x1024xf32, #tpu.memory_space<hbm>>
        %dma_start3A_446 = arith.constant 0 : i32
        %dma_start3A_447 = tpu.memref_slice %arg2[%dma_start3A_442, %add3A_441, %dma_start3A_446] : memref<4x8192x1024xf32, #tpu.memory_space<hbm>> -> memref<1x8x1024xf32, #tpu.memory_space<hbm>>
        %dma_start3A_448 = tpu.memref_squeeze %dma_start3A_447 : memref<1x8x1024xf32, #tpu.memory_space<hbm>> -> memref<8x1024xf32, #tpu.memory_space<hbm>>
        tpu.enqueue_dma source(%dma_start3A_448 : memref<8x1024xf32, #tpu.memory_space<hbm>>) target(%arg13 : memref<8x1024xf32, #tpu.memory_space<vmem>>) target_semaphore(%arg27 : memref<!tpu.dma_semaphore, #tpu.memory_space<semaphore_mem>>)
      } else {
      }
      %mul3A_385 = arith.constant 8 : i32
      %mul3A_386 = arith.muli %add3A_282, %mul3A_385 : i32
      %add3A_387 = arith.addi %mul3A_2, %mul3A_386 : i32
      %dma_start3A_388 = arith.constant 2 : i32
      %dma_start3A_389 = arith.constant 0 : i32
      %dma_start3A_390 = tpu.memref_slice %arg4[%dma_start3A_388, %add3A_387, %dma_start3A_389] : memref<4x8192x1024xf32, #tpu.memory_space<hbm>> -> memref<1x8x1024xf32, #tpu.memory_space<hbm>>
      %dma_start3A_391 = tpu.memref_squeeze %dma_start3A_390 : memref<1x8x1024xf32, #tpu.memory_space<hbm>> -> memref<8x1024xf32, #tpu.memory_space<hbm>>
      %dma_start3A_392 = arith.constant 0 : i32
      %dma_start3A_393 = tpu.memref_slice %arg4[%dma_start3A_388, %add3A_387, %dma_start3A_392] : memref<4x8192x1024xf32, #tpu.memory_space<hbm>> -> memref<1x8x1024xf32, #tpu.memory_space<hbm>>
      %dma_start3A_394 = tpu.memref_squeeze %dma_start3A_393 : memref<1x8x1024xf32, #tpu.memory_space<hbm>> -> memref<8x1024xf32, #tpu.memory_space<hbm>>
      tpu.enqueue_dma source(%arg17 : memref<8x1024xf32, #tpu.memory_space<vmem>>) target(%dma_start3A_394 : memref<8x1024xf32, #tpu.memory_space<hbm>>) target_semaphore(%arg31 : memref<!tpu.dma_semaphore, #tpu.memory_space<semaphore_mem>>)
      %mul3A_395 = arith.constant 8 : i32
      %mul3A_396 = arith.muli %add3A_282, %mul3A_395 : i32
      %add3A_397 = arith.addi %mul3A_2, %mul3A_396 : i32
      %dma_wait3A_398 = arith.constant 3 : i32
      %dma_wait3A_399 = arith.constant 0 : i32
      %dma_wait3A_400 = tpu.memref_slice %arg2[%dma_wait3A_398, %add3A_397, %dma_wait3A_399] : memref<4x8192x1024xf32, #tpu.memory_space<hbm>> -> memref<1x8x1024xf32, #tpu.memory_space<hbm>>
      %dma_wait3A_401 = tpu.memref_squeeze %dma_wait3A_400 : memref<1x8x1024xf32, #tpu.memory_space<hbm>> -> memref<8x1024xf32, #tpu.memory_space<hbm>>
      %dma_wait3A_402 = arith.constant 0 : i32
      %dma_wait3A_403 = tpu.memref_slice %arg2[%dma_wait3A_398, %add3A_397, %dma_wait3A_402] : memref<4x8192x1024xf32, #tpu.memory_space<hbm>> -> memref<1x8x1024xf32, #tpu.memory_space<hbm>>
      %dma_wait3A_404 = tpu.memref_squeeze %dma_wait3A_403 : memref<1x8x1024xf32, #tpu.memory_space<hbm>> -> memref<8x1024xf32, #tpu.memory_space<hbm>>
      tpu.wait_dma2 semaphore(%arg28 : memref<!tpu.dma_semaphore, #tpu.memory_space<semaphore_mem>>) src(%dma_wait3A_404 : memref<8x1024xf32, #tpu.memory_space<hbm>>) dst(%arg14 : memref<8x1024xf32, #tpu.memory_space<vmem>>)
      %gt3A_405 = arith.constant 0 : i32
      %gt3A_406 = arith.cmpi sgt, %add3A_282, %gt3A_405 : i32
      %convert_element_type3A_407 = arith.extui %gt3A_406 : i1 to i32
      %cond3A_408 = arith.constant 0 : i32
      %cond3A_409 = arith.cmpi ne, %convert_element_type3A_407, %cond3A_408 : i32
      scf.if %cond3A_409 {
        %mul3A_437 = arith.constant 8 : i32
        %mul3A_438 = arith.muli %add3A_282, %mul3A_437 : i32
        %add3A_439 = arith.addi %mul3A_2, %mul3A_438 : i32
        %dma_wait3A_440 = arith.constant 3 : i32
        %dma_wait3A_441 = arith.constant 0 : i32
        %dma_wait3A_442 = tpu.memref_slice %arg4[%dma_wait3A_440, %add3A_439, %dma_wait3A_441] : memref<4x8192x1024xf32, #tpu.memory_space<hbm>> -> memref<1x8x1024xf32, #tpu.memory_space<hbm>>
        %dma_wait3A_443 = tpu.memref_squeeze %dma_wait3A_442 : memref<1x8x1024xf32, #tpu.memory_space<hbm>> -> memref<8x1024xf32, #tpu.memory_space<hbm>>
        %dma_wait3A_444 = arith.constant 0 : i32
        %dma_wait3A_445 = tpu.memref_slice %arg4[%dma_wait3A_440, %add3A_439, %dma_wait3A_444] : memref<4x8192x1024xf32, #tpu.memory_space<hbm>> -> memref<1x8x1024xf32, #tpu.memory_space<hbm>>
        %dma_wait3A_446 = tpu.memref_squeeze %dma_wait3A_445 : memref<1x8x1024xf32, #tpu.memory_space<hbm>> -> memref<8x1024xf32, #tpu.memory_space<hbm>>
        tpu.wait_dma2 semaphore(%arg32 : memref<!tpu.dma_semaphore, #tpu.memory_space<semaphore_mem>>) src(%arg18 : memref<8x1024xf32, #tpu.memory_space<vmem>>) dst(%dma_wait3A_446 : memref<8x1024xf32, #tpu.memory_space<hbm>>)
      } else {
      }
      %parallel_loop3A_410 = arith.constant 0 : i32
      %parallel_loop3A_411 = arith.constant 1024 : i32
      %parallel_loop3A_412 = arith.constant 16 : i32
      scf.for %parallel_loop3A_437 = %parallel_loop3A_410 to %parallel_loop3A_411 step %parallel_loop3A_412  : i32 {
        %parallel_loop3A_438 = arith.constant 0 : i32
        %parallel_loop3A_439 = arith.index_cast %parallel_loop3A_438 : i32 to index
        %parallel_loop3A_440 = arith.index_cast %parallel_loop3A_437 : i32 to index
        %parallel_loop3A_441 = tpu.vector_load %arg14[%parallel_loop3A_439, %parallel_loop3A_440] {strides = array<i32>} : memref<8x1024xf32, #tpu.memory_space<vmem>>, vector<1x16xf32>,
        %parallel_loop3A_442 = vector.shape_cast %parallel_loop3A_441 : vector<1x16xf32> to vector<16xf32>
        %parallel_loop3A_443 = arith.constant 0 : i32
        %parallel_loop3A_444 = arith.index_cast %parallel_loop3A_443 : i32 to index
        %parallel_loop3A_445 = arith.index_cast %parallel_loop3A_437 : i32 to index
        %parallel_loop3A_446 = tpu.vector_load %arg6[%parallel_loop3A_444, %parallel_loop3A_445] {strides = array<i32>} : memref<8x1024xf32, #tpu.memory_space<vmem>>, vector<1x16xf32>,
        %parallel_loop3A_447 = vector.shape_cast %parallel_loop3A_446 : vector<1x16xf32> to vector<16xf32>
        %parallel_loop3A_448 = arith.addf %parallel_loop3A_442, %parallel_loop3A_447 : vector<16xf32>
        %parallel_loop3A_449 = arith.constant 0 : i32
        %parallel_loop3A_450 = arith.index_cast %parallel_loop3A_449 : i32 to index
        %parallel_loop3A_451 = arith.index_cast %parallel_loop3A_437 : i32 to index
        %parallel_loop3A_452 = tpu.vector_load %arg18[%parallel_loop3A_450, %parallel_loop3A_451] {strides = array<i32>} : memref<8x1024xf32, #tpu.memory_space<vmem>>, vector<1x16xf32>,
        %parallel_loop3A_453 = vector.shape_cast %parallel_loop3A_452 : vector<1x16xf32> to vector<16xf32>
        %parallel_loop3A_454 = vector.shape_cast %parallel_loop3A_448 : vector<16xf32> to vector<1x16xf32>
        tpu.vector_store %arg18[%parallel_loop3A_450, %parallel_loop3A_451], %parallel_loop3A_454 {strides = array<i32>} : memref<8x1024xf32, #tpu.memory_space<vmem>>, vector<1x16xf32>,
        %parallel_loop3A_455 = arith.constant 1 : i32
        %parallel_loop3A_456 = arith.index_cast %parallel_loop3A_455 : i32 to index
        %parallel_loop3A_457 = arith.index_cast %parallel_loop3A_437 : i32 to index
        %parallel_loop3A_458 = tpu.vector_load %arg14[%parallel_loop3A_456, %parallel_loop3A_457] {strides = array<i32>} : memref<8x1024xf32, #tpu.memory_space<vmem>>, vector<1x16xf32>,
        %parallel_loop3A_459 = vector.shape_cast %parallel_loop3A_458 : vector<1x16xf32> to vector<16xf32>
        %parallel_loop3A_460 = arith.constant 1 : i32
        %parallel_loop3A_461 = arith.index_cast %parallel_loop3A_460 : i32 to index
        %parallel_loop3A_462 = arith.index_cast %parallel_loop3A_437 : i32 to index
        %parallel_loop3A_463 = tpu.vector_load %arg6[%parallel_loop3A_461, %parallel_loop3A_462] {strides = array<i32>} : memref<8x1024xf32, #tpu.memory_space<vmem>>, vector<1x16xf32>,
        %parallel_loop3A_464 = vector.shape_cast %parallel_loop3A_463 : vector<1x16xf32> to vector<16xf32>
        %parallel_loop3A_465 = arith.addf %parallel_loop3A_459, %parallel_loop3A_464 : vector<16xf32>
        %parallel_loop3A_466 = arith.constant 1 : i32
        %parallel_loop3A_467 = arith.index_cast %parallel_loop3A_466 : i32 to index
        %parallel_loop3A_468 = arith.index_cast %parallel_loop3A_437 : i32 to index
        %parallel_loop3A_469 = tpu.vector_load %arg18[%parallel_loop3A_467, %parallel_loop3A_468] {strides = array<i32>} : memref<8x1024xf32, #tpu.memory_space<vmem>>, vector<1x16xf32>,
        %parallel_loop3A_470 = vector.shape_cast %parallel_loop3A_469 : vector<1x16xf32> to vector<16xf32>
        %parallel_loop3A_471 = vector.shape_cast %parallel_loop3A_465 : vector<16xf32> to vector<1x16xf32>
        tpu.vector_store %arg18[%parallel_loop3A_467, %parallel_loop3A_468], %parallel_loop3A_471 {strides = array<i32>} : memref<8x1024xf32, #tpu.memory_space<vmem>>, vector<1x16xf32>,
        %parallel_loop3A_472 = arith.constant 2 : i32
        %parallel_loop3A_473 = arith.index_cast %parallel_loop3A_472 : i32 to index
        %parallel_loop3A_474 = arith.index_cast %parallel_loop3A_437 : i32 to index
        %parallel_loop3A_475 = tpu.vector_load %arg14[%parallel_loop3A_473, %parallel_loop3A_474] {strides = array<i32>} : memref<8x1024xf32, #tpu.memory_space<vmem>>, vector<1x16xf32>,
        %parallel_loop3A_476 = vector.shape_cast %parallel_loop3A_475 : vector<1x16xf32> to vector<16xf32>
        %parallel_loop3A_477 = arith.constant 2 : i32
        %parallel_loop3A_478 = arith.index_cast %parallel_loop3A_477 : i32 to index
        %parallel_loop3A_479 = arith.index_cast %parallel_loop3A_437 : i32 to index
        %parallel_loop3A_480 = tpu.vector_load %arg6[%parallel_loop3A_478, %parallel_loop3A_479] {strides = array<i32>} : memref<8x1024xf32, #tpu.memory_space<vmem>>, vector<1x16xf32>,
        %parallel_loop3A_481 = vector.shape_cast %parallel_loop3A_480 : vector<1x16xf32> to vector<16xf32>
        %parallel_loop3A_482 = arith.addf %parallel_loop3A_476, %parallel_loop3A_481 : vector<16xf32>
        %parallel_loop3A_483 = arith.constant 2 : i32
        %parallel_loop3A_484 = arith.index_cast %parallel_loop3A_483 : i32 to index
        %parallel_loop3A_485 = arith.index_cast %parallel_loop3A_437 : i32 to index
        %parallel_loop3A_486 = tpu.vector_load %arg18[%parallel_loop3A_484, %parallel_loop3A_485] {strides = array<i32>} : memref<8x1024xf32, #tpu.memory_space<vmem>>, vector<1x16xf32>,
        %parallel_loop3A_487 = vector.shape_cast %parallel_loop3A_486 : vector<1x16xf32> to vector<16xf32>
        %parallel_loop3A_488 = vector.shape_cast %parallel_loop3A_482 : vector<16xf32> to vector<1x16xf32>
        tpu.vector_store %arg18[%parallel_loop3A_484, %parallel_loop3A_485], %parallel_loop3A_488 {strides = array<i32>} : memref<8x1024xf32, #tpu.memory_space<vmem>>, vector<1x16xf32>,
        %parallel_loop3A_489 = arith.constant 3 : i32
        %parallel_loop3A_490 = arith.index_cast %parallel_loop3A_489 : i32 to index
        %parallel_loop3A_491 = arith.index_cast %parallel_loop3A_437 : i32 to index
        %parallel_loop3A_492 = tpu.vector_load %arg14[%parallel_loop3A_490, %parallel_loop3A_491] {strides = array<i32>} : memref<8x1024xf32, #tpu.memory_space<vmem>>, vector<1x16xf32>,
        %parallel_loop3A_493 = vector.shape_cast %parallel_loop3A_492 : vector<1x16xf32> to vector<16xf32>
        %parallel_loop3A_494 = arith.constant 3 : i32
        %parallel_loop3A_495 = arith.index_cast %parallel_loop3A_494 : i32 to index
        %parallel_loop3A_496 = arith.index_cast %parallel_loop3A_437 : i32 to index
        %parallel_loop3A_497 = tpu.vector_load %arg6[%parallel_loop3A_495, %parallel_loop3A_496] {strides = array<i32>} : memref<8x1024xf32, #tpu.memory_space<vmem>>, vector<1x16xf32>,
        %parallel_loop3A_498 = vector.shape_cast %parallel_loop3A_497 : vector<1x16xf32> to vector<16xf32>
        %parallel_loop3A_499 = arith.addf %parallel_loop3A_493, %parallel_loop3A_498 : vector<16xf32>
        %parallel_loop3A_500 = arith.constant 3 : i32
        %parallel_loop3A_501 = arith.index_cast %parallel_loop3A_500 : i32 to index
        %parallel_loop3A_502 = arith.index_cast %parallel_loop3A_437 : i32 to index
        %parallel_loop3A_503 = tpu.vector_load %arg18[%parallel_loop3A_501, %parallel_loop3A_502] {strides = array<i32>} : memref<8x1024xf32, #tpu.memory_space<vmem>>, vector<1x16xf32>,
        %parallel_loop3A_504 = vector.shape_cast %parallel_loop3A_503 : vector<1x16xf32> to vector<16xf32>
        %parallel_loop3A_505 = vector.shape_cast %parallel_loop3A_499 : vector<16xf32> to vector<1x16xf32>
        tpu.vector_store %arg18[%parallel_loop3A_501, %parallel_loop3A_502], %parallel_loop3A_505 {strides = array<i32>} : memref<8x1024xf32, #tpu.memory_space<vmem>>, vector<1x16xf32>,
        %parallel_loop3A_506 = arith.constant 4 : i32
        %parallel_loop3A_507 = arith.index_cast %parallel_loop3A_506 : i32 to index
        %parallel_loop3A_508 = arith.index_cast %parallel_loop3A_437 : i32 to index
        %parallel_loop3A_509 = tpu.vector_load %arg14[%parallel_loop3A_507, %parallel_loop3A_508] {strides = array<i32>} : memref<8x1024xf32, #tpu.memory_space<vmem>>, vector<1x16xf32>,
        %parallel_loop3A_510 = vector.shape_cast %parallel_loop3A_509 : vector<1x16xf32> to vector<16xf32>
        %parallel_loop3A_511 = arith.constant 4 : i32
        %parallel_loop3A_512 = arith.index_cast %parallel_loop3A_511 : i32 to index
        %parallel_loop3A_513 = arith.index_cast %parallel_loop3A_437 : i32 to index
        %parallel_loop3A_514 = tpu.vector_load %arg6[%parallel_loop3A_512, %parallel_loop3A_513] {strides = array<i32>} : memref<8x1024xf32, #tpu.memory_space<vmem>>, vector<1x16xf32>,
        %parallel_loop3A_515 = vector.shape_cast %parallel_loop3A_514 : vector<1x16xf32> to vector<16xf32>
        %parallel_loop3A_516 = arith.addf %parallel_loop3A_510, %parallel_loop3A_515 : vector<16xf32>
        %parallel_loop3A_517 = arith.constant 4 : i32
        %parallel_loop3A_518 = arith.index_cast %parallel_loop3A_517 : i32 to index
        %parallel_loop3A_519 = arith.index_cast %parallel_loop3A_437 : i32 to index
        %parallel_loop3A_520 = tpu.vector_load %arg18[%parallel_loop3A_518, %parallel_loop3A_519] {strides = array<i32>} : memref<8x1024xf32, #tpu.memory_space<vmem>>, vector<1x16xf32>,
        %parallel_loop3A_521 = vector.shape_cast %parallel_loop3A_520 : vector<1x16xf32> to vector<16xf32>
        %parallel_loop3A_522 = vector.shape_cast %parallel_loop3A_516 : vector<16xf32> to vector<1x16xf32>
        tpu.vector_store %arg18[%parallel_loop3A_518, %parallel_loop3A_519], %parallel_loop3A_522 {strides = array<i32>} : memref<8x1024xf32, #tpu.memory_space<vmem>>, vector<1x16xf32>,
        %parallel_loop3A_523 = arith.constant 5 : i32
        %parallel_loop3A_524 = arith.index_cast %parallel_loop3A_523 : i32 to index
        %parallel_loop3A_525 = arith.index_cast %parallel_loop3A_437 : i32 to index
        %parallel_loop3A_526 = tpu.vector_load %arg14[%parallel_loop3A_524, %parallel_loop3A_525] {strides = array<i32>} : memref<8x1024xf32, #tpu.memory_space<vmem>>, vector<1x16xf32>,
        %parallel_loop3A_527 = vector.shape_cast %parallel_loop3A_526 : vector<1x16xf32> to vector<16xf32>
        %parallel_loop3A_528 = arith.constant 5 : i32
        %parallel_loop3A_529 = arith.index_cast %parallel_loop3A_528 : i32 to index
        %parallel_loop3A_530 = arith.index_cast %parallel_loop3A_437 : i32 to index
        %parallel_loop3A_531 = tpu.vector_load %arg6[%parallel_loop3A_529, %parallel_loop3A_530] {strides = array<i32>} : memref<8x1024xf32, #tpu.memory_space<vmem>>, vector<1x16xf32>,
        %parallel_loop3A_532 = vector.shape_cast %parallel_loop3A_531 : vector<1x16xf32> to vector<16xf32>
        %parallel_loop3A_533 = arith.addf %parallel_loop3A_527, %parallel_loop3A_532 : vector<16xf32>
        %parallel_loop3A_534 = arith.constant 5 : i32
        %parallel_loop3A_535 = arith.index_cast %parallel_loop3A_534 : i32 to index
        %parallel_loop3A_536 = arith.index_cast %parallel_loop3A_437 : i32 to index
        %parallel_loop3A_537 = tpu.vector_load %arg18[%parallel_loop3A_535, %parallel_loop3A_536] {strides = array<i32>} : memref<8x1024xf32, #tpu.memory_space<vmem>>, vector<1x16xf32>,
        %parallel_loop3A_538 = vector.shape_cast %parallel_loop3A_537 : vector<1x16xf32> to vector<16xf32>
        %parallel_loop3A_539 = vector.shape_cast %parallel_loop3A_533 : vector<16xf32> to vector<1x16xf32>
        tpu.vector_store %arg18[%parallel_loop3A_535, %parallel_loop3A_536], %parallel_loop3A_539 {strides = array<i32>} : memref<8x1024xf32, #tpu.memory_space<vmem>>, vector<1x16xf32>,
        %parallel_loop3A_540 = arith.constant 6 : i32
        %parallel_loop3A_541 = arith.index_cast %parallel_loop3A_540 : i32 to index
        %parallel_loop3A_542 = arith.index_cast %parallel_loop3A_437 : i32 to index
        %parallel_loop3A_543 = tpu.vector_load %arg14[%parallel_loop3A_541, %parallel_loop3A_542] {strides = array<i32>} : memref<8x1024xf32, #tpu.memory_space<vmem>>, vector<1x16xf32>,
        %parallel_loop3A_544 = vector.shape_cast %parallel_loop3A_543 : vector<1x16xf32> to vector<16xf32>
        %parallel_loop3A_545 = arith.constant 6 : i32
        %parallel_loop3A_546 = arith.index_cast %parallel_loop3A_545 : i32 to index
        %parallel_loop3A_547 = arith.index_cast %parallel_loop3A_437 : i32 to index
        %parallel_loop3A_548 = tpu.vector_load %arg6[%parallel_loop3A_546, %parallel_loop3A_547] {strides = array<i32>} : memref<8x1024xf32, #tpu.memory_space<vmem>>, vector<1x16xf32>,
        %parallel_loop3A_549 = vector.shape_cast %parallel_loop3A_548 : vector<1x16xf32> to vector<16xf32>
        %parallel_loop3A_550 = arith.addf %parallel_loop3A_544, %parallel_loop3A_549 : vector<16xf32>
        %parallel_loop3A_551 = arith.constant 6 : i32
        %parallel_loop3A_552 = arith.index_cast %parallel_loop3A_551 : i32 to index
        %parallel_loop3A_553 = arith.index_cast %parallel_loop3A_437 : i32 to index
        %parallel_loop3A_554 = tpu.vector_load %arg18[%parallel_loop3A_552, %parallel_loop3A_553] {strides = array<i32>} : memref<8x1024xf32, #tpu.memory_space<vmem>>, vector<1x16xf32>,
        %parallel_loop3A_555 = vector.shape_cast %parallel_loop3A_554 : vector<1x16xf32> to vector<16xf32>
        %parallel_loop3A_556 = vector.shape_cast %parallel_loop3A_550 : vector<16xf32> to vector<1x16xf32>
        tpu.vector_store %arg18[%parallel_loop3A_552, %parallel_loop3A_553], %parallel_loop3A_556 {strides = array<i32>} : memref<8x1024xf32, #tpu.memory_space<vmem>>, vector<1x16xf32>,
        %parallel_loop3A_557 = arith.constant 7 : i32
        %parallel_loop3A_558 = arith.index_cast %parallel_loop3A_557 : i32 to index
        %parallel_loop3A_559 = arith.index_cast %parallel_loop3A_437 : i32 to index
        %parallel_loop3A_560 = tpu.vector_load %arg14[%parallel_loop3A_558, %parallel_loop3A_559] {strides = array<i32>} : memref<8x1024xf32, #tpu.memory_space<vmem>>, vector<1x16xf32>,
        %parallel_loop3A_561 = vector.shape_cast %parallel_loop3A_560 : vector<1x16xf32> to vector<16xf32>
        %parallel_loop3A_562 = arith.constant 7 : i32
        %parallel_loop3A_563 = arith.index_cast %parallel_loop3A_562 : i32 to index
        %parallel_loop3A_564 = arith.index_cast %parallel_loop3A_437 : i32 to index
        %parallel_loop3A_565 = tpu.vector_load %arg6[%parallel_loop3A_563, %parallel_loop3A_564] {strides = array<i32>} : memref<8x1024xf32, #tpu.memory_space<vmem>>, vector<1x16xf32>,
        %parallel_loop3A_566 = vector.shape_cast %parallel_loop3A_565 : vector<1x16xf32> to vector<16xf32>
        %parallel_loop3A_567 = arith.addf %parallel_loop3A_561, %parallel_loop3A_566 : vector<16xf32>
        %parallel_loop3A_568 = arith.constant 7 : i32
        %parallel_loop3A_569 = arith.index_cast %parallel_loop3A_568 : i32 to index
        %parallel_loop3A_570 = arith.index_cast %parallel_loop3A_437 : i32 to index
        %parallel_loop3A_571 = tpu.vector_load %arg18[%parallel_loop3A_569, %parallel_loop3A_570] {strides = array<i32>} : memref<8x1024xf32, #tpu.memory_space<vmem>>, vector<1x16xf32>,
        %parallel_loop3A_572 = vector.shape_cast %parallel_loop3A_571 : vector<1x16xf32> to vector<16xf32>
        %parallel_loop3A_573 = vector.shape_cast %parallel_loop3A_567 : vector<16xf32> to vector<1x16xf32>
        tpu.vector_store %arg18[%parallel_loop3A_569, %parallel_loop3A_570], %parallel_loop3A_573 {strides = array<i32>} : memref<8x1024xf32, #tpu.memory_space<vmem>>, vector<1x16xf32>,
      } {sc.loop_unroll_factor = 1 : i64, sc.parallel_access}
      %add3A_413 = arith.constant 2 : i32
      %add3A_414 = arith.addi %add3A_282, %add3A_413 : i32
      %lt3A_415 = arith.constant 32 : i32
      %lt3A_416 = arith.cmpi slt, %add3A_414, %lt3A_415 : i32
      %convert_element_type3A_417 = arith.extui %lt3A_416 : i1 to i32
      %cond3A_418 = arith.constant 0 : i32
      %cond3A_419 = arith.cmpi ne, %convert_element_type3A_417, %cond3A_418 : i32
      scf.if %cond3A_419 {
        %add3A_437 = arith.constant 2 : i32
        %add3A_438 = arith.addi %add3A_282, %add3A_437 : i32
        %mul3A_439 = arith.constant 8 : i32
        %mul3A_440 = arith.muli %add3A_438, %mul3A_439 : i32
        %add3A_441 = arith.addi %mul3A_2, %mul3A_440 : i32
        %dma_start3A_442 = arith.constant 3 : i32
        %dma_start3A_443 = arith.constant 0 : i32
        %dma_start3A_444 = tpu.memref_slice %arg2[%dma_start3A_442, %add3A_441, %dma_start3A_443] : memref<4x8192x1024xf32, #tpu.memory_space<hbm>> -> memref<1x8x1024xf32, #tpu.memory_space<hbm>>
        %dma_start3A_445 = tpu.memref_squeeze %dma_start3A_444 : memref<1x8x1024xf32, #tpu.memory_space<hbm>> -> memref<8x1024xf32, #tpu.memory_space<hbm>>
        %dma_start3A_446 = arith.constant 0 : i32
        %dma_start3A_447 = tpu.memref_slice %arg2[%dma_start3A_442, %add3A_441, %dma_start3A_446] : memref<4x8192x1024xf32, #tpu.memory_space<hbm>> -> memref<1x8x1024xf32, #tpu.memory_space<hbm>>
        %dma_start3A_448 = tpu.memref_squeeze %dma_start3A_447 : memref<1x8x1024xf32, #tpu.memory_space<hbm>> -> memref<8x1024xf32, #tpu.memory_space<hbm>>
        tpu.enqueue_dma source(%dma_start3A_448 : memref<8x1024xf32, #tpu.memory_space<hbm>>) target(%arg14 : memref<8x1024xf32, #tpu.memory_space<vmem>>) target_semaphore(%arg28 : memref<!tpu.dma_semaphore, #tpu.memory_space<semaphore_mem>>)
      } else {
      }
      %mul3A_420 = arith.constant 8 : i32
      %mul3A_421 = arith.muli %add3A_282, %mul3A_420 : i32
      %add3A_422 = arith.addi %mul3A_2, %mul3A_421 : i32
      %dma_start3A_423 = arith.constant 3 : i32
      %dma_start3A_424 = arith.constant 0 : i32
      %dma_start3A_425 = tpu.memref_slice %arg4[%dma_start3A_423, %add3A_422, %dma_start3A_424] : memref<4x8192x1024xf32, #tpu.memory_space<hbm>> -> memref<1x8x1024xf32, #tpu.memory_space<hbm>>
      %dma_start3A_426 = tpu.memref_squeeze %dma_start3A_425 : memref<1x8x1024xf32, #tpu.memory_space<hbm>> -> memref<8x1024xf32, #tpu.memory_space<hbm>>
      %dma_start3A_427 = arith.constant 0 : i32
      %dma_start3A_428 = tpu.memref_slice %arg4[%dma_start3A_423, %add3A_422, %dma_start3A_427] : memref<4x8192x1024xf32, #tpu.memory_space<hbm>> -> memref<1x8x1024xf32, #tpu.memory_space<hbm>>
      %dma_start3A_429 = tpu.memref_squeeze %dma_start3A_428 : memref<1x8x1024xf32, #tpu.memory_space<hbm>> -> memref<8x1024xf32, #tpu.memory_space<hbm>>
      tpu.enqueue_dma source(%arg18 : memref<8x1024xf32, #tpu.memory_space<vmem>>) target(%dma_start3A_429 : memref<8x1024xf32, #tpu.memory_space<hbm>>) target_semaphore(%arg32 : memref<!tpu.dma_semaphore, #tpu.memory_space<semaphore_mem>>)
      %add3A_430 = arith.constant 2 : i32
      %add3A_431 = arith.addi %add3A_282, %add3A_430 : i32
      %lt3A_432 = arith.constant 32 : i32
      %lt3A_433 = arith.cmpi slt, %add3A_431, %lt3A_432 : i32
      %convert_element_type3A_434 = arith.extui %lt3A_433 : i1 to i32
      %cond3A_435 = arith.constant 0 : i32
      %cond3A_436 = arith.cmpi ne, %convert_element_type3A_434, %cond3A_435 : i32
      scf.if %cond3A_436 {
        %add3A_437 = arith.constant 2 : i32
        %add3A_438 = arith.addi %add3A_282, %add3A_437 : i32
        %mul3A_439 = arith.constant 8 : i32
        %mul3A_440 = arith.muli %add3A_438, %mul3A_439 : i32
        %add3A_441 = arith.addi %mul3A_2, %mul3A_440 : i32
        %dma_start3A_442 = arith.constant 0 : i32
        %dma_start3A_443 = tpu.memref_slice %arg3[%add3A_441, %dma_start3A_442] : memref<8192x1024xf32, #tpu.memory_space<hbm>> -> memref<8x1024xf32, #tpu.memory_space<hbm>>
        %dma_start3A_444 = arith.constant 0 : i32
        %dma_start3A_445 = tpu.memref_slice %arg3[%add3A_441, %dma_start3A_444] : memref<8192x1024xf32, #tpu.memory_space<hbm>> -> memref<8x1024xf32, #tpu.memory_space<hbm>>
        tpu.enqueue_dma source(%dma_start3A_445 : memref<8x1024xf32, #tpu.memory_space<hbm>>) target(%arg6 : memref<8x1024xf32, #tpu.memory_space<vmem>>) target_semaphore(%arg20 : memref<!tpu.dma_semaphore, #tpu.memory_space<semaphore_mem>>)
      } else {
      }
    }
    %scan3A_89 = arith.constant 16 : i32
    %add3A_90 = arith.constant 248 : i32
    %add3A_91 = arith.addi %mul3A_2, %add3A_90 : i32
    %dma_wait3A = arith.constant 0 : i32
    %dma_wait3A_92 = arith.constant 0 : i32
    %dma_wait3A_93 = tpu.memref_slice %arg4[%dma_wait3A, %add3A_91, %dma_wait3A_92] : memref<4x8192x1024xf32, #tpu.memory_space<hbm>> -> memref<1x8x1024xf32, #tpu.memory_space<hbm>>
    %dma_wait3A_94 = tpu.memref_squeeze %dma_wait3A_93 : memref<1x8x1024xf32, #tpu.memory_space<hbm>> -> memref<8x1024xf32, #tpu.memory_space<hbm>>
    %dma_wait3A_95 = arith.constant 0 : i32
    %dma_wait3A_96 = tpu.memref_slice %arg4[%dma_wait3A, %add3A_91, %dma_wait3A_95] : memref<4x8192x1024xf32, #tpu.memory_space<hbm>> -> memref<1x8x1024xf32, #tpu.memory_space<hbm>>
    %dma_wait3A_97 = tpu.memref_squeeze %dma_wait3A_96 : memref<1x8x1024xf32, #tpu.memory_space<hbm>> -> memref<8x1024xf32, #tpu.memory_space<hbm>>
    tpu.wait_dma2 semaphore(%arg29 : memref<!tpu.dma_semaphore, #tpu.memory_space<semaphore_mem>>) src(%arg15 : memref<8x1024xf32, #tpu.memory_space<vmem>>) dst(%dma_wait3A_97 : memref<8x1024xf32, #tpu.memory_space<hbm>>)
    %add3A_98 = arith.constant 248 : i32
    %add3A_99 = arith.addi %mul3A_2, %add3A_98 : i32
    %dma_wait3A_100 = arith.constant 1 : i32
    %dma_wait3A_101 = arith.constant 0 : i32
    %dma_wait3A_102 = tpu.memref_slice %arg4[%dma_wait3A_100, %add3A_99, %dma_wait3A_101] : memref<4x8192x1024xf32, #tpu.memory_space<hbm>> -> memref<1x8x1024xf32, #tpu.memory_space<hbm>>
    %dma_wait3A_103 = tpu.memref_squeeze %dma_wait3A_102 : memref<1x8x1024xf32, #tpu.memory_space<hbm>> -> memref<8x1024xf32, #tpu.memory_space<hbm>>
    %dma_wait3A_104 = arith.constant 0 : i32
    %dma_wait3A_105 = tpu.memref_slice %arg4[%dma_wait3A_100, %add3A_99, %dma_wait3A_104] : memref<4x8192x1024xf32, #tpu.memory_space<hbm>> -> memref<1x8x1024xf32, #tpu.memory_space<hbm>>
    %dma_wait3A_106 = tpu.memref_squeeze %dma_wait3A_105 : memref<1x8x1024xf32, #tpu.memory_space<hbm>> -> memref<8x1024xf32, #tpu.memory_space<hbm>>
    tpu.wait_dma2 semaphore(%arg30 : memref<!tpu.dma_semaphore, #tpu.memory_space<semaphore_mem>>) src(%arg16 : memref<8x1024xf32, #tpu.memory_space<vmem>>) dst(%dma_wait3A_106 : memref<8x1024xf32, #tpu.memory_space<hbm>>)
    %add3A_107 = arith.constant 248 : i32
    %add3A_108 = arith.addi %mul3A_2, %add3A_107 : i32
    %dma_wait3A_109 = arith.constant 2 : i32
    %dma_wait3A_110 = arith.constant 0 : i32
    %dma_wait3A_111 = tpu.memref_slice %arg4[%dma_wait3A_109, %add3A_108, %dma_wait3A_110] : memref<4x8192x1024xf32, #tpu.memory_space<hbm>> -> memref<1x8x1024xf32, #tpu.memory_space<hbm>>
    %dma_wait3A_112 = tpu.memref_squeeze %dma_wait3A_111 : memref<1x8x1024xf32, #tpu.memory_space<hbm>> -> memref<8x1024xf32, #tpu.memory_space<hbm>>
    %dma_wait3A_113 = arith.constant 0 : i32
    %dma_wait3A_114 = tpu.memref_slice %arg4[%dma_wait3A_109, %add3A_108, %dma_wait3A_113] : memref<4x8192x1024xf32, #tpu.memory_space<hbm>> -> memref<1x8x1024xf32, #tpu.memory_space<hbm>>
    %dma_wait3A_115 = tpu.memref_squeeze %dma_wait3A_114 : memref<1x8x1024xf32, #tpu.memory_space<hbm>> -> memref<8x1024xf32, #tpu.memory_space<hbm>>
    tpu.wait_dma2 semaphore(%arg31 : memref<!tpu.dma_semaphore, #tpu.memory_space<semaphore_mem>>) src(%arg17 : memref<8x1024xf32, #tpu.memory_space<vmem>>) dst(%dma_wait3A_115 : memref<8x1024xf32, #tpu.memory_space<hbm>>)
    %add3A_116 = arith.constant 248 : i32
    %add3A_117 = arith.addi %mul3A_2, %add3A_116 : i32
    %dma_wait3A_118 = arith.constant 3 : i32
    %dma_wait3A_119 = arith.constant 0 : i32
    %dma_wait3A_120 = tpu.memref_slice %arg4[%dma_wait3A_118, %add3A_117, %dma_wait3A_119] : memref<4x8192x1024xf32, #tpu.memory_space<hbm>> -> memref<1x8x1024xf32, #tpu.memory_space<hbm>>
    %dma_wait3A_121 = tpu.memref_squeeze %dma_wait3A_120 : memref<1x8x1024xf32, #tpu.memory_space<hbm>> -> memref<8x1024xf32, #tpu.memory_space<hbm>>
    %dma_wait3A_122 = arith.constant 0 : i32
    %dma_wait3A_123 = tpu.memref_slice %arg4[%dma_wait3A_118, %add3A_117, %dma_wait3A_122] : memref<4x8192x1024xf32, #tpu.memory_space<hbm>> -> memref<1x8x1024xf32, #tpu.memory_space<hbm>>
    %dma_wait3A_124 = tpu.memref_squeeze %dma_wait3A_123 : memref<1x8x1024xf32, #tpu.memory_space<hbm>> -> memref<8x1024xf32, #tpu.memory_space<hbm>>
    tpu.wait_dma2 semaphore(%arg32 : memref<!tpu.dma_semaphore, #tpu.memory_space<semaphore_mem>>) src(%arg18 : memref<8x1024xf32, #tpu.memory_space<vmem>>) dst(%dma_wait3A_124 : memref<8x1024xf32, #tpu.memory_space<hbm>>)
    return
  }
}

</mosaic_0001>

<sc_bundles>
// kernel: kernel.3.cloned.1.call-start
scs
__scs_entry_jumppad:
0x0: {  	(pc) =	sbr.rel $0x88, $3  }
0x1: {  	(tag) =	ssettag $0x0;
	lr =	simm.s32 $0x1  }
0x2: {  	[smem:$0x3F9F] =	sst lr;
	_ =	strace $0xD0000000  }
0x3: {  	_ = 	snop  }
0x4: {  	_ = 	snop  }
0x5: {  	_ = 	snop  }
0x6: {  	_ = 	snop  }
0x7: {  	_ = 	snop  }
__scs_overlays_trampoline_lowered:
0x8: {  	[smem:$0x3FAE] =	sst s0  }
0x9: {  	[smem:$0x3FAF] =	sst s1  }
0xa: {  	[smem:$0x3FB0] =	sst s2  }
0xb: {  	[smem:$0x3FB1] =	sst s3  }
0xc: {  	[smem:$0x3FB2] =	sst s4  }
0xd: {  	[smem:$0x3FB3] =	sst s5  }
0xe: {  	[smem:$0x3FB4] =	sst s6  }
0xf: {  	[smem:$0x3FB5] =	sst s7  }
0x10: {  	[smem:$0x3FB6] =	sst s8  }
0x11: {  	[smem:$0x3FB7] =	sst s9;
	s0 =	simm.s32 @!p0 $0x0  }
0x12: {  	s1 =	sld [smem:$0x3F9D];
	s0 =	simm.s32 @p0 $0x1  }
0x13: {  	[smem:$0x3FB8] =	sst s0;
	s0 =	simm.s32 @!p1 $0x0  }
0x14: {  	s2 =	sld [smem:$0x3F9C];
	s0 =	simm.s32 @p1 $0x1  }
0x15: {  	[smem:$0x3FB9] =	sst s0;
	s0 =	simm.s32 @!p2 $0x0  }
0x16: {  	s3 =	sld [smem:$0x3FDB];
	s0 =	simm.s32 @p2 $0x1  }
0x17: {  	s4 =	simm.s32 $0x1BF5;
	[smem:$0x3FBB] =	sst s0  }
0x18: {  	s0 =	sld [smem:$0x3F9E];
	_ =	swait.ge [sflag:s4], $0x0  }
0x19: {  	s7 =	sld [smem:$0x3F9F]  }
0x1a: {  	s8 =	sadd.s32 $0xFFFFE003, lr  }
0x1b: {  	s9 =	sadd.s32 $0xFFFFFEF7, lr;
	s5 =	simm.s32 $0xFFFFFFFF;
	p2 =	slt.u32 s8, $0xFFFFF086  }
0x1c: {  	p1 =	slt.u32 s9, $0xF7A;
	s5 =	simm.s32 @!p2 $0x0  }
0x1d: {  	s5 =	simm.s32 @p1 $0x1;
	p0 =	seq.s32 s7, s2  }
0x1e: {  	s7 =	smul.u32 @!p0 $0xF7A, s2;
	p2 =	seq.s32 @!p0 s5, $0x0  }
0x1f: {  	s9 =	smul.u32 $0xF7A, s1;
	s8 =	simm.s32 @!p0 $0x1BF5;
	p2 =	por !p2, p0  }
0x20: {  	[sflag:s8] =	ssyncset.s32 @!p0 $0xFFFFF086;
	s6 =	sadd.s32 @!p0 s3, s7;
	s7 =	simm.s32 @!p0 $0x108  }
0x21: {  	s3 =	sadd.s32 s3, s9;
	s6 =	sadd.s32 @!p0 $0x88, s6;
	s7 =	simm.s32 @p2 $0x1082  }
0x22: {  	[simem:s7], [sflag:s8] =	dma.local @!p0 [hbm:s6], $0xF7A  }
0x23: {  	s9 =	sor.u32 $0xD0000000, s2;
	s6 =	simm.s32 $0x108;
	_ =	swait.ge @!p0 [sflag:s8], $0x0  }
0x24: {  	s3 =	sadd.s32 $0x88, s3;
	s6 =	simm.s32 @!p1 $0x1082;
	[sflag:s4] =	ssyncset.s32 $0xFFFFF086  }
0x25: {  	[simem:s6], [sflag:s4] =	dma.local [hbm:s3], $0xF7A  }
0x26: {  	[smem:$0x3F9F] =	sst s1;
	(tag) =	ssettag s2;
	_ =	strace s9  }
0x27: {  	s1 =	sld [smem:$0x3FAF]  }
0x28: {  	s2 =	sld [smem:$0x3FB0]  }
0x29: {  	s4 =	sld [smem:$0x3FB2]  }
0x2a: {  	p0 =	seq.s32 s5, $0x0;
	s5 =	sld [smem:$0x3FB3]  }
0x2b: {  	s6 =	sld [smem:$0x3FB4]  }
0x2c: {  	s7 =	sld [smem:$0x3FB5]  }
0x2d: {  	s3 =	simm.s32 $0x108;
	s8 =	sld [smem:$0x3FB6]  }
0x2e: {  	s3 =	simm.s32 @!p0 $0x1082;
	s9 =	sld [smem:$0x3FB7]  }
0x2f: {  	lr =	sadd.s32 s0, s3;
	s0 =	sld [smem:$0x3FAE]  }
0x30: {  	s3 =	sld [smem:$0x3FB1]  }
0x31: {  	[smem:$0x3FBA] =	sst s10  }
0x32: {  	s10 =	sld [smem:$0x3FB8];
	_ =	sdelay $0x3  }
0x33: {  	p0 =	seq.s32 s10, $0x1;
	s10 =	sld [smem:$0x3FBA];
	_ =	sdelay $0x3  }
0x34: {  	[smem:$0x3FBA] =	sst s10  }
0x35: {  	s10 =	sld [smem:$0x3FB9];
	_ =	sdelay $0x3  }
0x36: {  	p1 =	seq.s32 s10, $0x1;
	s10 =	sld [smem:$0x3FBA];
	_ =	sdelay $0x3  }
0x37: {  	[smem:$0x3FBA] =	sst s10  }
0x38: {  	s10 =	sld [smem:$0x3FBB]  }
0x39: {  	_ = 	snop;
	(pc) =	sbr.ind lr, $3  }
0x3a: {  	_ = 	snop  }
0x3b: {  	_ = 	snop  }
0x3c: {  	p2 =	seq.s32 s10, $0x1;
	s10 =	sld [smem:$0x3FBA]  }
0x3d: {  	_ =	shalt  }
0x3e: {  	_ =	shalt  }
0x3f: {  	_ =	shalt  }
0x40: {  	_ =	shalt  }
0x41: {  	_ =	shalt  }
0x42: {  	_ =	shalt  }
0x43: {  	_ =	shalt  }
0x44: {  	_ =	shalt  }
0x45: {  	_ =	shalt  }
0x46: {  	_ =	shalt  }
0x47: {  	_ =	shalt  }
0x48: {  	_ =	shalt  }
0x49: {  	_ =	shalt  }
0x4a: {  	_ =	shalt  }
0x4b: {  	_ =	shalt  }
0x4c: {  	_ =	shalt  }
0x4d: {  	_ =	shalt  }
0x4e: {  	_ =	shalt  }
0x4f: {  	_ =	shalt  }
0x50: {  	_ =	shalt  }
0x51: {  	_ =	shalt  }
0x52: {  	_ =	shalt  }
0x53: {  	_ =	shalt  }
0x54: {  	_ =	shalt  }
0x55: {  	_ =	shalt  }
0x56: {  	_ =	shalt  }
0x57: {  	_ =	shalt  }
0x58: {  	_ =	shalt  }
0x59: {  	_ =	shalt  }
0x5a: {  	_ =	shalt  }
0x5b: {  	_ =	shalt  }
0x5c: {  	_ =	shalt  }
0x5d: {  	_ =	shalt  }
0x5e: {  	_ =	shalt  }
0x5f: {  	_ =	shalt  }
0x60: {  	_ =	shalt  }
0x61: {  	_ =	shalt  }
0x62: {  	_ =	shalt  }
0x63: {  	_ =	shalt  }
0x64: {  	_ =	shalt  }
0x65: {  	_ =	shalt  }
0x66: {  	_ =	shalt  }
0x67: {  	_ =	shalt  }
0x68: {  	_ =	shalt  }
0x69: {  	_ =	shalt  }
0x6a: {  	_ =	shalt  }
0x6b: {  	_ =	shalt  }
0x6c: {  	_ =	shalt  }
0x6d: {  	_ =	shalt  }
0x6e: {  	_ =	shalt  }
0x6f: {  	_ =	shalt  }
0x70: {  	_ =	shalt  }
0x71: {  	_ =	shalt  }
0x72: {  	_ =	shalt  }
0x73: {  	_ =	shalt  }
0x74: {  	_ =	shalt  }
0x75: {  	_ =	shalt  }
0x76: {  	_ =	shalt  }
0x77: {  	_ =	shalt  }
0x78: {  	_ =	shalt  }
0x79: {  	_ =	shalt  }
0x7a: {  	_ =	shalt  }
0x7b: {  	_ =	shalt  }
0x7c: {  	_ =	shalt  }
0x7d: {  	_ =	shalt  }
0x7e: {  	_ =	shalt  }
0x7f: {  	_ =	shalt  }
0x80: {  	_ =	shalt  }
0x81: {  	_ =	shalt  }
0x82: {  	_ =	shalt  }
0x83: {  	_ =	shalt  }
0x84: {  	_ =	shalt  }
0x85: {  	_ =	shalt  }
0x86: {  	_ =	shalt  }
0x87: {  	_ =	shalt  }
.Lfunc_end0:
.L_simem_size_0:
called_computation_lowered:
.L_overlay_start_0:
0x88: {  	s2 =	sld [smem:$0x3FD9]  }
0x89: {  	s3 =	sld [smem:$0x3FFE];
	_ =	sdelay $0x1  }
0x8a: {  	s1 =	srdreg.scid  }
0x8b: {  	s0 =	sand.u32 $0x1, s1  }
0x8c: {  	s18 =	sshll.u32 s0, $0xA;
	s2 =	sadd.s32 s3, s2  }
0x8d: {  	s2 =	sadd.s32 s2, s18  }
0x8e: {  	[smem:$0x3FC6] =	sst s2  }
0x8f: {  	_ = 	snop  }
0x90: {  	s2 =	sld [smem:$0x3FC9]  }
0x91: {  	s19 =	sld [smem:$0x3FC8]  }
0x92: {  	s4 =	sld [smem:$0x3FD0];
	(tm) =	ssettm $0x1  }
0x93: {  	s5 =	sld [smem:$0x3FFB];
	_ =	sdelay $0x3  }
0x94: {  	_ =	strace s5  }
0x95: {  	s5 =	sld [smem:$0x3FFC];
	_ =	sdelay $0x3  }
0x96: {  	_ =	strace s5  }
0x97: {  	s5 =	sld [smem:$0x3FFD];
	_ =	sdelay $0x3  }
0x98: {  	_ =	strace s5  }
0x99: {  	_ =	strace $0x8FFFFFFF  }
0x9a: {  	s20 =	sld [smem:$0x3FDB];
	_ =	sdelay $0x1  }
0x9b: {  	s6 =	simm.s32 $_scs_section_size  }
0x9c: {  	s7 =	simm.s32 $_size__tile_overlayer_lowered;
	s8 =	simm.s32 $_tile_overlayer_lowered  }
0x9d: {  	s23 =	simm.s32 $0x1BFF;
	s22 =	sshll.u32 s8, $0x1;
	s5 =	sadd.s32 s6, s20  }
0x9e: {  	s9 =	simm.s32 $0x0;
	s21 =	sshll.u32 s7, $0x1;
	s7 =	sadd.s32 s22, s5  }
0x9f: {  	[timem:s9], [sflag:s23] =	dma.local [hbm:s7], s21  }
0xa0: {  	_ =	swait.ge [sflag:s23], s21  }
0xa1: {  	s6 =	ssub.s32 $0x0, s21;
	[sflag:s23] =	ssyncset.done $0x0  }
0xa2: {  	[sflag:s23] =	ssyncadd.s32 s6;
	_ =	sdelay $0x1  }
0xa3: {  	s24 =	simm.s32 $0x1B8B  }
0xa4: {  	_ =	swait.ge [sflag:s24], $0x1  }
0xa5: {  	[sflag:s24] =	ssyncset.done $0x0  }
0xa6: {  	s25 =	simm.s32 $0x1B8E;
	[sflag:s24] =	ssyncadd.s32 $0xFFFFFFFF  }
0xa7: {  	s26 =	simm.s32 $execute0_lowered;
	[smem:$0x3FD2] =	sst s25  }
0xa8: {  	s6 =	sshll.u32 s26, $0x1;
	_ =	strace $0x80000046;
	[dreg:$0x1] =	wrdreg $0xFFFFFFFF  }
0xa9: {  	s28 =	simm.s32 $_size_execute0_lowered;
	s5 =	sadd.s32 s5, s6;
	[dreg:$0x0] =	wrdreg $0x0  }
0xaa: {  	s6 =	sshll.u32 s28, $0x1;
	[dreg:$0x2] =	wrdreg s5  }
0xab: {  	[dreg:$0x3] =	wrdreg s6  }
0xac: {  	[dreg:$0x4] =	wrdreg $0xC0  }
0xad: {  	_ =	task [dreg:s9], $0x5FFFF  }
0xae: {  	[dreg:$0x1] =	wrdreg $0xFFFFFFFF  }
0xaf: {  	[dreg:$0x0] =	wrdreg $0x60  }
0xb0: {  	[dreg:$0x2] =	wrdreg s2  }
0xb1: {  	[dreg:$0x3] =	wrdreg s19  }
0xb2: {  	[dreg:$0x4] =	wrdreg s4  }
0xb3: {  	[dreg:$0x5] =	wrdreg $0x9  }
0xb4: {  	_ =	task.clear_ibuf [dreg:s9], $0x6FFFF;
	_ =	strace $0x90000046  }
0xb5: {  	s29 =	simm.s32 $0x9;
	_ =	strace $0x80000048  }
0xb6: {  	_ =	swait.ge [sflag:s29], $0x1  }
0xb7: {  	[sflag:s29] =	ssyncadd.s32 $0xFFFFFFFF  }
0xb8: {  	_ =	strace $0x90000048  }
0xb9: {  	_ =	sfence  }
0xba: {  	s30 =	sld [smem:$0x0];
	_ =	sdelay $0x2  }
0xbb: {  	s31 =	sshll.u32 s1, $0xD;
	s1 =	sshrl.u32 s1, $0x2  }
0xbc: {  	s3 =	sand.u32 $0x4000, s31;
	s1 =	sadd.s32 s1, s30  }
0xbd: {  	s0 =	sor.u32 s3, s0;
	s1 =	sshll.u32 s1, $0x11  }
0xbe: {  	s0 =	sor.u32 s1, s0  }
0xbf: {  	s0 =	sadd.s32 $0x8F2B, s0  }
0xc0: {  	[sflag:s0] =	ssyncadd.remote.s32 $0x1  }
0xc1: {  	_ =	sfence.sel $0xFFFF  }
0xc2: {  	[dreg:$0x0] =	wrdreg $0xFFFFFFFF;
	(pc) =	sbr.abs _section_cstart, $3  }
0xc3: {  	[dreg:$0x1] =	wrdreg $0xFFFFFFFF  }
0xc4: {  	_ =	task.clear_ibuf [dreg:s9], $0x2FFFF;
	_ =	strace $0x9FFFFFFF  }
0xc5: {  	(tm) =	ssettm $0x7FFFFFFF  }
tec
execute0_lowered:
.L_overlay_start_1:
0x0: {  	(tag) =	ssettag $0x1  }
0x1: {  	s30 =	rddreg [dreg:$0x0]  }
0x2: {  	s3 =	rddreg [dreg:$0x1]  }
0x3: {  	s31 =	rddreg [dreg:$0x2]  }
0x4: {  	s0 =	srdreg.scid;
	s1 =	stileid.u32;
	s5 =	simm.s32 $0x0  }
0x5: {  	s17 =	simm.s32 $0xB;
	s18 =	simm.s32 $0x8;
	s0 =	sand.u32 $0x1, s0  }
0x6: {  	s19 =	simm.s32 $0xC;
	s1 =	sshll.u32 s1, $0x9;
	s2 =	sshll.u32 s0, $0x8  }
0x7: {  	[smem:$0x7FF] =	sst s5;
	s11 =	sadd.s32 $0x100000, s30;
	s1 =	sor.u32 s2, s1  }
0x8: {  	s13 =	sadd.s32 $0x200000, s30;
	s14 =	sadd.s32 $0x300000, s30;
	s4 =	sshll.u32 s1, $0x7  }
0x9: {  	_ =	strace $0x80000047;
	s22 =	sadd.s32 s3, s4;
	[dreg:$0x4] =	wrdreg s4  }
0xa: {  	s0 =	ssub.s32 $0x2, s0;
	s6 =	sadd.s32 s4, s11;
	[dreg:$0x5] =	wrdreg s22  }
0xb: {  	s23 =	sor.u32 $0x400, s4;
	s25 =	sadd.s32 s4, s13;
	[dreg:$0x9] =	wrdreg s6  }
0xc: {  	s24 =	sadd.s32 s30, s4;
	s4 =	sadd.s32 s4, s14;
	[dreg:$0xa] =	wrdreg s25  }
0xd: {  	s20 =	simm.s32 $0x9;
	s21 =	sshrl.u32 s0, $0x1;
	[dreg:$0xb] =	wrdreg s4  }
0xe: {  	s10 =	simm.s32 $0xA;
	s0 =	ssub.s32 s0, s21;
	[dreg:$0x6] =	wrdreg s23  }
0xf: {  	s21 =	sshrl.u32 s1, $0x3;
	s0 =	smax.u32 s0, $0x1;
	[dreg:$0x8] =	wrdreg s24  }
0x10: {  	s1 =	simm.s32 $0x0;
	s3 =	sadd.s32 s3, s23;
	[dreg:$0x10] =	wrdreg s0  }
.Ltmp0:
0x11: {  	s26 =	sadd.s32 $0x100400, s24;
	[dreg:$0x7] =	wrdreg s3;
	(pc) =	sbr.rel .LBB2_1-.Ltmp0, $4  }
0x12: {  	s2 =	sadd.s32 s30, s23;
	s28 =	sadd.s32 $0x200400, s24;
	[dreg:$0xc] =	wrdreg s26  }
0x13: {  	s29 =	sadd.s32 $0x300400, s24;
	s22 =	sadd.s32 $0x100000, s31;
	[dreg:$0xd] =	wrdreg s2  }
0x14: {  	s23 =	sadd.s32 $0x200000, s31;
	s24 =	sadd.s32 $0x300000, s31;
	[dreg:$0xe] =	wrdreg s28  }
0x15: {  	s25 =	simm.s32 $0xD;
	[dreg:$0xf] =	wrdreg s29;
	s26 =	simm.s32 $0xE  }
.LBB2_20:
0x16: {  	s1 =	simm.s32 $0x1A000  }
0x17: {  	[hbm4b:s0+s5] =	stream.linear.scatter [tilespmem:s1], [sflag:$0xE], $0x2000, $0x38;
	[tilespmem:$0x1C000] =	vst v63  }
0x18: {  	_ =	swait.ge [sflag:s17], $0x2000  }
0x19: {  	[sflag:s17] =	ssyncset.done $0x0  }
0x1a: {  	[sflag:s17] =	ssyncadd.s32 $0xFFFFE000  }
0x1b: {  	_ =	swait.ge [sflag:s19], $0x2000  }
0x1c: {  	[sflag:s19] =	ssyncset.done $0x0  }
0x1d: {  	[sflag:s19] =	ssyncadd.s32 $0xFFFFE000  }
0x1e: {  	_ =	swait.ge [sflag:s25], $0x2000  }
0x1f: {  	[sflag:s25] =	ssyncset.done $0x0  }
0x20: {  	[sflag:s25] =	ssyncadd.s32 $0xFFFFE000  }
0x21: {  	_ =	swait.ge [sflag:s26], $0x2000  }
0x22: {  	s28 =	rddreg [dreg:$0x11]  }
0x23: {  	s29 =	rddreg [dreg:$0x10];
	s1 =	sadd.s32 $0x1, s28  }
0x24: {  	p0 =	sne.s32 s1, s29  }
.Ltmp1:
0x25: {  	_ = 	snop;
	(pc) =	sbr.rel @!p0 .LBB2_21-.Ltmp1, $3  }
0x26: {  	_ =	sdelay $0x1  }
0x27: {  	[sflag:s26] =	ssyncset.done $0x0  }
0x28: {  	[sflag:s26] =	ssyncadd.s32 $0xFFFFE000  }
.LBB2_1:
0x29: {  	[dreg:$0x11] =	wrdreg s1  }
0x2a: {  	s0 =	rddreg [dreg:$0x5]  }
0x2b: {  	[tilespmem:s5], [sflag:$0x1] =	stream.linear.gather [hbm4b:s0+s5], $0x2000, $0x38;
	[tilespmem:$0x1C000] =	vst v63  }
0x2c: {  	s8 =	rddreg [dreg:$0x7];
	s9 =	simm.s32 $0x2000  }
0x2d: {  	[tilespmem:s9], [sflag:$0x2] =	stream.linear.gather [hbm4b:s8+s5], $0x2000, $0x38;
	[tilespmem:$0x1C000] =	vst v63  }
0x2e: {  	s12 =	rddreg [dreg:$0x8];
	s15 =	simm.s32 $0x4000  }
0x2f: {  	[tilespmem:s15], [sflag:$0x3] =	stream.linear.gather [hbm4b:s12+s5], $0x2000, $0x38;
	[tilespmem:$0x1C000] =	vst v63  }
0x30: {  	s16 =	rddreg [dreg:$0x9];
	s28 =	simm.s32 $0x6000  }
0x31: {  	[tilespmem:s28], [sflag:$0x4] =	stream.linear.gather [hbm4b:s16+s5], $0x2000, $0x38;
	[tilespmem:$0x1C000] =	vst v63  }
0x32: {  	s1 =	rddreg [dreg:$0xa];
	s2 =	simm.s32 $0x8000  }
0x33: {  	[tilespmem:s2], [sflag:$0x5] =	stream.linear.gather [hbm4b:s1+s5], $0x2000, $0x38;
	[tilespmem:$0x1C000] =	vst v63  }
0x34: {  	s3 =	rddreg [dreg:$0xb];
	s4 =	simm.s32 $0xA000  }
0x35: {  	[tilespmem:s4], [sflag:$0x6] =	stream.linear.gather [hbm4b:s3+s5], $0x2000, $0x38;
	[tilespmem:$0x1C000] =	vst v63  }
0x36: {  	s6 =	rddreg [dreg:$0xd];
	s7 =	simm.s32 $0xC000  }
0x37: {  	[tilespmem:s7], [sflag:$0x7] =	stream.linear.gather [hbm4b:s6+s5], $0x2000, $0x38;
	[tilespmem:$0x1C000] =	vst v63  }
0x38: {  	s8 =	rddreg [dreg:$0xc];
	s9 =	simm.s32 $0xE000  }
0x39: {  	[tilespmem:s9], [sflag:$0x8] =	stream.linear.gather [hbm4b:s8+s5], $0x2000, $0x38;
	[tilespmem:$0x1C000] =	vst v63  }
0x3a: {  	s12 =	rddreg [dreg:$0xe];
	s15 =	simm.s32 $0x10000  }
0x3b: {  	[tilespmem:s15], [sflag:$0x9] =	stream.linear.gather [hbm4b:s12+s5], $0x2000, $0x38;
	[tilespmem:$0x1C000] =	vst v63  }
0x3c: {  	s29 =	simm.s32 $0x0;
	s16 =	rddreg [dreg:$0xf];
	s28 =	simm.s32 $0x12000  }
0x3d: {  	[tilespmem:s28], [sflag:$0xA] =	stream.linear.gather [hbm4b:s16+s5], $0x2000, $0x38;
	[tilespmem:$0x1C000] =	vst v63  }
.LBB2_2:
0x3e: {  	s0 =	simm.s32 $0x3  }
0x3f: {  	_ =	swait.ge [sflag:s0], $0x2000  }
0x40: {  	[sflag:s0] =	ssyncset.done $0x0  }
0x41: {  	s16 =	simm.s32 $0x1;
	[sflag:s0] =	ssyncadd.s32 $0xFFFFE000  }
0x42: {  	_ =	swait.ge [sflag:s16], $0x2000  }
0x43: {  	p1 =	seq.s32 s29, $0x0;
	[sflag:s16] =	ssyncset.done $0x0  }
0x44: {  	s0 =	simm.s32 @!p1 $0xB;
	[sflag:s16] =	ssyncadd.s32 $0xFFFFE000  }
0x45: {  	s2 =	simm.s32 $0x0;
	s3 =	simm.s32 $0x0;
	_ =	swait.ge @!p1 [sflag:s0], $0x2000  }
0x46: {  	s1 =	sand.u32 $0x70, s3;
	s4 =	sand.u32 $0x1C00, s2;
	[sflag:s0] =	ssyncset.done @!p1 $0x0  }
0x47: {  	s6 =	sor.u32 s1, s4;
	[sflag:s0] =	ssyncadd.s32 @!p1 $0xFFFFE000  }
0x48: {  	v0 =	vld [tilespmem:s6+$0x4000]  }
0x49: {  	v1 =	vld [tilespmem:s6+$0x0]  }
0x4a: {  	v2 =	vld [tilespmem:s6+$0x4080]  }
0x4b: {  	v3 =	vld [tilespmem:s6+$0x80]  }
0x4c: {  	v4 =	vld [tilespmem:s6+$0x4100]  }
0x4d: {  	v5 =	vld [tilespmem:s6+$0x100]  }
0x4e: {  	v6 =	vld [tilespmem:s6+$0x4180]  }
0x4f: {  	v7 =	vld [tilespmem:s6+$0x180]  }
0x50: {  	v8 =	vld [tilespmem:s6+$0x4200]  }
0x51: {  	v9 =	vld [tilespmem:s6+$0x200]  }
0x52: {  	v10 =	vld [tilespmem:s6+$0x4280]  }
0x53: {  	s4 =	simm.s32 $0x80;
	s0 =	simm.s32 $0x10;
	v11 =	vld [tilespmem:s6+$0x280]  }
0x54: {  	s8 =	sand.u32 $0x1C00, s4;
	s28 =	sand.u32 $0x70, s0;
	v12 =	vld [tilespmem:s6+$0x4300];
	v1 =	vadd.f32 v1, v0  }
0x55: {  	v13 =	vld [tilespmem:s6+$0x300];
	s1 =	sor.u32 s28, s8;
	v2 =	vadd.f32 v3, v2  }
0x56: {  	v0 =	vld [tilespmem:s1+$0x4000];
	v3 =	vadd.f32 v5, v4;
	[tilespmem:s6+$0x14000] =	vst v1  }
0x57: {  	v5 =	vadd.f32 v7, v6;
	v4 =	vld [tilespmem:s1+$0x80];
	[tilespmem:s6+$0x14080] =	vst v2  }
0x58: {  	v6 =	vadd.f32 v9, v8;
	v7 =	vadd.f32 v11, v10;
	v10 =	vld [tilespmem:s1+$0x180];
	[tilespmem:s6+$0x14100] =	vst v3  }
0x59: {  	v11 =	vld [tilespmem:s1+$0x200];
	[tilespmem:s6+$0x14180] =	vst v5  }
0x5a: {  	v8 =	vadd.f32 v13, v12;
	v9 =	vld [tilespmem:s1+$0x4280];
	[tilespmem:s6+$0x14200] =	vst v6  }
0x5b: {  	s2 =	sor.u32 s2, s3;
	v1 =	vld [tilespmem:s1+$0x0];
	[tilespmem:s6+$0x14280] =	vst v7  }
0x5c: {  	s9 =	sor.u32 $0x380, s2;
	v2 =	vld [tilespmem:s1+$0x4080];
	[tilespmem:s6+$0x14300] =	vst v8  }
0x5d: {  	v8 =	vld [tilespmem:s9+$0x4000]  }
0x5e: {  	v12 =	vld [tilespmem:s9+$0x0]  }
0x5f: {  	v3 =	vld [tilespmem:s1+$0x4100]  }
0x60: {  	v5 =	vld [tilespmem:s1+$0x100]  }
0x61: {  	v6 =	vld [tilespmem:s1+$0x4180]  }
0x62: {  	s3 =	sshll.u32 s29, $0x1;
	s8 =	simm.s32 $0x80;
	v7 =	vld [tilespmem:s1+$0x4200];
	s6 =	simm.s32 $0x10  }
.LBB2_3:
0x63: {  	s0 =	sadd.s32 $0x10, s0;
	v13 =	vld [tilespmem:s1+$0x280];
	s4 =	sadd.s32 $0x80, s4;
	v8 =	vadd.f32 v12, v8  }
0x64: {  	v1 =	vadd.f32 v1, v0;
	s2 =	sand.u32 $0x70, s0;
	s28 =	sand.u32 $0x1C00, s4;
	p0 =	slt.u32 s0, $0x3F0;
	v12 =	vld [tilespmem:s1+$0x4300]  }
0x65: {  	v2 =	vadd.f32 v4, v2;
	s2 =	sor.u32 s2, s28;
	v14 =	vld [tilespmem:s1+$0x300];
	[tilespmem:s9+$0x14000] =	vst v8  }
0x66: {  	v3 =	vadd.f32 v5, v3;
	v0 =	vld [tilespmem:s2+$0x4000];
	[tilespmem:s1+$0x14000] =	vst v1  }
0x67: {  	v5 =	vadd.f32 v10, v6;
	v1 =	vld [tilespmem:s2+$0x0];
	[tilespmem:s1+$0x14080] =	vst v2  }
0x68: {  	v6 =	vadd.f32 v11, v7;
	v2 =	vld [tilespmem:s2+$0x4080];
	[tilespmem:s1+$0x14100] =	vst v3  }
0x69: {  	v7 =	vadd.f32 v13, v9;
	v4 =	vld [tilespmem:s2+$0x80];
	[tilespmem:s1+$0x14180] =	vst v5  }
0x6a: {  	v3 =	vld [tilespmem:s2+$0x4100];
	[tilespmem:s1+$0x14200] =	vst v6;
	v8 =	vadd.f32 v14, v12  }
0x6b: {  	s9 =	sor.u32 s8, s6;
	s6 =	smov.u32 s0;
	s8 =	smov.u32 s4;
	v5 =	vld [tilespmem:s2+$0x100];
	[tilespmem:s1+$0x14280] =	vst v7  }
0x6c: {  	s9 =	sor.u32 $0x380, s9;
	v6 =	vld [tilespmem:s2+$0x4180];
	[tilespmem:s1+$0x14300] =	vst v8;
	s1 =	smov.u32 s2  }
0x6d: {  	v8 =	vld [tilespmem:s9+$0x4000]  }
.Ltmp2:
0x6e: {  	v12 =	vld [tilespmem:s9+$0x0];
	(pc) =	sbr.rel @p0 .LBB2_3-.Ltmp2, $4  }
0x6f: {  	v10 =	vld [tilespmem:s1+$0x180]  }
0x70: {  	v7 =	vld [tilespmem:s1+$0x4200]  }
0x71: {  	v11 =	vld [tilespmem:s1+$0x200]  }
0x72: {  	v9 =	vld [tilespmem:s1+$0x4280]  }
0x73: {  	v13 =	vld [tilespmem:s1+$0x280]  }
0x74: {  	v0 =	vadd.f32 v1, v0;
	v1 =	vld [tilespmem:s1+$0x4300]  }
0x75: {  	v2 =	vadd.f32 v4, v2;
	v4 =	vld [tilespmem:s1+$0x300]  }
0x76: {  	[tilespmem:s1+$0x14000] =	vst v0;
	v0 =	vadd.f32 v5, v3  }
0x77: {  	[tilespmem:s1+$0x14080] =	vst v2;
	v2 =	vadd.f32 v10, v6  }
0x78: {  	[tilespmem:s1+$0x14100] =	vst v0;
	v0 =	vadd.f32 v11, v7  }
0x79: {  	[tilespmem:s1+$0x14180] =	vst v2;
	v2 =	vadd.f32 v13, v9  }
0x7a: {  	[tilespmem:s1+$0x14200] =	vst v0;
	v0 =	vadd.f32 v4, v1  }
0x7b: {  	s0 =	sor.u32 s8, s6;
	[tilespmem:s1+$0x14280] =	vst v2  }
0x7c: {  	s0 =	sor.u32 $0x380, s0;
	[tilespmem:s1+$0x14300] =	vst v0  }
0x7d: {  	v0 =	vld [tilespmem:s0+$0x4000]  }
0x7e: {  	v1 =	vld [tilespmem:s0+$0x0];
	_ =	sdelay $0x2  }
0x7f: {  	p0 =	seq.s32 s29, $0xF;
	s1 =	sadd.s32 $0x2, s3  }
0x80: {  	v2 =	vadd.f32 v12, v8;
	s1 =	sadd.s32 @!p0 s21, s1  }
0x81: {  	s8 =	sshll.u32 @!p0 s1, $0xA;
	v0 =	vadd.f32 v1, v0  }
0x82: {  	[tilespmem:s9+$0x14000] =	vst v2;
	s4 =	sand.u32 @!p0 $0x1FFFF800, s8  }
0x83: {  	s2 =	simm.s32 @!p0 $0x4000;
	s1 =	simm.s32 @!p0 $0x0;
	[tilespmem:s0+$0x14000] =	vst v0;
	s0 =	sadd.s32 @!p0 s30, s4  }
0x84: {  	[tilespmem:s2], [sflag:$0x3] =	stream.linear.gather @!p0 [hbm4b:s0+s1], $0x2000, $0x38;
	[tilespmem:$0x1C000] =	vst v63  }
0x85: {  	s1 =	sshll.u32 s29, $0xB;
	s9 =	rddreg [dreg:$0x4]  }
0x86: {  	s6 =	sadd.s32 s9, s1  }
0x87: {  	s12 =	simm.s32 $0x14000;
	s2 =	simm.s32 $0x4;
	s0 =	sadd.s32 s31, s6  }
0x88: {  	[hbm4b:s0+s5] =	stream.linear.scatter [tilespmem:s12], [sflag:$0xB], $0x2000, $0x38;
	[tilespmem:$0x1C000] =	vst v63  }
0x89: {  	_ =	swait.ge [sflag:s2], $0x2000  }
0x8a: {  	[sflag:s2] =	ssyncset.done $0x0  }
0x8b: {  	s15 =	smov.u32 s30;
	s0 =	simm.s32 @!p1 $0xC;
	[sflag:s2] =	ssyncadd.s32 $0xFFFFE000  }
0x8c: {  	s30 =	simm.s32 $0x0;
	s2 =	simm.s32 $0x0;
	_ =	swait.ge @!p1 [sflag:s0], $0x2000  }
0x8d: {  	s7 =	sand.u32 $0x70, s30;
	s28 =	sand.u32 $0x1C00, s2;
	[sflag:s0] =	ssyncset.done @!p1 $0x0  }
0x8e: {  	s16 =	smov.u32 s31;
	s31 =	sor.u32 s7, s28;
	[sflag:s0] =	ssyncadd.s32 @!p1 $0xFFFFE000  }
0x8f: {  	v0 =	vld [tilespmem:s31+$0x6000]  }
0x90: {  	v1 =	vld [tilespmem:s31+$0x0]  }
0x91: {  	v2 =	vld [tilespmem:s31+$0x6080]  }
0x92: {  	v3 =	vld [tilespmem:s31+$0x80]  }
0x93: {  	v4 =	vld [tilespmem:s31+$0x6100]  }
0x94: {  	v5 =	vld [tilespmem:s31+$0x100]  }
0x95: {  	v6 =	vld [tilespmem:s31+$0x6180]  }
0x96: {  	v7 =	vld [tilespmem:s31+$0x180]  }
0x97: {  	v8 =	vld [tilespmem:s31+$0x6200]  }
0x98: {  	v9 =	vld [tilespmem:s31+$0x200]  }
0x99: {  	v10 =	vld [tilespmem:s31+$0x6280]  }
0x9a: {  	s9 =	simm.s32 $0x80;
	s28 =	simm.s32 $0x10;
	v11 =	vld [tilespmem:s31+$0x280]  }
0x9b: {  	s7 =	sand.u32 $0x1C00, s9;
	s12 =	sand.u32 $0x70, s28;
	v12 =	vld [tilespmem:s31+$0x6300];
	v1 =	vadd.f32 v1, v0  }
0x9c: {  	s0 =	sor.u32 s12, s7;
	v13 =	vld [tilespmem:s31+$0x300];
	v2 =	vadd.f32 v3, v2  }
0x9d: {  	v0 =	vld [tilespmem:s0+$0x6000];
	v3 =	vadd.f32 v5, v4;
	[tilespmem:s31+$0x16000] =	vst v1  }
0x9e: {  	v5 =	vadd.f32 v7, v6;
	v4 =	vld [tilespmem:s0+$0x80];
	[tilespmem:s31+$0x16080] =	vst v2  }
0x9f: {  	v6 =	vadd.f32 v9, v8;
	v7 =	vadd.f32 v11, v10;
	v10 =	vld [tilespmem:s0+$0x180];
	[tilespmem:s31+$0x16100] =	vst v3  }
0xa0: {  	v11 =	vld [tilespmem:s0+$0x200];
	[tilespmem:s31+$0x16180] =	vst v5  }
0xa1: {  	v8 =	vadd.f32 v13, v12;
	v1 =	vld [tilespmem:s0+$0x0];
	[tilespmem:s31+$0x16200] =	vst v6  }
0xa2: {  	s2 =	sor.u32 s2, s30;
	v2 =	vld [tilespmem:s0+$0x6080];
	[tilespmem:s31+$0x16280] =	vst v7  }
0xa3: {  	s2 =	sor.u32 $0x380, s2;
	v3 =	vld [tilespmem:s0+$0x6100];
	[tilespmem:s31+$0x16300] =	vst v8  }
0xa4: {  	v9 =	vld [tilespmem:s2+$0x6000]  }
0xa5: {  	v12 =	vld [tilespmem:s2+$0x0]  }
0xa6: {  	v5 =	vld [tilespmem:s0+$0x100]  }
0xa7: {  	v6 =	vld [tilespmem:s0+$0x6180]  }
0xa8: {  	v7 =	vld [tilespmem:s0+$0x6200]  }
0xa9: {  	s30 =	simm.s32 $0x10;
	v8 =	vld [tilespmem:s0+$0x6280];
	s31 =	simm.s32 $0x80  }
.LBB2_5:
0xaa: {  	s28 =	sadd.s32 $0x10, s28;
	v13 =	vld [tilespmem:s0+$0x280];
	s9 =	sadd.s32 $0x80, s9;
	v9 =	vadd.f32 v12, v9  }
0xab: {  	v1 =	vadd.f32 v1, v0;
	s7 =	sand.u32 $0x70, s28;
	s12 =	sand.u32 $0x1C00, s9;
	p2 =	slt.u32 s28, $0x3F0;
	v12 =	vld [tilespmem:s0+$0x6300]  }
0xac: {  	v2 =	vadd.f32 v4, v2;
	s7 =	sor.u32 s7, s12;
	v14 =	vld [tilespmem:s0+$0x300];
	[tilespmem:s2+$0x16000] =	vst v9  }
0xad: {  	v3 =	vadd.f32 v5, v3;
	v0 =	vld [tilespmem:s7+$0x6000];
	[tilespmem:s0+$0x16000] =	vst v1  }
0xae: {  	v5 =	vadd.f32 v10, v6;
	v1 =	vld [tilespmem:s7+$0x0];
	[tilespmem:s0+$0x16080] =	vst v2  }
0xaf: {  	v6 =	vadd.f32 v11, v7;
	v2 =	vld [tilespmem:s7+$0x6080];
	[tilespmem:s0+$0x16100] =	vst v3  }
0xb0: {  	v7 =	vadd.f32 v13, v8;
	v4 =	vld [tilespmem:s7+$0x80];
	[tilespmem:s0+$0x16180] =	vst v5  }
0xb1: {  	v3 =	vld [tilespmem:s7+$0x6100];
	[tilespmem:s0+$0x16200] =	vst v6;
	v8 =	vadd.f32 v14, v12  }
0xb2: {  	s2 =	sor.u32 s31, s30;
	s30 =	smov.u32 s28;
	s31 =	smov.u32 s9;
	v5 =	vld [tilespmem:s7+$0x100];
	[tilespmem:s0+$0x16280] =	vst v7  }
0xb3: {  	s2 =	sor.u32 $0x380, s2;
	v6 =	vld [tilespmem:s7+$0x6180];
	[tilespmem:s0+$0x16300] =	vst v8;
	s0 =	smov.u32 s7  }
0xb4: {  	v9 =	vld [tilespmem:s2+$0x6000]  }
.Ltmp3:
0xb5: {  	v12 =	vld [tilespmem:s2+$0x0];
	(pc) =	sbr.rel @p2 .LBB2_5-.Ltmp3, $4  }
0xb6: {  	v10 =	vld [tilespmem:s0+$0x180]  }
0xb7: {  	v7 =	vld [tilespmem:s0+$0x6200]  }
0xb8: {  	v11 =	vld [tilespmem:s0+$0x200]  }
0xb9: {  	v8 =	vld [tilespmem:s0+$0x6280]  }
0xba: {  	v13 =	vld [tilespmem:s0+$0x280]  }
0xbb: {  	v0 =	vadd.f32 v1, v0;
	v1 =	vld [tilespmem:s0+$0x6300]  }
0xbc: {  	v2 =	vadd.f32 v4, v2;
	v4 =	vld [tilespmem:s0+$0x300]  }
0xbd: {  	[tilespmem:s0+$0x16000] =	vst v0;
	v0 =	vadd.f32 v5, v3  }
0xbe: {  	[tilespmem:s0+$0x16080] =	vst v2;
	v2 =	vadd.f32 v10, v6  }
0xbf: {  	[tilespmem:s0+$0x16100] =	vst v0;
	v0 =	vadd.f32 v11, v7  }
0xc0: {  	[tilespmem:s0+$0x16180] =	vst v2;
	v2 =	vadd.f32 v13, v8  }
0xc1: {  	[tilespmem:s0+$0x16200] =	vst v0;
	v0 =	vadd.f32 v4, v1  }
0xc2: {  	s7 =	sor.u32 s31, s30;
	[tilespmem:s0+$0x16280] =	vst v2  }
0xc3: {  	s12 =	sor.u32 $0x380, s7;
	[tilespmem:s0+$0x16300] =	vst v0  }
0xc4: {  	v0 =	vld [tilespmem:s12+$0x6000]  }
0xc5: {  	v1 =	vld [tilespmem:s12+$0x0];
	_ =	sdelay $0x3  }
0xc6: {  	v2 =	vadd.f32 v12, v9  }
0xc7: {  	v0 =	vadd.f32 v1, v0  }
0xc8: {  	[tilespmem:s2+$0x16000] =	vst v2  }
0xc9: {  	s7 =	simm.s32 @!p0 $0x6000;
	s0 =	sadd.s32 @!p0 s8, s11;
	s2 =	simm.s32 @!p0 $0x0;
	[tilespmem:s12+$0x16000] =	vst v0  }
0xca: {  	[tilespmem:s7], [sflag:$0x4] =	stream.linear.gather @!p0 [hbm4b:s0+s2], $0x2000, $0x38;
	[tilespmem:$0x1C000] =	vst v63  }
0xcb: {  	s9 =	simm.s32 $0x16000;
	s12 =	simm.s32 $0x5;
	s7 =	sadd.s32 s6, s22  }
0xcc: {  	[hbm4b:s7+s5] =	stream.linear.scatter [tilespmem:s9], [sflag:$0xC], $0x2000, $0x38;
	[tilespmem:$0x1C000] =	vst v63  }
0xcd: {  	_ =	swait.ge [sflag:s12], $0x2000  }
0xce: {  	[sflag:s12] =	ssyncset.done $0x0  }
0xcf: {  	s0 =	simm.s32 @!p1 $0xD;
	[sflag:s12] =	ssyncadd.s32 $0xFFFFE000  }
0xd0: {  	s2 =	simm.s32 $0x0;
	s7 =	simm.s32 $0x0;
	_ =	swait.ge @!p1 [sflag:s0], $0x2000  }
0xd1: {  	s9 =	sand.u32 $0x70, s7;
	s12 =	sand.u32 $0x1C00, s2;
	[sflag:s0] =	ssyncset.done @!p1 $0x0  }
0xd2: {  	s12 =	sor.u32 s9, s12;
	[sflag:s0] =	ssyncadd.s32 @!p1 $0xFFFFE000  }
0xd3: {  	v0 =	vld [tilespmem:s12+$0x8000]  }
0xd4: {  	v1 =	vld [tilespmem:s12+$0x0]  }
0xd5: {  	v2 =	vld [tilespmem:s12+$0x8080]  }
0xd6: {  	v3 =	vld [tilespmem:s12+$0x80]  }
0xd7: {  	v4 =	vld [tilespmem:s12+$0x8100]  }
0xd8: {  	v5 =	vld [tilespmem:s12+$0x100]  }
0xd9: {  	v6 =	vld [tilespmem:s12+$0x8180]  }
0xda: {  	v7 =	vld [tilespmem:s12+$0x180]  }
0xdb: {  	v8 =	vld [tilespmem:s12+$0x8200]  }
0xdc: {  	v9 =	vld [tilespmem:s12+$0x200]  }
0xdd: {  	v10 =	vld [tilespmem:s12+$0x8280]  }
0xde: {  	s28 =	simm.s32 $0x10;
	s9 =	simm.s32 $0x80;
	v11 =	vld [tilespmem:s12+$0x280]  }
0xdf: {  	s30 =	sand.u32 $0x1C00, s9;
	s0 =	sand.u32 $0x70, s28;
	v12 =	vld [tilespmem:s12+$0x8300];
	v1 =	vadd.f32 v1, v0  }
0xe0: {  	s0 =	sor.u32 s0, s30;
	v13 =	vld [tilespmem:s12+$0x300];
	v2 =	vadd.f32 v3, v2  }
0xe1: {  	v0 =	vld [tilespmem:s0+$0x8000];
	v3 =	vadd.f32 v5, v4;
	[tilespmem:s12+$0x18000] =	vst v1  }
0xe2: {  	v5 =	vadd.f32 v7, v6;
	v4 =	vld [tilespmem:s0+$0x80];
	[tilespmem:s12+$0x18080] =	vst v2  }
0xe3: {  	v6 =	vadd.f32 v9, v8;
	v7 =	vadd.f32 v11, v10;
	v10 =	vld [tilespmem:s0+$0x180];
	[tilespmem:s12+$0x18100] =	vst v3  }
0xe4: {  	v11 =	vld [tilespmem:s0+$0x200];
	[tilespmem:s12+$0x18180] =	vst v5  }
0xe5: {  	v8 =	vadd.f32 v13, v12;
	v1 =	vld [tilespmem:s0+$0x0];
	[tilespmem:s12+$0x18200] =	vst v6  }
0xe6: {  	s2 =	sor.u32 s2, s7;
	v2 =	vld [tilespmem:s0+$0x8080];
	[tilespmem:s12+$0x18280] =	vst v7  }
0xe7: {  	s2 =	sor.u32 $0x380, s2;
	v3 =	vld [tilespmem:s0+$0x8100];
	[tilespmem:s12+$0x18300] =	vst v8  }
0xe8: {  	v9 =	vld [tilespmem:s2+$0x8000]  }
0xe9: {  	v12 =	vld [tilespmem:s2+$0x0]  }
0xea: {  	v5 =	vld [tilespmem:s0+$0x100]  }
0xeb: {  	v6 =	vld [tilespmem:s0+$0x8180]  }
0xec: {  	v7 =	vld [tilespmem:s0+$0x8200]  }
0xed: {  	s31 =	simm.s32 $0x80;
	s30 =	simm.s32 $0x10;
	v8 =	vld [tilespmem:s0+$0x8280]  }
.LBB2_7:
0xee: {  	s28 =	sadd.s32 $0x10, s28;
	v13 =	vld [tilespmem:s0+$0x280];
	s9 =	sadd.s32 $0x80, s9;
	v9 =	vadd.f32 v12, v9  }
0xef: {  	v1 =	vadd.f32 v1, v0;
	s7 =	sand.u32 $0x70, s28;
	s12 =	sand.u32 $0x1C00, s9;
	p2 =	slt.u32 s28, $0x3F0;
	v12 =	vld [tilespmem:s0+$0x8300]  }
0xf0: {  	v2 =	vadd.f32 v4, v2;
	s7 =	sor.u32 s7, s12;
	v14 =	vld [tilespmem:s0+$0x300];
	[tilespmem:s2+$0x18000] =	vst v9  }
0xf1: {  	v3 =	vadd.f32 v5, v3;
	v0 =	vld [tilespmem:s7+$0x8000];
	[tilespmem:s0+$0x18000] =	vst v1  }
0xf2: {  	v5 =	vadd.f32 v10, v6;
	v1 =	vld [tilespmem:s7+$0x0];
	[tilespmem:s0+$0x18080] =	vst v2  }
0xf3: {  	v6 =	vadd.f32 v11, v7;
	v2 =	vld [tilespmem:s7+$0x8080];
	[tilespmem:s0+$0x18100] =	vst v3  }
0xf4: {  	v7 =	vadd.f32 v13, v8;
	v4 =	vld [tilespmem:s7+$0x80];
	[tilespmem:s0+$0x18180] =	vst v5  }
0xf5: {  	v3 =	vld [tilespmem:s7+$0x8100];
	[tilespmem:s0+$0x18200] =	vst v6;
	v8 =	vadd.f32 v14, v12  }
0xf6: {  	s2 =	sor.u32 s31, s30;
	s30 =	smov.u32 s28;
	s31 =	smov.u32 s9;
	v5 =	vld [tilespmem:s7+$0x100];
	[tilespmem:s0+$0x18280] =	vst v7  }
0xf7: {  	s2 =	sor.u32 $0x380, s2;
	v6 =	vld [tilespmem:s7+$0x8180];
	[tilespmem:s0+$0x18300] =	vst v8;
	s0 =	smov.u32 s7  }
0xf8: {  	v9 =	vld [tilespmem:s2+$0x8000]  }
.Ltmp4:
0xf9: {  	v12 =	vld [tilespmem:s2+$0x0];
	(pc) =	sbr.rel @p2 .LBB2_7-.Ltmp4, $4  }
0xfa: {  	v10 =	vld [tilespmem:s0+$0x180]  }
0xfb: {  	v7 =	vld [tilespmem:s0+$0x8200]  }
0xfc: {  	v11 =	vld [tilespmem:s0+$0x200]  }
0xfd: {  	v8 =	vld [tilespmem:s0+$0x8280]  }
0xfe: {  	v13 =	vld [tilespmem:s0+$0x280]  }
0xff: {  	v0 =	vadd.f32 v1, v0;
	v1 =	vld [tilespmem:s0+$0x8300]  }
0x100: {  	v2 =	vadd.f32 v4, v2;
	v4 =	vld [tilespmem:s0+$0x300]  }
0x101: {  	[tilespmem:s0+$0x18000] =	vst v0;
	v0 =	vadd.f32 v5, v3  }
0x102: {  	[tilespmem:s0+$0x18080] =	vst v2;
	v2 =	vadd.f32 v10, v6  }
0x103: {  	[tilespmem:s0+$0x18100] =	vst v0;
	v0 =	vadd.f32 v11, v7  }
0x104: {  	[tilespmem:s0+$0x18180] =	vst v2;
	v2 =	vadd.f32 v13, v8  }
0x105: {  	[tilespmem:s0+$0x18200] =	vst v0;
	v0 =	vadd.f32 v4, v1  }
0x106: {  	s7 =	sor.u32 s31, s30;
	[tilespmem:s0+$0x18280] =	vst v2  }
0x107: {  	s12 =	sor.u32 $0x380, s7;
	[tilespmem:s0+$0x18300] =	vst v0  }
0x108: {  	v0 =	vld [tilespmem:s12+$0x8000]  }
0x109: {  	v1 =	vld [tilespmem:s12+$0x0];
	_ =	sdelay $0x3  }
0x10a: {  	v2 =	vadd.f32 v12, v9  }
0x10b: {  	v0 =	vadd.f32 v1, v0  }
0x10c: {  	[tilespmem:s2+$0x18000] =	vst v2  }
0x10d: {  	s7 =	simm.s32 @!p0 $0x8000;
	s0 =	sadd.s32 @!p0 s8, s13;
	s2 =	simm.s32 @!p0 $0x0;
	[tilespmem:s12+$0x18000] =	vst v0  }
0x10e: {  	[tilespmem:s7], [sflag:$0x5] =	stream.linear.gather @!p0 [hbm4b:s0+s2], $0x2000, $0x38;
	[tilespmem:$0x1C000] =	vst v63  }
0x10f: {  	s9 =	simm.s32 $0x18000;
	s12 =	simm.s32 $0x6;
	s7 =	sadd.s32 s6, s23  }
0x110: {  	[hbm4b:s7+s5] =	stream.linear.scatter [tilespmem:s9], [sflag:$0xD], $0x2000, $0x38;
	[tilespmem:$0x1C000] =	vst v63  }
0x111: {  	_ =	swait.ge [sflag:s12], $0x2000  }
0x112: {  	[sflag:s12] =	ssyncset.done $0x0  }
0x113: {  	s0 =	simm.s32 @!p1 $0xE;
	[sflag:s12] =	ssyncadd.s32 $0xFFFFE000  }
0x114: {  	s2 =	simm.s32 $0x0;
	s7 =	simm.s32 $0x0;
	_ =	swait.ge @!p1 [sflag:s0], $0x2000  }
0x115: {  	s9 =	sand.u32 $0x70, s7;
	s12 =	sand.u32 $0x1C00, s2;
	[sflag:s0] =	ssyncset.done @!p1 $0x0  }
0x116: {  	s12 =	sor.u32 s9, s12;
	[sflag:s0] =	ssyncadd.s32 @!p1 $0xFFFFE000  }
0x117: {  	v0 =	vld [tilespmem:s12+$0xA000]  }
0x118: {  	v1 =	vld [tilespmem:s12+$0x0]  }
0x119: {  	v2 =	vld [tilespmem:s12+$0xA080]  }
0x11a: {  	v3 =	vld [tilespmem:s12+$0x80]  }
0x11b: {  	v4 =	vld [tilespmem:s12+$0xA100]  }
0x11c: {  	v5 =	vld [tilespmem:s12+$0x100]  }
0x11d: {  	v6 =	vld [tilespmem:s12+$0xA180]  }
0x11e: {  	v7 =	vld [tilespmem:s12+$0x180]  }
0x11f: {  	v8 =	vld [tilespmem:s12+$0xA200]  }
0x120: {  	v9 =	vld [tilespmem:s12+$0x200]  }
0x121: {  	v10 =	vld [tilespmem:s12+$0xA280]  }
0x122: {  	s28 =	simm.s32 $0x10;
	s9 =	simm.s32 $0x80;
	v11 =	vld [tilespmem:s12+$0x280]  }
0x123: {  	s30 =	sand.u32 $0x1C00, s9;
	s0 =	sand.u32 $0x70, s28;
	v12 =	vld [tilespmem:s12+$0xA300];
	v1 =	vadd.f32 v1, v0  }
0x124: {  	s0 =	sor.u32 s0, s30;
	v13 =	vld [tilespmem:s12+$0x300];
	v2 =	vadd.f32 v3, v2  }
0x125: {  	v0 =	vld [tilespmem:s0+$0xA000];
	v3 =	vadd.f32 v5, v4;
	[tilespmem:s12+$0x1A000] =	vst v1  }
0x126: {  	v5 =	vadd.f32 v7, v6;
	v4 =	vld [tilespmem:s0+$0x80];
	[tilespmem:s12+$0x1A080] =	vst v2  }
0x127: {  	v6 =	vadd.f32 v9, v8;
	v7 =	vadd.f32 v11, v10;
	v10 =	vld [tilespmem:s0+$0x180];
	[tilespmem:s12+$0x1A100] =	vst v3  }
0x128: {  	v11 =	vld [tilespmem:s0+$0x200];
	[tilespmem:s12+$0x1A180] =	vst v5  }
0x129: {  	v8 =	vadd.f32 v13, v12;
	v1 =	vld [tilespmem:s0+$0x0];
	[tilespmem:s12+$0x1A200] =	vst v6  }
0x12a: {  	s2 =	sor.u32 s2, s7;
	v2 =	vld [tilespmem:s0+$0xA080];
	[tilespmem:s12+$0x1A280] =	vst v7  }
0x12b: {  	s2 =	sor.u32 $0x380, s2;
	v3 =	vld [tilespmem:s0+$0xA100];
	[tilespmem:s12+$0x1A300] =	vst v8  }
0x12c: {  	v9 =	vld [tilespmem:s2+$0xA000]  }
0x12d: {  	v12 =	vld [tilespmem:s2+$0x0]  }
0x12e: {  	v5 =	vld [tilespmem:s0+$0x100]  }
0x12f: {  	v6 =	vld [tilespmem:s0+$0xA180]  }
0x130: {  	v7 =	vld [tilespmem:s0+$0xA200]  }
0x131: {  	s31 =	simm.s32 $0x80;
	s30 =	simm.s32 $0x10;
	v8 =	vld [tilespmem:s0+$0xA280]  }
.LBB2_9:
0x132: {  	s28 =	sadd.s32 $0x10, s28;
	v13 =	vld [tilespmem:s0+$0x280];
	s9 =	sadd.s32 $0x80, s9;
	v9 =	vadd.f32 v12, v9  }
0x133: {  	v1 =	vadd.f32 v1, v0;
	s7 =	sand.u32 $0x70, s28;
	s12 =	sand.u32 $0x1C00, s9;
	p1 =	slt.u32 s28, $0x3F0;
	v12 =	vld [tilespmem:s0+$0xA300]  }
0x134: {  	v2 =	vadd.f32 v4, v2;
	s7 =	sor.u32 s7, s12;
	v14 =	vld [tilespmem:s0+$0x300];
	[tilespmem:s2+$0x1A000] =	vst v9  }
0x135: {  	v3 =	vadd.f32 v5, v3;
	v0 =	vld [tilespmem:s7+$0xA000];
	[tilespmem:s0+$0x1A000] =	vst v1  }
0x136: {  	v5 =	vadd.f32 v10, v6;
	v1 =	vld [tilespmem:s7+$0x0];
	[tilespmem:s0+$0x1A080] =	vst v2  }
0x137: {  	v6 =	vadd.f32 v11, v7;
	v2 =	vld [tilespmem:s7+$0xA080];
	[tilespmem:s0+$0x1A100] =	vst v3  }
0x138: {  	v7 =	vadd.f32 v13, v8;
	v4 =	vld [tilespmem:s7+$0x80];
	[tilespmem:s0+$0x1A180] =	vst v5  }
0x139: {  	v3 =	vld [tilespmem:s7+$0xA100];
	[tilespmem:s0+$0x1A200] =	vst v6;
	v8 =	vadd.f32 v14, v12  }
0x13a: {  	s2 =	sor.u32 s31, s30;
	s30 =	smov.u32 s28;
	s31 =	smov.u32 s9;
	v5 =	vld [tilespmem:s7+$0x100];
	[tilespmem:s0+$0x1A280] =	vst v7  }
0x13b: {  	s2 =	sor.u32 $0x380, s2;
	v6 =	vld [tilespmem:s7+$0xA180];
	[tilespmem:s0+$0x1A300] =	vst v8;
	s0 =	smov.u32 s7  }
0x13c: {  	v9 =	vld [tilespmem:s2+$0xA000]  }
.Ltmp5:
0x13d: {  	v12 =	vld [tilespmem:s2+$0x0];
	(pc) =	sbr.rel @p1 .LBB2_9-.Ltmp5, $4  }
0x13e: {  	v10 =	vld [tilespmem:s0+$0x180]  }
0x13f: {  	v7 =	vld [tilespmem:s0+$0xA200]  }
0x140: {  	v11 =	vld [tilespmem:s0+$0x200]  }
0x141: {  	v8 =	vld [tilespmem:s0+$0xA280]  }
0x142: {  	v13 =	vld [tilespmem:s0+$0x280]  }
0x143: {  	v0 =	vadd.f32 v1, v0;
	v1 =	vld [tilespmem:s0+$0xA300]  }
0x144: {  	v2 =	vadd.f32 v4, v2;
	v4 =	vld [tilespmem:s0+$0x300]  }
0x145: {  	[tilespmem:s0+$0x1A000] =	vst v0;
	v0 =	vadd.f32 v5, v3  }
0x146: {  	[tilespmem:s0+$0x1A080] =	vst v2;
	v2 =	vadd.f32 v10, v6  }
0x147: {  	[tilespmem:s0+$0x1A100] =	vst v0;
	v0 =	vadd.f32 v11, v7  }
0x148: {  	[tilespmem:s0+$0x1A180] =	vst v2;
	v2 =	vadd.f32 v13, v8  }
0x149: {  	[tilespmem:s0+$0x1A200] =	vst v0;
	v0 =	vadd.f32 v4, v1  }
0x14a: {  	s7 =	sor.u32 s31, s30;
	[tilespmem:s0+$0x1A280] =	vst v2  }
0x14b: {  	s31 =	sor.u32 $0x380, s7;
	[tilespmem:s0+$0x1A300] =	vst v0  }
0x14c: {  	v0 =	vld [tilespmem:s31+$0xA000]  }
0x14d: {  	v1 =	vld [tilespmem:s31+$0x0];
	_ =	sdelay $0x3  }
0x14e: {  	v2 =	vadd.f32 v12, v9  }
0x14f: {  	v0 =	vadd.f32 v1, v0  }
0x150: {  	[tilespmem:s2+$0x1A000] =	vst v2  }
0x151: {  	s7 =	simm.s32 @p0 $0x1A000;
	s0 =	sadd.s32 @p0 s6, s24;
	s2 =	simm.s32 @p0 $0x0;
	[tilespmem:s31+$0x1A000] =	vst v0  }
0x152: {  	[hbm4b:s0+s2] =	stream.linear.scatter @p0 [tilespmem:s7], [sflag:$0xE], $0x2000, $0x38;
	[tilespmem:$0x1C000] =	vst v63  }
0x153: {  	s0 =	sadd.s32 @!p0 s8, s14;
	s2 =	simm.s32 @!p0 $0x0;
	s7 =	simm.s32 @!p0 $0xA000  }
0x154: {  	[tilespmem:s7], [sflag:$0x6] =	stream.linear.gather @!p0 [hbm4b:s0+s2], $0x2000, $0x38;
	[tilespmem:$0x1C000] =	vst v63  }
0x155: {  	s0 =	sadd.s32 @!p0 s6, s24;
	s6 =	simm.s32 @!p0 $0x1A000  }
0x156: {  	[hbm4b:s0+s2] =	stream.linear.scatter @!p0 [tilespmem:s6], [sflag:$0xE], $0x2000, $0x38;
	[tilespmem:$0x1C000] =	vst v63  }
0x157: {  	s0 =	rddreg [dreg:$0x1]  }
0x158: {  	s0 =	sadd.s32 @!p0 s0, s4;
	s4 =	simm.s32 $0x7  }
0x159: {  	[tilespmem:s2], [sflag:$0x1] =	stream.linear.gather @!p0 [hbm4b:s0+s2], $0x2000, $0x38;
	[tilespmem:$0x1C000] =	vst v63  }
0x15a: {  	_ =	swait.ge [sflag:s4], $0x2000  }
0x15b: {  	[sflag:s4] =	ssyncset.done $0x0  }
0x15c: {  	s6 =	simm.s32 $0x2;
	[sflag:s4] =	ssyncadd.s32 $0xFFFFE000  }
0x15d: {  	_ =	swait.ge [sflag:s6], $0x2000  }
0x15e: {  	[sflag:s6] =	ssyncset.done $0x0  }
0x15f: {  	[sflag:s6] =	ssyncadd.s32 $0xFFFFE000  }
0x160: {  	s8 =	simm.s32 $0x0;
	s7 =	simm.s32 $0x0;
	_ =	swait.ge [sflag:s17], $0x2000  }
0x161: {  	s9 =	sand.u32 $0x70, s8;
	s12 =	sand.u32 $0x1C00, s7;
	[sflag:s17] =	ssyncset.done $0x0  }
0x162: {  	s30 =	sor.u32 s9, s12;
	[sflag:s17] =	ssyncadd.s32 $0xFFFFE000  }
0x163: {  	v0 =	vld [tilespmem:s30+$0xC000]  }
0x164: {  	v1 =	vld [tilespmem:s30+$0x2000]  }
0x165: {  	v2 =	vld [tilespmem:s30+$0xC080]  }
0x166: {  	v3 =	vld [tilespmem:s30+$0x2080]  }
0x167: {  	v4 =	vld [tilespmem:s30+$0xC100]  }
0x168: {  	v5 =	vld [tilespmem:s30+$0x2100]  }
0x169: {  	v6 =	vld [tilespmem:s30+$0xC180]  }
0x16a: {  	v7 =	vld [tilespmem:s30+$0x2180]  }
0x16b: {  	v8 =	vld [tilespmem:s30+$0xC200]  }
0x16c: {  	v9 =	vld [tilespmem:s30+$0x2200]  }
0x16d: {  	v10 =	vld [tilespmem:s30+$0xC280]  }
0x16e: {  	s4 =	simm.s32 $0x10;
	s6 =	simm.s32 $0x80;
	v11 =	vld [tilespmem:s30+$0x2280]  }
0x16f: {  	s31 =	sand.u32 $0x70, s4;
	s9 =	sand.u32 $0x1C00, s6;
	v12 =	vld [tilespmem:s30+$0xC300];
	v1 =	vadd.f32 v1, v0  }
0x170: {  	s0 =	sor.u32 s31, s9;
	v13 =	vld [tilespmem:s30+$0x2300];
	v2 =	vadd.f32 v3, v2  }
0x171: {  	v0 =	vld [tilespmem:s0+$0xC000];
	v3 =	vadd.f32 v5, v4;
	[tilespmem:s30+$0x14000] =	vst v1  }
0x172: {  	v5 =	vadd.f32 v7, v6;
	v4 =	vld [tilespmem:s0+$0x2080];
	[tilespmem:s30+$0x14080] =	vst v2  }
0x173: {  	v6 =	vadd.f32 v9, v8;
	v7 =	vadd.f32 v11, v10;
	v10 =	vld [tilespmem:s0+$0x2180];
	[tilespmem:s30+$0x14100] =	vst v3  }
0x174: {  	v11 =	vld [tilespmem:s0+$0x2200];
	[tilespmem:s30+$0x14180] =	vst v5  }
0x175: {  	v8 =	vadd.f32 v13, v12;
	v1 =	vld [tilespmem:s0+$0x2000];
	[tilespmem:s30+$0x14200] =	vst v6  }
0x176: {  	s2 =	sor.u32 s7, s8;
	v2 =	vld [tilespmem:s0+$0xC080];
	[tilespmem:s30+$0x14280] =	vst v7  }
0x177: {  	s28 =	sor.u32 $0x380, s2;
	v3 =	vld [tilespmem:s0+$0xC100];
	[tilespmem:s30+$0x14300] =	vst v8  }
0x178: {  	v9 =	vld [tilespmem:s28+$0xC000]  }
0x179: {  	v12 =	vld [tilespmem:s28+$0x2000]  }
0x17a: {  	v5 =	vld [tilespmem:s0+$0x2100]  }
0x17b: {  	v6 =	vld [tilespmem:s0+$0xC180]  }
0x17c: {  	v7 =	vld [tilespmem:s0+$0xC200]  }
0x17d: {  	s8 =	simm.s32 $0x10;
	s9 =	simm.s32 $0x80;
	v8 =	vld [tilespmem:s0+$0xC280]  }
.LBB2_11:
0x17e: {  	s4 =	sadd.s32 $0x10, s4;
	v13 =	vld [tilespmem:s0+$0x2280];
	s6 =	sadd.s32 $0x80, s6;
	v9 =	vadd.f32 v12, v9  }
0x17f: {  	v1 =	vadd.f32 v1, v0;
	s2 =	sand.u32 $0x70, s4;
	s7 =	sand.u32 $0x1C00, s6;
	p1 =	slt.u32 s4, $0x3F0;
	v12 =	vld [tilespmem:s0+$0xC300]  }
0x180: {  	v2 =	vadd.f32 v4, v2;
	s2 =	sor.u32 s2, s7;
	v14 =	vld [tilespmem:s0+$0x2300];
	[tilespmem:s28+$0x14000] =	vst v9  }
0x181: {  	v3 =	vadd.f32 v5, v3;
	v0 =	vld [tilespmem:s2+$0xC000];
	[tilespmem:s0+$0x14000] =	vst v1  }
0x182: {  	v5 =	vadd.f32 v10, v6;
	v1 =	vld [tilespmem:s2+$0x2000];
	[tilespmem:s0+$0x14080] =	vst v2  }
0x183: {  	v6 =	vadd.f32 v11, v7;
	v2 =	vld [tilespmem:s2+$0xC080];
	[tilespmem:s0+$0x14100] =	vst v3  }
0x184: {  	v7 =	vadd.f32 v13, v8;
	v4 =	vld [tilespmem:s2+$0x2080];
	[tilespmem:s0+$0x14180] =	vst v5  }
0x185: {  	v3 =	vld [tilespmem:s2+$0xC100];
	[tilespmem:s0+$0x14200] =	vst v6;
	v8 =	vadd.f32 v14, v12  }
0x186: {  	s7 =	sor.u32 s9, s8;
	s8 =	smov.u32 s4;
	s9 =	smov.u32 s6;
	v5 =	vld [tilespmem:s2+$0x2100];
	[tilespmem:s0+$0x14280] =	vst v7  }
0x187: {  	s28 =	sor.u32 $0x380, s7;
	v6 =	vld [tilespmem:s2+$0xC180];
	[tilespmem:s0+$0x14300] =	vst v8;
	s0 =	smov.u32 s2  }
0x188: {  	v9 =	vld [tilespmem:s28+$0xC000]  }
.Ltmp6:
0x189: {  	v12 =	vld [tilespmem:s28+$0x2000];
	(pc) =	sbr.rel @p1 .LBB2_11-.Ltmp6, $4  }
0x18a: {  	v10 =	vld [tilespmem:s0+$0x2180]  }
0x18b: {  	v7 =	vld [tilespmem:s0+$0xC200]  }
0x18c: {  	v11 =	vld [tilespmem:s0+$0x2200]  }
0x18d: {  	v8 =	vld [tilespmem:s0+$0xC280]  }
0x18e: {  	v13 =	vld [tilespmem:s0+$0x2280]  }
0x18f: {  	v0 =	vadd.f32 v1, v0;
	v1 =	vld [tilespmem:s0+$0xC300]  }
0x190: {  	v2 =	vadd.f32 v4, v2;
	v4 =	vld [tilespmem:s0+$0x2300]  }
0x191: {  	[tilespmem:s0+$0x14000] =	vst v0;
	v0 =	vadd.f32 v5, v3  }
0x192: {  	[tilespmem:s0+$0x14080] =	vst v2;
	v2 =	vadd.f32 v10, v6  }
0x193: {  	[tilespmem:s0+$0x14100] =	vst v0;
	v0 =	vadd.f32 v11, v7  }
0x194: {  	[tilespmem:s0+$0x14180] =	vst v2;
	v2 =	vadd.f32 v13, v8  }
0x195: {  	[tilespmem:s0+$0x14200] =	vst v0;
	v0 =	vadd.f32 v4, v1  }
0x196: {  	s2 =	sor.u32 s9, s8;
	[tilespmem:s0+$0x14280] =	vst v2  }
0x197: {  	s6 =	sor.u32 $0x380, s2;
	[tilespmem:s0+$0x14300] =	vst v0  }
0x198: {  	v0 =	vld [tilespmem:s6+$0xC000]  }
0x199: {  	v1 =	vld [tilespmem:s6+$0x2000];
	_ =	sdelay $0x3  }
0x19a: {  	s3 =	sadd.s32 $0x3, s3;
	v2 =	vadd.f32 v12, v9  }
0x19b: {  	s2 =	sadd.s32 @!p0 s21, s3;
	v0 =	vadd.f32 v1, v0  }
0x19c: {  	s4 =	sshll.u32 @!p0 s2, $0xA;
	[tilespmem:s28+$0x14000] =	vst v2  }
0x19d: {  	s2 =	simm.s32 @!p0 $0x0;
	s0 =	sadd.s32 @!p0 s15, s4;
	[tilespmem:s6+$0x14000] =	vst v0;
	s6 =	simm.s32 @!p0 $0xC000  }
0x19e: {  	[tilespmem:s6], [sflag:$0x7] =	stream.linear.gather @!p0 [hbm4b:s0+s2], $0x2000, $0x38;
	[tilespmem:$0x1C000] =	vst v63  }
0x19f: {  	s7 =	rddreg [dreg:$0x6]  }
0x1a0: {  	s1 =	sadd.s32 s7, s1  }
0x1a1: {  	s8 =	simm.s32 $0x14000;
	s2 =	simm.s32 $0x0;
	s0 =	sadd.s32 s16, s1  }
0x1a2: {  	[hbm4b:s0+s2] =	stream.linear.scatter [tilespmem:s8], [sflag:$0xB], $0x2000, $0x38;
	[tilespmem:$0x1C000] =	vst v63  }
0x1a3: {  	_ =	swait.ge [sflag:s18], $0x2000  }
0x1a4: {  	[sflag:s18] =	ssyncset.done $0x0  }
0x1a5: {  	[sflag:s18] =	ssyncadd.s32 $0xFFFFE000  }
0x1a6: {  	s7 =	simm.s32 $0x0;
	_ =	swait.ge [sflag:s19], $0x2000  }
0x1a7: {  	s12 =	sand.u32 $0x1C00, s2;
	s9 =	sand.u32 $0x70, s7;
	[sflag:s19] =	ssyncset.done $0x0  }
0x1a8: {  	s30 =	smov.u32 s15;
	s15 =	sor.u32 s9, s12;
	[sflag:s19] =	ssyncadd.s32 $0xFFFFE000  }
0x1a9: {  	v0 =	vld [tilespmem:s15+$0xE000]  }
0x1aa: {  	v1 =	vld [tilespmem:s15+$0x2000]  }
0x1ab: {  	v2 =	vld [tilespmem:s15+$0xE080]  }
0x1ac: {  	v3 =	vld [tilespmem:s15+$0x2080]  }
0x1ad: {  	v4 =	vld [tilespmem:s15+$0xE100]  }
0x1ae: {  	v5 =	vld [tilespmem:s15+$0x2100]  }
0x1af: {  	v6 =	vld [tilespmem:s15+$0xE180]  }
0x1b0: {  	v7 =	vld [tilespmem:s15+$0x2180]  }
0x1b1: {  	v8 =	vld [tilespmem:s15+$0xE200]  }
0x1b2: {  	v9 =	vld [tilespmem:s15+$0x2200]  }
0x1b3: {  	v10 =	vld [tilespmem:s15+$0xE280]  }
0x1b4: {  	s6 =	simm.s32 $0x10;
	s8 =	simm.s32 $0x80;
	v11 =	vld [tilespmem:s15+$0x2280]  }
0x1b5: {  	s31 =	smov.u32 s16;
	s16 =	sand.u32 $0x70, s6;
	s12 =	sand.u32 $0x1C00, s8;
	v12 =	vld [tilespmem:s15+$0xE300];
	v1 =	vadd.f32 v1, v0  }
0x1b6: {  	s0 =	sor.u32 s16, s12;
	v13 =	vld [tilespmem:s15+$0x2300];
	v2 =	vadd.f32 v3, v2  }
0x1b7: {  	v0 =	vld [tilespmem:s0+$0xE000];
	v3 =	vadd.f32 v5, v4;
	[tilespmem:s15+$0x16000] =	vst v1  }
0x1b8: {  	v5 =	vadd.f32 v7, v6;
	v4 =	vld [tilespmem:s0+$0x2080];
	[tilespmem:s15+$0x16080] =	vst v2  }
0x1b9: {  	v6 =	vadd.f32 v9, v8;
	v7 =	vadd.f32 v11, v10;
	v10 =	vld [tilespmem:s0+$0x2180];
	[tilespmem:s15+$0x16100] =	vst v3  }
0x1ba: {  	v11 =	vld [tilespmem:s0+$0x2200];
	[tilespmem:s15+$0x16180] =	vst v5  }
0x1bb: {  	v8 =	vadd.f32 v13, v12;
	v1 =	vld [tilespmem:s0+$0x2000];
	[tilespmem:s15+$0x16200] =	vst v6  }
0x1bc: {  	s2 =	sor.u32 s2, s7;
	v2 =	vld [tilespmem:s0+$0xE080];
	[tilespmem:s15+$0x16280] =	vst v7  }
0x1bd: {  	s2 =	sor.u32 $0x380, s2;
	v3 =	vld [tilespmem:s0+$0xE100];
	[tilespmem:s15+$0x16300] =	vst v8  }
0x1be: {  	v9 =	vld [tilespmem:s2+$0xE000]  }
0x1bf: {  	v12 =	vld [tilespmem:s2+$0x2000]  }
0x1c0: {  	v5 =	vld [tilespmem:s0+$0x2100]  }
0x1c1: {  	v6 =	vld [tilespmem:s0+$0xE180]  }
0x1c2: {  	v7 =	vld [tilespmem:s0+$0xE200]  }
0x1c3: {  	s28 =	simm.s32 $0x80;
	s9 =	simm.s32 $0x10;
	v8 =	vld [tilespmem:s0+$0xE280]  }
.LBB2_13:
0x1c4: {  	s6 =	sadd.s32 $0x10, s6;
	v13 =	vld [tilespmem:s0+$0x2280];
	s8 =	sadd.s32 $0x80, s8;
	v9 =	vadd.f32 v12, v9  }
0x1c5: {  	v1 =	vadd.f32 v1, v0;
	s7 =	sand.u32 $0x70, s6;
	s12 =	sand.u32 $0x1C00, s8;
	p1 =	slt.u32 s6, $0x3F0;
	v12 =	vld [tilespmem:s0+$0xE300]  }
0x1c6: {  	v2 =	vadd.f32 v4, v2;
	s7 =	sor.u32 s7, s12;
	v14 =	vld [tilespmem:s0+$0x2300];
	[tilespmem:s2+$0x16000] =	vst v9  }
0x1c7: {  	v3 =	vadd.f32 v5, v3;
	v0 =	vld [tilespmem:s7+$0xE000];
	[tilespmem:s0+$0x16000] =	vst v1  }
0x1c8: {  	v5 =	vadd.f32 v10, v6;
	v1 =	vld [tilespmem:s7+$0x2000];
	[tilespmem:s0+$0x16080] =	vst v2  }
0x1c9: {  	v6 =	vadd.f32 v11, v7;
	v2 =	vld [tilespmem:s7+$0xE080];
	[tilespmem:s0+$0x16100] =	vst v3  }
0x1ca: {  	v7 =	vadd.f32 v13, v8;
	v4 =	vld [tilespmem:s7+$0x2080];
	[tilespmem:s0+$0x16180] =	vst v5  }
0x1cb: {  	v3 =	vld [tilespmem:s7+$0xE100];
	[tilespmem:s0+$0x16200] =	vst v6;
	v8 =	vadd.f32 v14, v12  }
0x1cc: {  	s2 =	sor.u32 s28, s9;
	s9 =	smov.u32 s6;
	s28 =	smov.u32 s8;
	v5 =	vld [tilespmem:s7+$0x2100];
	[tilespmem:s0+$0x16280] =	vst v7  }
0x1cd: {  	s2 =	sor.u32 $0x380, s2;
	v6 =	vld [tilespmem:s7+$0xE180];
	[tilespmem:s0+$0x16300] =	vst v8;
	s0 =	smov.u32 s7  }
0x1ce: {  	v9 =	vld [tilespmem:s2+$0xE000]  }
.Ltmp7:
0x1cf: {  	v12 =	vld [tilespmem:s2+$0x2000];
	(pc) =	sbr.rel @p1 .LBB2_13-.Ltmp7, $4  }
0x1d0: {  	v10 =	vld [tilespmem:s0+$0x2180]  }
0x1d1: {  	v7 =	vld [tilespmem:s0+$0xE200]  }
0x1d2: {  	v11 =	vld [tilespmem:s0+$0x2200]  }
0x1d3: {  	v8 =	vld [tilespmem:s0+$0xE280]  }
0x1d4: {  	v13 =	vld [tilespmem:s0+$0x2280]  }
0x1d5: {  	v0 =	vadd.f32 v1, v0;
	v1 =	vld [tilespmem:s0+$0xE300]  }
0x1d6: {  	v2 =	vadd.f32 v4, v2;
	v4 =	vld [tilespmem:s0+$0x2300]  }
0x1d7: {  	[tilespmem:s0+$0x16000] =	vst v0;
	v0 =	vadd.f32 v5, v3  }
0x1d8: {  	[tilespmem:s0+$0x16080] =	vst v2;
	v2 =	vadd.f32 v10, v6  }
0x1d9: {  	[tilespmem:s0+$0x16100] =	vst v0;
	v0 =	vadd.f32 v11, v7  }
0x1da: {  	[tilespmem:s0+$0x16180] =	vst v2;
	v2 =	vadd.f32 v13, v8  }
0x1db: {  	[tilespmem:s0+$0x16200] =	vst v0;
	v0 =	vadd.f32 v4, v1  }
0x1dc: {  	s6 =	sor.u32 s28, s9;
	[tilespmem:s0+$0x16280] =	vst v2  }
0x1dd: {  	s6 =	sor.u32 $0x380, s6;
	[tilespmem:s0+$0x16300] =	vst v0  }
0x1de: {  	v0 =	vld [tilespmem:s6+$0xE000]  }
0x1df: {  	v1 =	vld [tilespmem:s6+$0x2000];
	_ =	sdelay $0x3  }
0x1e0: {  	v2 =	vadd.f32 v12, v9  }
0x1e1: {  	v0 =	vadd.f32 v1, v0  }
0x1e2: {  	[tilespmem:s2+$0x16000] =	vst v2  }
0x1e3: {  	s0 =	sadd.s32 @!p0 s4, s11;
	s2 =	simm.s32 @!p0 $0x0;
	[tilespmem:s6+$0x16000] =	vst v0;
	s6 =	simm.s32 @!p0 $0xE000  }
0x1e4: {  	[tilespmem:s6], [sflag:$0x8] =	stream.linear.gather @!p0 [hbm4b:s0+s2], $0x2000, $0x38;
	[tilespmem:$0x1C000] =	vst v63  }
0x1e5: {  	s7 =	sadd.s32 s1, s22;
	s8 =	simm.s32 $0x16000;
	s2 =	simm.s32 $0x0  }
0x1e6: {  	[hbm4b:s7+s2] =	stream.linear.scatter [tilespmem:s8], [sflag:$0xC], $0x2000, $0x38;
	[tilespmem:$0x1C000] =	vst v63  }
0x1e7: {  	_ =	swait.ge [sflag:s20], $0x2000  }
0x1e8: {  	[sflag:s20] =	ssyncset.done $0x0  }
0x1e9: {  	[sflag:s20] =	ssyncadd.s32 $0xFFFFE000  }
0x1ea: {  	s7 =	simm.s32 $0x0;
	_ =	swait.ge [sflag:s25], $0x2000  }
0x1eb: {  	s12 =	sand.u32 $0x1C00, s2;
	s9 =	sand.u32 $0x70, s7;
	[sflag:s25] =	ssyncset.done $0x0  }
0x1ec: {  	s15 =	sor.u32 s9, s12;
	[sflag:s25] =	ssyncadd.s32 $0xFFFFE000  }
0x1ed: {  	v0 =	vld [tilespmem:s15+$0x10000]  }
0x1ee: {  	v1 =	vld [tilespmem:s15+$0x2000]  }
0x1ef: {  	v2 =	vld [tilespmem:s15+$0x10080]  }
0x1f0: {  	v3 =	vld [tilespmem:s15+$0x2080]  }
0x1f1: {  	v4 =	vld [tilespmem:s15+$0x10100]  }
0x1f2: {  	v5 =	vld [tilespmem:s15+$0x2100]  }
0x1f3: {  	v6 =	vld [tilespmem:s15+$0x10180]  }
0x1f4: {  	v7 =	vld [tilespmem:s15+$0x2180]  }
0x1f5: {  	v8 =	vld [tilespmem:s15+$0x10200]  }
0x1f6: {  	v9 =	vld [tilespmem:s15+$0x2200]  }
0x1f7: {  	v10 =	vld [tilespmem:s15+$0x10280]  }
0x1f8: {  	s6 =	simm.s32 $0x10;
	s8 =	simm.s32 $0x80;
	v11 =	vld [tilespmem:s15+$0x2280]  }
0x1f9: {  	s16 =	sand.u32 $0x70, s6;
	s12 =	sand.u32 $0x1C00, s8;
	v12 =	vld [tilespmem:s15+$0x10300];
	v1 =	vadd.f32 v1, v0  }
0x1fa: {  	s0 =	sor.u32 s16, s12;
	v13 =	vld [tilespmem:s15+$0x2300];
	v2 =	vadd.f32 v3, v2  }
0x1fb: {  	v0 =	vld [tilespmem:s0+$0x10000];
	v3 =	vadd.f32 v5, v4;
	[tilespmem:s15+$0x18000] =	vst v1  }
0x1fc: {  	v5 =	vadd.f32 v7, v6;
	v4 =	vld [tilespmem:s0+$0x2080];
	[tilespmem:s15+$0x18080] =	vst v2  }
0x1fd: {  	v6 =	vadd.f32 v9, v8;
	v7 =	vadd.f32 v11, v10;
	v10 =	vld [tilespmem:s0+$0x2180];
	[tilespmem:s15+$0x18100] =	vst v3  }
0x1fe: {  	v11 =	vld [tilespmem:s0+$0x2200];
	[tilespmem:s15+$0x18180] =	vst v5  }
0x1ff: {  	v8 =	vadd.f32 v13, v12;
	v1 =	vld [tilespmem:s0+$0x2000];
	[tilespmem:s15+$0x18200] =	vst v6  }
0x200: {  	s2 =	sor.u32 s2, s7;
	v2 =	vld [tilespmem:s0+$0x10080];
	[tilespmem:s15+$0x18280] =	vst v7  }
0x201: {  	s2 =	sor.u32 $0x380, s2;
	v3 =	vld [tilespmem:s0+$0x10100];
	[tilespmem:s15+$0x18300] =	vst v8  }
0x202: {  	v9 =	vld [tilespmem:s2+$0x10000]  }
0x203: {  	v12 =	vld [tilespmem:s2+$0x2000]  }
0x204: {  	v5 =	vld [tilespmem:s0+$0x2100]  }
0x205: {  	v6 =	vld [tilespmem:s0+$0x10180]  }
0x206: {  	v7 =	vld [tilespmem:s0+$0x10200]  }
0x207: {  	s28 =	simm.s32 $0x80;
	s9 =	simm.s32 $0x10;
	v8 =	vld [tilespmem:s0+$0x10280]  }
.LBB2_15:
0x208: {  	s6 =	sadd.s32 $0x10, s6;
	v13 =	vld [tilespmem:s0+$0x2280];
	s8 =	sadd.s32 $0x80, s8;
	v9 =	vadd.f32 v12, v9  }
0x209: {  	v1 =	vadd.f32 v1, v0;
	s7 =	sand.u32 $0x70, s6;
	s12 =	sand.u32 $0x1C00, s8;
	p1 =	slt.u32 s6, $0x3F0;
	v12 =	vld [tilespmem:s0+$0x10300]  }
0x20a: {  	v2 =	vadd.f32 v4, v2;
	s7 =	sor.u32 s7, s12;
	v14 =	vld [tilespmem:s0+$0x2300];
	[tilespmem:s2+$0x18000] =	vst v9  }
0x20b: {  	v3 =	vadd.f32 v5, v3;
	v0 =	vld [tilespmem:s7+$0x10000];
	[tilespmem:s0+$0x18000] =	vst v1  }
0x20c: {  	v5 =	vadd.f32 v10, v6;
	v1 =	vld [tilespmem:s7+$0x2000];
	[tilespmem:s0+$0x18080] =	vst v2  }
0x20d: {  	v6 =	vadd.f32 v11, v7;
	v2 =	vld [tilespmem:s7+$0x10080];
	[tilespmem:s0+$0x18100] =	vst v3  }
0x20e: {  	v7 =	vadd.f32 v13, v8;
	v4 =	vld [tilespmem:s7+$0x2080];
	[tilespmem:s0+$0x18180] =	vst v5  }
0x20f: {  	v3 =	vld [tilespmem:s7+$0x10100];
	[tilespmem:s0+$0x18200] =	vst v6;
	v8 =	vadd.f32 v14, v12  }
0x210: {  	s2 =	sor.u32 s28, s9;
	s9 =	smov.u32 s6;
	s28 =	smov.u32 s8;
	v5 =	vld [tilespmem:s7+$0x2100];
	[tilespmem:s0+$0x18280] =	vst v7  }
0x211: {  	s2 =	sor.u32 $0x380, s2;
	v6 =	vld [tilespmem:s7+$0x10180];
	[tilespmem:s0+$0x18300] =	vst v8;
	s0 =	smov.u32 s7  }
0x212: {  	v9 =	vld [tilespmem:s2+$0x10000]  }
.Ltmp8:
0x213: {  	v12 =	vld [tilespmem:s2+$0x2000];
	(pc) =	sbr.rel @p1 .LBB2_15-.Ltmp8, $4  }
0x214: {  	v10 =	vld [tilespmem:s0+$0x2180]  }
0x215: {  	v7 =	vld [tilespmem:s0+$0x10200]  }
0x216: {  	v11 =	vld [tilespmem:s0+$0x2200]  }
0x217: {  	v8 =	vld [tilespmem:s0+$0x10280]  }
0x218: {  	v13 =	vld [tilespmem:s0+$0x2280]  }
0x219: {  	v0 =	vadd.f32 v1, v0;
	v1 =	vld [tilespmem:s0+$0x10300]  }
0x21a: {  	v2 =	vadd.f32 v4, v2;
	v4 =	vld [tilespmem:s0+$0x2300]  }
0x21b: {  	[tilespmem:s0+$0x18000] =	vst v0;
	v0 =	vadd.f32 v5, v3  }
0x21c: {  	[tilespmem:s0+$0x18080] =	vst v2;
	v2 =	vadd.f32 v10, v6  }
0x21d: {  	[tilespmem:s0+$0x18100] =	vst v0;
	v0 =	vadd.f32 v11, v7  }
0x21e: {  	[tilespmem:s0+$0x18180] =	vst v2;
	v2 =	vadd.f32 v13, v8  }
0x21f: {  	[tilespmem:s0+$0x18200] =	vst v0;
	v0 =	vadd.f32 v4, v1  }
0x220: {  	s6 =	sor.u32 s28, s9;
	[tilespmem:s0+$0x18280] =	vst v2  }
0x221: {  	s7 =	sor.u32 $0x380, s6;
	[tilespmem:s0+$0x18300] =	vst v0  }
0x222: {  	v0 =	vld [tilespmem:s7+$0x10000]  }
0x223: {  	v1 =	vld [tilespmem:s7+$0x2000];
	_ =	sdelay $0x3  }
0x224: {  	v2 =	vadd.f32 v12, v9  }
0x225: {  	v0 =	vadd.f32 v1, v0  }
0x226: {  	[tilespmem:s2+$0x18000] =	vst v2  }
0x227: {  	s0 =	sadd.s32 @!p0 s4, s13;
	s4 =	simm.s32 @!p0 $0x10000;
	s2 =	simm.s32 @!p0 $0x0;
	[tilespmem:s7+$0x18000] =	vst v0  }
0x228: {  	[tilespmem:s4], [sflag:$0x9] =	stream.linear.gather @!p0 [hbm4b:s0+s2], $0x2000, $0x38;
	[tilespmem:$0x1C000] =	vst v63  }
0x229: {  	s8 =	sadd.s32 s1, s23;
	s9 =	simm.s32 $0x18000;
	s2 =	simm.s32 $0x0  }
0x22a: {  	[hbm4b:s8+s2] =	stream.linear.scatter [tilespmem:s9], [sflag:$0xD], $0x2000, $0x38;
	[tilespmem:$0x1C000] =	vst v63  }
0x22b: {  	_ =	swait.ge [sflag:s10], $0x2000  }
0x22c: {  	[sflag:s10] =	ssyncset.done $0x0  }
0x22d: {  	[sflag:s10] =	ssyncadd.s32 $0xFFFFE000  }
0x22e: {  	s7 =	simm.s32 $0x0;
	_ =	swait.ge [sflag:s26], $0x2000  }
0x22f: {  	s12 =	sand.u32 $0x70, s7;
	s15 =	sand.u32 $0x1C00, s2;
	[sflag:s26] =	ssyncset.done $0x0  }
0x230: {  	s8 =	sor.u32 s12, s15;
	[sflag:s26] =	ssyncadd.s32 $0xFFFFE000  }
0x231: {  	v0 =	vld [tilespmem:s8+$0x12000]  }
0x232: {  	v1 =	vld [tilespmem:s8+$0x2000]  }
0x233: {  	v2 =	vld [tilespmem:s8+$0x12080]  }
0x234: {  	v3 =	vld [tilespmem:s8+$0x2080]  }
0x235: {  	v4 =	vld [tilespmem:s8+$0x12100]  }
0x236: {  	v5 =	vld [tilespmem:s8+$0x2100]  }
0x237: {  	v6 =	vld [tilespmem:s8+$0x12180]  }
0x238: {  	v7 =	vld [tilespmem:s8+$0x2180]  }
0x239: {  	v8 =	vld [tilespmem:s8+$0x12200]  }
0x23a: {  	v9 =	vld [tilespmem:s8+$0x2200]  }
0x23b: {  	v10 =	vld [tilespmem:s8+$0x12280]  }
0x23c: {  	s6 =	simm.s32 $0x80;
	s4 =	simm.s32 $0x10;
	v11 =	vld [tilespmem:s8+$0x2280]  }
0x23d: {  	s28 =	sand.u32 $0x1C00, s6;
	s16 =	sand.u32 $0x70, s4;
	v12 =	vld [tilespmem:s8+$0x12300];
	v1 =	vadd.f32 v1, v0  }
0x23e: {  	s0 =	sor.u32 s16, s28;
	v13 =	vld [tilespmem:s8+$0x2300];
	v2 =	vadd.f32 v3, v2  }
0x23f: {  	v0 =	vld [tilespmem:s0+$0x12000];
	v3 =	vadd.f32 v5, v4;
	[tilespmem:s8+$0x1A000] =	vst v1  }
0x240: {  	v5 =	vadd.f32 v7, v6;
	v4 =	vld [tilespmem:s0+$0x2080];
	[tilespmem:s8+$0x1A080] =	vst v2  }
0x241: {  	v6 =	vadd.f32 v9, v8;
	v7 =	vadd.f32 v11, v10;
	v10 =	vld [tilespmem:s0+$0x2180];
	[tilespmem:s8+$0x1A100] =	vst v3  }
0x242: {  	v11 =	vld [tilespmem:s0+$0x2200];
	[tilespmem:s8+$0x1A180] =	vst v5  }
0x243: {  	v8 =	vadd.f32 v13, v12;
	v1 =	vld [tilespmem:s0+$0x2000];
	[tilespmem:s8+$0x1A200] =	vst v6  }
0x244: {  	s2 =	sor.u32 s2, s7;
	v2 =	vld [tilespmem:s0+$0x12080];
	[tilespmem:s8+$0x1A280] =	vst v7  }
0x245: {  	s2 =	sor.u32 $0x380, s2;
	v3 =	vld [tilespmem:s0+$0x12100];
	[tilespmem:s8+$0x1A300] =	vst v8  }
0x246: {  	v9 =	vld [tilespmem:s2+$0x12000]  }
0x247: {  	v12 =	vld [tilespmem:s2+$0x2000]  }
0x248: {  	v5 =	vld [tilespmem:s0+$0x2100]  }
0x249: {  	v6 =	vld [tilespmem:s0+$0x12180]  }
0x24a: {  	v7 =	vld [tilespmem:s0+$0x12200]  }
0x24b: {  	s9 =	simm.s32 $0x80;
	v8 =	vld [tilespmem:s0+$0x12280];
	s8 =	simm.s32 $0x10  }
.LBB2_17:
0x24c: {  	s4 =	sadd.s32 $0x10, s4;
	v13 =	vld [tilespmem:s0+$0x2280];
	s6 =	sadd.s32 $0x80, s6;
	v9 =	vadd.f32 v12, v9  }
0x24d: {  	v1 =	vadd.f32 v1, v0;
	s7 =	sand.u32 $0x70, s4;
	s12 =	sand.u32 $0x1C00, s6;
	p1 =	slt.u32 s4, $0x3F0;
	v12 =	vld [tilespmem:s0+$0x12300]  }
0x24e: {  	v2 =	vadd.f32 v4, v2;
	s7 =	sor.u32 s7, s12;
	v14 =	vld [tilespmem:s0+$0x2300];
	[tilespmem:s2+$0x1A000] =	vst v9  }
0x24f: {  	v3 =	vadd.f32 v5, v3;
	v0 =	vld [tilespmem:s7+$0x12000];
	[tilespmem:s0+$0x1A000] =	vst v1  }
0x250: {  	v5 =	vadd.f32 v10, v6;
	v1 =	vld [tilespmem:s7+$0x2000];
	[tilespmem:s0+$0x1A080] =	vst v2  }
0x251: {  	v6 =	vadd.f32 v11, v7;
	v2 =	vld [tilespmem:s7+$0x12080];
	[tilespmem:s0+$0x1A100] =	vst v3  }
0x252: {  	v7 =	vadd.f32 v13, v8;
	v4 =	vld [tilespmem:s7+$0x2080];
	[tilespmem:s0+$0x1A180] =	vst v5  }
0x253: {  	v3 =	vld [tilespmem:s7+$0x12100];
	[tilespmem:s0+$0x1A200] =	vst v6;
	v8 =	vadd.f32 v14, v12  }
0x254: {  	s2 =	sor.u32 s9, s8;
	s8 =	smov.u32 s4;
	s9 =	smov.u32 s6;
	v5 =	vld [tilespmem:s7+$0x2100];
	[tilespmem:s0+$0x1A280] =	vst v7  }
0x255: {  	s2 =	sor.u32 $0x380, s2;
	v6 =	vld [tilespmem:s7+$0x12180];
	[tilespmem:s0+$0x1A300] =	vst v8;
	s0 =	smov.u32 s7  }
0x256: {  	v9 =	vld [tilespmem:s2+$0x12000]  }
.Ltmp9:
0x257: {  	v12 =	vld [tilespmem:s2+$0x2000];
	(pc) =	sbr.rel @p1 .LBB2_17-.Ltmp9, $4  }
0x258: {  	v10 =	vld [tilespmem:s0+$0x2180]  }
0x259: {  	v7 =	vld [tilespmem:s0+$0x12200]  }
0x25a: {  	v11 =	vld [tilespmem:s0+$0x2200]  }
0x25b: {  	v8 =	vld [tilespmem:s0+$0x12280]  }
0x25c: {  	v13 =	vld [tilespmem:s0+$0x2280]  }
0x25d: {  	v0 =	vadd.f32 v1, v0;
	v55 =	vld [tilespmem:s0+$0x12300]  }
0x25e: {  	v2 =	vadd.f32 v4, v2;
	v56 =	vld [tilespmem:s0+$0x2300]  }
0x25f: {  	v57 =	vadd.f32 v5, v3;
	[tilespmem:s0+$0x1A000] =	vst v0  }
0x260: {  	v58 =	vadd.f32 v10, v6;
	[tilespmem:s0+$0x1A080] =	vst v2  }
0x261: {  	[tilespmem:s0+$0x1A100] =	vst v57;
	v59 =	vadd.f32 v11, v7  }
0x262: {  	[tilespmem:s0+$0x1A180] =	vst v58;
	v60 =	vadd.f32 v13, v8  }
0x263: {  	[tilespmem:s0+$0x1A200] =	vst v59;
	v61 =	vadd.f32 v56, v55  }
0x264: {  	s4 =	sor.u32 s9, s8;
	[tilespmem:s0+$0x1A280] =	vst v60  }
0x265: {  	s28 =	sor.u32 $0x380, s4;
	[tilespmem:s0+$0x1A300] =	vst v61  }
0x266: {  	v0 =	vld [tilespmem:s28+$0x12000]  }
0x267: {  	v62 =	vld [tilespmem:s28+$0x2000];
	_ =	sdelay $0x2  }
.Ltmp10:
0x268: {  	_ = 	snop;
	(pc) =	sbr.rel @p0 .LBB2_20-.Ltmp10, $4  }
0x269: {  	v63 =	vadd.f32 v12, v9  }
0x26a: {  	v0 =	vadd.f32 v62, v0  }
0x26b: {  	[tilespmem:s2+$0x1A000] =	vst v63  }
0x26c: {  	s0 =	sadd.s32 s1, s24;
	[tilespmem:s28+$0x1A000] =	vst v0  }
0x26d: {  	s1 =	sadd.s32 s21, s3  }
0x26e: {  	s1 =	sshll.u32 s1, $0xA  }
0x26f: {  	s12 =	simm.s32 $0x12000;
	s2 =	sadd.s32 s1, s14  }
0x270: {  	[tilespmem:s12], [sflag:$0xA] =	stream.linear.gather [hbm4b:s2+s5], $0x2000, $0x38;
	[tilespmem:$0x1C000] =	vst v63  }
.Ltmp11:
0x271: {  	_ = 	snop;
	(pc) =	sbr.rel .LBB2_2-.Ltmp11, $4  }
0x272: {  	s15 =	simm.s32 $0x1A000;
	s16 =	rddreg [dreg:$0x1]  }
0x273: {  	[hbm4b:s0+s5] =	stream.linear.scatter [tilespmem:s15], [sflag:$0xE], $0x2000, $0x38;
	[tilespmem:$0x1C000] =	vst v63  }
0x274: {  	s28 =	simm.s32 $0x2000;
	s29 =	sadd.s32 $0x1, s29;
	s0 =	sadd.s32 s16, s1  }
0x275: {  	[tilespmem:s28], [sflag:$0x2] =	stream.linear.gather [hbm4b:s0+s5], $0x2000, $0x38;
	[tilespmem:$0x1C000] =	vst v63  }
.LBB2_21:
0x276: {  	_ =	sfence.sel $0x180000  }
0x277: {  	[bflag:$0x0] =	sbarrier.arrive $0xFFFF  }
0x278: {  	_ =	strace $0x90000047  }
0x279: {  	s0 =	stileid.u32;
	[bflag:$0x2] =	sbarrier.arrive $0xFFFF  }
0x27a: {  	p0 =	sne.s32 s0, $0x0;
	s0 =	rddreg [dreg:$0x3]  }
0x27b: {  	s0 =	sadd.s32 @!p0 $0x100000, s0  }
0x27c: {  	[sflag:s0] =	ssyncadd.tile.s32 @!p0 $0x1;
	_ =	shalt  }
.Lfunc_end2:
_tile_overlayer_lowered:
.L_overlay_start_2:
0x27d: {  	(tag) =	ssettag $0x2  }
0x27e: {  	s0 =	rddreg [dreg:$0x0];
	s2 =	stileid.u32  }
0x27f: {  	s1 =	rddreg [dreg:$0x1];
	p0 =	sne.s32 s2, $0x0  }
0x280: {  	s3 =	rddreg [dreg:$0x2];
	[bflag:$0x3] =	sbarrier.arrive $0xFFFF;
	s2 =	simm.s32 @!p0 $0x1C0F  }
0x281: {  	[timem:s3], [sflag:s2] =	dma.local @!p0 [hbm:s0], s1  }
0x282: {  	s0 =	simm.s32 @!p0 $0xF  }
0x283: {  	_ =	swait.ge @!p0 [sflag:s0], s1  }
0x284: {  	s1 =	ssub.s32 @!p0 $0x0, s1;
	[sflag:s0] =	ssyncset.done @!p0 $0x0  }
0x285: {  	[sflag:s0] =	ssyncadd.s32 @!p0 s1  }
0x286: {  	[bflag:$0x3] =	sbarrier.arrive $0xFFFF  }
0x287: {  	_ =	shalt  }

</sc_bundles>
